<compile_context>
chip_gen: v7x
topology: tpu7x:2x2x1
jax: 0.10.2.dev20260603
libtpu: 0.0.44.dev20260713+nightly
codegen_flags: <defaults>
</compile_context>

<pallas_src>
import functools

import jax
import jax.numpy as jnp
from jax import lax
from jax.experimental import pallas as pl
from jax.experimental.pallas import tpu as pltpu
from jax.experimental.pallas import tpu_sc as plsc

_NC, _NS = 2, 16
_NW = _NC * _NS
_CHUNK = 64
_NBUF = 12


def _c_body(tok_ref, pos_ref, c_ref):
    pos = pos_ref[...]
    V = tok_ref.shape[0]
    S = pos.shape[0]
    for v in range(V):
        c_ref[pl.ds(v * S, S), :] = pos + tok_ref[v][None]


def _build_c(token_emb, pos_emb):
    V, D = token_emb.shape
    S = pos_emb.shape[0]
    return pl.pallas_call(
        _c_body,
        out_shape=jax.ShapeDtypeStruct((V * S, D), jnp.float32),
    )(token_emb, pos_emb)


def _sc_body(b_per_w, x_hbm, c_hbm, out_hbm, x_v, c_sh, *slots):
    rows = slots[:_NBUF]
    gsems = slots[_NBUF:2 * _NBUF]
    wsems = slots[2 * _NBUF:]

    S = x_hbm.shape[1]
    n_chunks = b_per_w * S // _CHUNK
    per_row = S // _CHUNK

    wid = lax.axis_index("s") * _NC + lax.axis_index("c")
    base_b = wid * b_per_w

    sid = lax.axis_index("s")
    tab_per_sub = c_hbm.shape[0] // _NS
    tab_src = c_hbm.at[pl.ds(sid * tab_per_sub, tab_per_sub)]
    tab_dst = c_sh.at[pl.ds(sid * tab_per_sub, tab_per_sub)]
    pltpu.async_copy(tab_src, tab_dst, gsems[0])
    pltpu.async_copy(x_hbm.at[pl.ds(base_b, b_per_w)], x_v, gsems[1])
    pltpu.make_async_copy(tab_src, tab_dst, gsems[0]).wait()
    pltpu.make_async_copy(x_hbm.at[pl.ds(base_b, b_per_w)], x_v,
                          gsems[1]).wait()
    plsc.subcore_barrier()

    iota = lax.iota(jnp.int32, 16)
    base = base_b * S

    def compute_idx(c):
        r = lax.div(c, per_row)
        s0 = lax.rem(c, per_row) * _CHUNK
        for k in range(_CHUNK // 16):
            sl = pl.ds(s0 + k * 16, 16)
            x_v[r, sl] = x_v[r, sl] * S + (iota + s0 + k * 16)

    def idx_view(c):
        return x_v.at[lax.div(c, per_row), pl.ds(lax.rem(c, per_row) * _CHUNK,
                                                 _CHUNK)]

    def start_g(i, c):
        pltpu.async_copy(c_sh.at[idx_view(c)], rows[i], gsems[i])

    def wait_g(i, c):
        pltpu.make_async_copy(c_sh.at[idx_view(c)], rows[i], gsems[i]).wait()

    def start_w(i, c):
        pltpu.async_copy(rows[i], out_hbm.at[pl.ds(base + c * _CHUNK, _CHUNK)],
                         wsems[i])

    def wait_w(i, c):
        pltpu.make_async_copy(rows[i],
                              out_hbm.at[pl.ds(base + c * _CHUNK, _CHUNK)],
                              wsems[i]).wait()

    n_iters = n_chunks // _NBUF

    def round_body(rr, carry):
        c0 = rr * _NBUF
        for i in range(_NBUF):
            c = c0 + i
            compute_idx(c)

            @pl.when(rr > 0)
            def _drain():
                wait_w(i, c)

            start_g(i, c)
        for i in range(_NBUF):
            c = c0 + i
            wait_g(i, c)
            start_w(i, c)
        return carry

    lax.fori_loop(0, n_iters, round_body, 0)
    for j, c in enumerate(range(n_iters * _NBUF, n_chunks)):
        compute_idx(c)
        wait_w(j, c)
        start_g(j, c)
        wait_g(j, c)
        start_w(j, c)
    for i in range(_NBUF):
        wait_w(i, 0)


def kernel(x, token_emb, pos_emb):
    x = x.astype(jnp.int32)
    B, S = x.shape
    V, D = token_emb.shape
    c_tab = _build_c(token_emb, pos_emb)

    b_per_w = B // _NW

    mesh = plsc.VectorSubcoreMesh(core_axis_name="c", subcore_axis_name="s",
                                  num_cores=_NC, num_subcores=_NS)
    body = functools.partial(_sc_body, b_per_w)
    out = pl.kernel(
        body,
        out_type=jax.ShapeDtypeStruct((B * S, D), jnp.float32),
        mesh=mesh,
        scratch_types=[
            pltpu.VMEM((b_per_w, S), jnp.int32),
            pltpu.VMEM_SHARED((V * S, D), jnp.float32),
        ] + [pltpu.VMEM((_CHUNK, D), jnp.float32)] * _NBUF
          + [pltpu.SemaphoreType.DMA] * (2 * _NBUF),
    )(x, c_tab)
    return out.reshape(B, S, D)

# --- scband reference (transcript-rebuilt; emitter-appended) ---
"""Pipeline reference for scband-embeddings-63024350101552 (READ-ONLY COPY).

The authoritative reference and input builder live on the scoring server;
editing this copy changes nothing except your own understanding.
"""

import jax, jax.numpy as jnp
import numpy as np

VOCAB_SIZE = 9
MAX_SEQ_LENGTH = 128
D_MODEL = 128
BATCH = 4096
SEQ = 128

def setup_inputs(seed: int = 0) -> dict:
    key = jax.random.key(seed)
    k1, k2, k3 = jax.random.split(key, 3)
    x = jax.random.randint(k1, (BATCH, SEQ), 0, VOCAB_SIZE, dtype=jnp.int64 if jax.config.jax_enable_x64 else jnp.int32)
    token_emb = jax.random.normal(k2, (VOCAB_SIZE, D_MODEL), dtype=jnp.float32)
    pos_emb = jax.random.normal(k3, (MAX_SEQ_LENGTH, D_MODEL), dtype=jnp.float32)
    return {"x": x, "token_emb": token_emb, "pos_emb": pos_emb}

def reference(x, token_emb, pos_emb):
    # token embedding lookup
    tok = jnp.take(token_emb, x, axis=0)            # [B, S, D]
    # position embedding lookup (positions = arange(S), broadcast over batch)
    positions = jnp.arange(x.shape[1])
    pos = jnp.take(pos_emb, positions, axis=0)[None, :, :]  # [1, S, D]
    # dropout is identity in eval mode
    return tok + pos

if __name__ == "__main__":
    import jax
    _d = setup_inputs()
    print(jax.jit(kernel)(*tuple(_d.values())))

</pallas_src>

<mosaic_0001>
#map = affine_map<(d0, d1) -> (0, 0)>
module attributes {stable_mosaic.version = 14 : i64} {
  func.func @_sc_body(%arg0: i32, %arg1: i32, %arg2: memref<4096x128xi32, #tpu.memory_space<hbm>>, %arg3: memref<1152x128xf32, #tpu.memory_space<hbm>>, %arg4: memref<524288x128xf32, #tpu.memory_space<hbm>>, %arg5: memref<128x128xi32, #tpu.memory_space<vmem>>, %arg6: memref<1152x128xf32, #tpu.memory_space<vmem_shared>>, %arg7: memref<64x128xf32, #tpu.memory_space<vmem>>, %arg8: memref<64x128xf32, #tpu.memory_space<vmem>>, %arg9: memref<64x128xf32, #tpu.memory_space<vmem>>, %arg10: memref<64x128xf32, #tpu.memory_space<vmem>>, %arg11: memref<64x128xf32, #tpu.memory_space<vmem>>, %arg12: memref<64x128xf32, #tpu.memory_space<vmem>>, %arg13: memref<64x128xf32, #tpu.memory_space<vmem>>, %arg14: memref<64x128xf32, #tpu.memory_space<vmem>>, %arg15: memref<64x128xf32, #tpu.memory_space<vmem>>, %arg16: memref<64x128xf32, #tpu.memory_space<vmem>>, %arg17: memref<64x128xf32, #tpu.memory_space<vmem>>, %arg18: memref<64x128xf32, #tpu.memory_space<vmem>>, %arg19: memref<!tpu.dma_semaphore, #tpu.memory_space<semaphore_mem>>, %arg20: memref<!tpu.dma_semaphore, #tpu.memory_space<semaphore_mem>>, %arg21: memref<!tpu.dma_semaphore, #tpu.memory_space<semaphore_mem>>, %arg22: memref<!tpu.dma_semaphore, #tpu.memory_space<semaphore_mem>>, %arg23: memref<!tpu.dma_semaphore, #tpu.memory_space<semaphore_mem>>, %arg24: memref<!tpu.dma_semaphore, #tpu.memory_space<semaphore_mem>>, %arg25: memref<!tpu.dma_semaphore, #tpu.memory_space<semaphore_mem>>, %arg26: memref<!tpu.dma_semaphore, #tpu.memory_space<semaphore_mem>>, %arg27: memref<!tpu.dma_semaphore, #tpu.memory_space<semaphore_mem>>, %arg28: memref<!tpu.dma_semaphore, #tpu.memory_space<semaphore_mem>>, %arg29: memref<!tpu.dma_semaphore, #tpu.memory_space<semaphore_mem>>, %arg30: memref<!tpu.dma_semaphore, #tpu.memory_space<semaphore_mem>>, %arg31: memref<!tpu.dma_semaphore, #tpu.memory_space<semaphore_mem>>, %arg32: memref<!tpu.dma_semaphore, #tpu.memory_space<semaphore_mem>>, %arg33: memref<!tpu.dma_semaphore, #tpu.memory_space<semaphore_mem>>, %arg34: memref<!tpu.dma_semaphore, #tpu.memory_space<semaphore_mem>>, %arg35: memref<!tpu.dma_semaphore, #tpu.memory_space<semaphore_mem>>, %arg36: memref<!tpu.dma_semaphore, #tpu.memory_space<semaphore_mem>>, %arg37: memref<!tpu.dma_semaphore, #tpu.memory_space<semaphore_mem>>, %arg38: memref<!tpu.dma_semaphore, #tpu.memory_space<semaphore_mem>>, %arg39: memref<!tpu.dma_semaphore, #tpu.memory_space<semaphore_mem>>, %arg40: memref<!tpu.dma_semaphore, #tpu.memory_space<semaphore_mem>>, %arg41: memref<!tpu.dma_semaphore, #tpu.memory_space<semaphore_mem>>, %arg42: memref<!tpu.dma_semaphore, #tpu.memory_space<semaphore_mem>>) attributes {dimension_semantics = [#tpu.dimension_semantics<core_parallel>, #tpu.dimension_semantics<subcore_parallel>], iteration_bounds = array<i64: 2, 16>, scalar_prefetch = 0 : i64, scratch_operands = 38 : i64, tpu.core_type = #tpu.core_type<sc_vector_subcore>, window_params = [{transform_indices = #map}, {transform_indices = #map}, {transform_indices = #map}]} {
    %mul3A = arith.constant 2 : i32
    %mul3A_0 = arith.muli %arg1, %mul3A : i32
    %add3A = arith.addi %mul3A_0, %arg0 : i32
    %mul3A_1 = arith.constant 128 : i32
    %mul3A_2 = arith.muli %add3A, %mul3A_1 : i32
    %mul3A_3 = arith.constant 72 : i32
    %mul3A_4 = arith.muli %arg1, %mul3A_3 : i32
    %mul3A_5 = arith.constant 72 : i32
    %mul3A_6 = arith.muli %arg1, %mul3A_5 : i32
    %dma_start3A = arith.constant 0 : i32
    %dma_start3A_7 = tpu.memref_slice %arg6[%mul3A_6, %dma_start3A] : memref<1152x128xf32, #tpu.memory_space<vmem_shared>> -> memref<72x128xf32, #tpu.memory_space<vmem_shared>>
    %dma_start3A_8 = arith.constant 0 : i32
    %dma_start3A_9 = tpu.memref_slice %arg3[%mul3A_4, %dma_start3A_8] : memref<1152x128xf32, #tpu.memory_space<hbm>> -> memref<72x128xf32, #tpu.memory_space<hbm>>
    tpu.enqueue_dma source(%dma_start3A_9 : memref<72x128xf32, #tpu.memory_space<hbm>>) target(%dma_start3A_7 : memref<72x128xf32, #tpu.memory_space<vmem_shared>>) target_semaphore(%arg19 : memref<!tpu.dma_semaphore, #tpu.memory_space<semaphore_mem>>)
    %dma_start3A_10 = arith.constant 0 : i32
    %dma_start3A_11 = tpu.memref_slice %arg2[%mul3A_2, %dma_start3A_10] : memref<4096x128xi32, #tpu.memory_space<hbm>> -> memref<128x128xi32, #tpu.memory_space<hbm>>
    %dma_start3A_12 = arith.constant 0 : i32
    %dma_start3A_13 = tpu.memref_slice %arg2[%mul3A_2, %dma_start3A_12] : memref<4096x128xi32, #tpu.memory_space<hbm>> -> memref<128x128xi32, #tpu.memory_space<hbm>>
    tpu.enqueue_dma source(%dma_start3A_13 : memref<128x128xi32, #tpu.memory_space<hbm>>) target(%arg5 : memref<128x128xi32, #tpu.memory_space<vmem>>) target_semaphore(%arg20 : memref<!tpu.dma_semaphore, #tpu.memory_space<semaphore_mem>>)
    %dma_wait3A = arith.constant 0 : i32
    %dma_wait3A_14 = tpu.memref_slice %arg6[%mul3A_6, %dma_wait3A] : memref<1152x128xf32, #tpu.memory_space<vmem_shared>> -> memref<72x128xf32, #tpu.memory_space<vmem_shared>>
    %dma_wait3A_15 = arith.constant 0 : i32
    %dma_wait3A_16 = tpu.memref_slice %arg3[%mul3A_4, %dma_wait3A_15] : memref<1152x128xf32, #tpu.memory_space<hbm>> -> memref<72x128xf32, #tpu.memory_space<hbm>>
    tpu.wait_dma2 semaphore(%arg19 : memref<!tpu.dma_semaphore, #tpu.memory_space<semaphore_mem>>) src(%dma_wait3A_16 : memref<72x128xf32, #tpu.memory_space<hbm>>) dst(%dma_wait3A_14 : memref<72x128xf32, #tpu.memory_space<vmem_shared>>)
    %dma_wait3A_17 = arith.constant 0 : i32
    %dma_wait3A_18 = tpu.memref_slice %arg2[%mul3A_2, %dma_wait3A_17] : memref<4096x128xi32, #tpu.memory_space<hbm>> -> memref<128x128xi32, #tpu.memory_space<hbm>>
    %dma_wait3A_19 = arith.constant 0 : i32
    %dma_wait3A_20 = tpu.memref_slice %arg2[%mul3A_2, %dma_wait3A_19] : memref<4096x128xi32, #tpu.memory_space<hbm>> -> memref<128x128xi32, #tpu.memory_space<hbm>>
    tpu.wait_dma2 semaphore(%arg20 : memref<!tpu.dma_semaphore, #tpu.memory_space<semaphore_mem>>) src(%dma_wait3A_20 : memref<128x128xi32, #tpu.memory_space<hbm>>) dst(%arg5 : memref<128x128xi32, #tpu.memory_space<vmem>>)
    %barrier3A = arith.constant 0 : index
    tpu.barrier barrier_id(%barrier3A)
    %iota3A = tpu.iota {dimensions = array<i32: 0>} : vector<16xi32>
    %mul3A_21 = arith.constant 128 : i32
    %mul3A_22 = arith.muli %mul3A_2, %mul3A_21 : i32
    %scan3A = arith.constant 0 : i32
    %scan3A_23 = arith.constant 0 : i32
    %scan3A_24 = arith.constant 21 : i32
    %scan3A_25 = arith.addi %scan3A_23, %scan3A_24 : i32
    %scan3A_26 = arith.constant 1 : i32
    scf.for %scan3A_600 = %scan3A_23 to %scan3A_25 step %scan3A_26  : i32 {
      %mul3A_601 = arith.constant 12 : i32
      %mul3A_602 = arith.muli %scan3A_600, %mul3A_601 : i32
      %add3A_603 = arith.constant 0 : i32
      %add3A_604 = arith.addi %mul3A_602, %add3A_603 : i32
      %div3A_605 = arith.constant 2 : i32
      %div3A_606 = arith.divsi %add3A_604, %div3A_605 : i32
      %rem3A_607 = arith.constant 2 : i32
      %rem3A_608 = arith.remsi %add3A_604, %rem3A_607 : i32
      %mul3A_609 = arith.constant 64 : i32
      %mul3A_610 = arith.muli %rem3A_608, %mul3A_609 : i32
      %add3A_611 = arith.constant 0 : i32
      %add3A_612 = arith.addi %mul3A_610, %add3A_611 : i32
      %get3A_613 = arith.index_cast %div3A_606 : i32 to index
      %get3A_614 = arith.index_cast %add3A_612 : i32 to index
      %get3A_615 = tpu.vector_load %arg5[%get3A_613, %get3A_614] {strides = array<i32>} : memref<128x128xi32, #tpu.memory_space<vmem>>, vector<1x16xi32>,
      %get3A_616 = vector.shape_cast %get3A_615 : vector<1x16xi32> to vector<16xi32>
      %mul3A_617 = arith.constant 128 : i32
      %mul3A_618 = vector.broadcast %mul3A_617 : i32 to vector<16xi32>
      %mul3A_619 = arith.muli %get3A_616, %mul3A_618 : vector<16xi32>
      %add3A_620 = vector.broadcast %mul3A_610 : i32 to vector<16xi32>
      %add3A_621 = arith.addi %iota3A, %add3A_620 : vector<16xi32>
      %add3A_622 = arith.constant 0 : i32
      %add3A_623 = vector.broadcast %add3A_622 : i32 to vector<16xi32>
      %add3A_624 = arith.addi %add3A_621, %add3A_623 : vector<16xi32>
      %add3A_625 = arith.addi %mul3A_619, %add3A_624 : vector<16xi32>
      %swap3A_626 = arith.index_cast %div3A_606 : i32 to index
      %swap3A_627 = arith.index_cast %add3A_612 : i32 to index
      %swap3A_628 = tpu.vector_load %arg5[%swap3A_626, %swap3A_627] {strides = array<i32>} : memref<128x128xi32, #tpu.memory_space<vmem>>, vector<1x16xi32>,
      %swap3A_629 = vector.shape_cast %swap3A_628 : vector<1x16xi32> to vector<16xi32>
      %swap3A_630 = vector.shape_cast %add3A_625 : vector<16xi32> to vector<1x16xi32>
      tpu.vector_store %arg5[%swap3A_626, %swap3A_627], %swap3A_630 {strides = array<i32>} : memref<128x128xi32, #tpu.memory_space<vmem>>, vector<1x16xi32>,
      %add3A_631 = arith.constant 16 : i32
      %add3A_632 = arith.addi %mul3A_610, %add3A_631 : i32
      %get3A_633 = arith.index_cast %div3A_606 : i32 to index
      %get3A_634 = arith.index_cast %add3A_632 : i32 to index
      %get3A_635 = tpu.vector_load %arg5[%get3A_633, %get3A_634] {strides = array<i32>} : memref<128x128xi32, #tpu.memory_space<vmem>>, vector<1x16xi32>,
      %get3A_636 = vector.shape_cast %get3A_635 : vector<1x16xi32> to vector<16xi32>
      %mul3A_637 = arith.constant 128 : i32
      %mul3A_638 = vector.broadcast %mul3A_637 : i32 to vector<16xi32>
      %mul3A_639 = arith.muli %get3A_636, %mul3A_638 : vector<16xi32>
      %add3A_640 = vector.broadcast %mul3A_610 : i32 to vector<16xi32>
      %add3A_641 = arith.addi %iota3A, %add3A_640 : vector<16xi32>
      %add3A_642 = arith.constant 16 : i32
      %add3A_643 = vector.broadcast %add3A_642 : i32 to vector<16xi32>
      %add3A_644 = arith.addi %add3A_641, %add3A_643 : vector<16xi32>
      %add3A_645 = arith.addi %mul3A_639, %add3A_644 : vector<16xi32>
      %swap3A_646 = arith.index_cast %div3A_606 : i32 to index
      %swap3A_647 = arith.index_cast %add3A_632 : i32 to index
      %swap3A_648 = tpu.vector_load %arg5[%swap3A_646, %swap3A_647] {strides = array<i32>} : memref<128x128xi32, #tpu.memory_space<vmem>>, vector<1x16xi32>,
      %swap3A_649 = vector.shape_cast %swap3A_648 : vector<1x16xi32> to vector<16xi32>
      %swap3A_650 = vector.shape_cast %add3A_645 : vector<16xi32> to vector<1x16xi32>
      tpu.vector_store %arg5[%swap3A_646, %swap3A_647], %swap3A_650 {strides = array<i32>} : memref<128x128xi32, #tpu.memory_space<vmem>>, vector<1x16xi32>,
      %add3A_651 = arith.constant 32 : i32
      %add3A_652 = arith.addi %mul3A_610, %add3A_651 : i32
      %get3A_653 = arith.index_cast %div3A_606 : i32 to index
      %get3A_654 = arith.index_cast %add3A_652 : i32 to index
      %get3A_655 = tpu.vector_load %arg5[%get3A_653, %get3A_654] {strides = array<i32>} : memref<128x128xi32, #tpu.memory_space<vmem>>, vector<1x16xi32>,
      %get3A_656 = vector.shape_cast %get3A_655 : vector<1x16xi32> to vector<16xi32>
      %mul3A_657 = arith.constant 128 : i32
      %mul3A_658 = vector.broadcast %mul3A_657 : i32 to vector<16xi32>
      %mul3A_659 = arith.muli %get3A_656, %mul3A_658 : vector<16xi32>
      %add3A_660 = vector.broadcast %mul3A_610 : i32 to vector<16xi32>
      %add3A_661 = arith.addi %iota3A, %add3A_660 : vector<16xi32>
      %add3A_662 = arith.constant 32 : i32
      %add3A_663 = vector.broadcast %add3A_662 : i32 to vector<16xi32>
      %add3A_664 = arith.addi %add3A_661, %add3A_663 : vector<16xi32>
      %add3A_665 = arith.addi %mul3A_659, %add3A_664 : vector<16xi32>
      %swap3A_666 = arith.index_cast %div3A_606 : i32 to index
      %swap3A_667 = arith.index_cast %add3A_652 : i32 to index
      %swap3A_668 = tpu.vector_load %arg5[%swap3A_666, %swap3A_667] {strides = array<i32>} : memref<128x128xi32, #tpu.memory_space<vmem>>, vector<1x16xi32>,
      %swap3A_669 = vector.shape_cast %swap3A_668 : vector<1x16xi32> to vector<16xi32>
      %swap3A_670 = vector.shape_cast %add3A_665 : vector<16xi32> to vector<1x16xi32>
      tpu.vector_store %arg5[%swap3A_666, %swap3A_667], %swap3A_670 {strides = array<i32>} : memref<128x128xi32, #tpu.memory_space<vmem>>, vector<1x16xi32>,
      %add3A_671 = arith.constant 48 : i32
      %add3A_672 = arith.addi %mul3A_610, %add3A_671 : i32
      %get3A_673 = arith.index_cast %div3A_606 : i32 to index
      %get3A_674 = arith.index_cast %add3A_672 : i32 to index
      %get3A_675 = tpu.vector_load %arg5[%get3A_673, %get3A_674] {strides = array<i32>} : memref<128x128xi32, #tpu.memory_space<vmem>>, vector<1x16xi32>,
      %get3A_676 = vector.shape_cast %get3A_675 : vector<1x16xi32> to vector<16xi32>
      %mul3A_677 = arith.constant 128 : i32
      %mul3A_678 = vector.broadcast %mul3A_677 : i32 to vector<16xi32>
      %mul3A_679 = arith.muli %get3A_676, %mul3A_678 : vector<16xi32>
      %add3A_680 = vector.broadcast %mul3A_610 : i32 to vector<16xi32>
      %add3A_681 = arith.addi %iota3A, %add3A_680 : vector<16xi32>
      %add3A_682 = arith.constant 48 : i32
      %add3A_683 = vector.broadcast %add3A_682 : i32 to vector<16xi32>
      %add3A_684 = arith.addi %add3A_681, %add3A_683 : vector<16xi32>
      %add3A_685 = arith.addi %mul3A_679, %add3A_684 : vector<16xi32>
      %swap3A_686 = arith.index_cast %div3A_606 : i32 to index
      %swap3A_687 = arith.index_cast %add3A_672 : i32 to index
      %swap3A_688 = tpu.vector_load %arg5[%swap3A_686, %swap3A_687] {strides = array<i32>} : memref<128x128xi32, #tpu.memory_space<vmem>>, vector<1x16xi32>,
      %swap3A_689 = vector.shape_cast %swap3A_688 : vector<1x16xi32> to vector<16xi32>
      %swap3A_690 = vector.shape_cast %add3A_685 : vector<16xi32> to vector<1x16xi32>
      tpu.vector_store %arg5[%swap3A_686, %swap3A_687], %swap3A_690 {strides = array<i32>} : memref<128x128xi32, #tpu.memory_space<vmem>>, vector<1x16xi32>,
      %gt3A = arith.constant 0 : i32
      %gt3A_691 = arith.cmpi sgt, %scan3A_600, %gt3A : i32
      %convert_element_type3A = arith.extui %gt3A_691 : i1 to i32
      %cond3A = arith.constant 0 : i32
      %cond3A_692 = arith.cmpi ne, %convert_element_type3A, %cond3A : i32
      scf.if %cond3A_692 {
        %mul3A_2088 = arith.constant 64 : i32
        %mul3A_2089 = arith.muli %add3A_604, %mul3A_2088 : i32
        %add3A_2090 = arith.addi %mul3A_22, %mul3A_2089 : i32
        %dma_wait3A_2091 = arith.constant 0 : i32
        %dma_wait3A_2092 = tpu.memref_slice %arg4[%add3A_2090, %dma_wait3A_2091] : memref<524288x128xf32, #tpu.memory_space<hbm>> -> memref<64x128xf32, #tpu.memory_space<hbm>>
        %dma_wait3A_2093 = arith.constant 0 : i32
        %dma_wait3A_2094 = tpu.memref_slice %arg4[%add3A_2090, %dma_wait3A_2093] : memref<524288x128xf32, #tpu.memory_space<hbm>> -> memref<64x128xf32, #tpu.memory_space<hbm>>
        tpu.wait_dma2 semaphore(%arg31 : memref<!tpu.dma_semaphore, #tpu.memory_space<semaphore_mem>>) src(%arg7 : memref<64x128xf32, #tpu.memory_space<vmem>>) dst(%dma_wait3A_2094 : memref<64x128xf32, #tpu.memory_space<hbm>>)
      } else {
      }
      %div3A_693 = arith.constant 2 : i32
      %div3A_694 = arith.divsi %add3A_604, %div3A_693 : i32
      %rem3A_695 = arith.constant 2 : i32
      %rem3A_696 = arith.remsi %add3A_604, %rem3A_695 : i32
      %mul3A_697 = arith.constant 64 : i32
      %mul3A_698 = arith.muli %rem3A_696, %mul3A_697 : i32
      %dma_start3A_699 = tpu.memref_slice %arg5[%div3A_694, %mul3A_698] : memref<128x128xi32, #tpu.memory_space<vmem>> -> memref<1x64xi32, #tpu.memory_space<vmem>>
      %dma_start3A_700 = tpu.memref_squeeze %dma_start3A_699 : memref<1x64xi32, #tpu.memory_space<vmem>> -> memref<64xi32, #tpu.memory_space<vmem>>
      %dma_start3A_701 = arith.constant 0 : i32
      %dma_start3A_702 = arith.constant 0 : i32
      %dma_start3A_703 = tpu.memref_slice %arg6[%dma_start3A_701, %dma_start3A_702] : memref<1152x128xf32, #tpu.memory_space<vmem_shared>> -> memref<1152x128xf32, #tpu.memory_space<vmem_shared>>
      tpu.enqueue_indirect_dma source(%dma_start3A_703 : memref<1152x128xf32, #tpu.memory_space<vmem_shared>>) target(%arg7 : memref<64x128xf32, #tpu.memory_space<vmem>>) offsets(%dma_start3A_700 : memref<64xi32, #tpu.memory_space<vmem>>) semaphore(%arg19 : memref<!tpu.dma_semaphore, #tpu.memory_space<semaphore_mem>>)
      %add3A_704 = arith.constant 1 : i32
      %add3A_705 = arith.addi %mul3A_602, %add3A_704 : i32
      %div3A_706 = arith.constant 2 : i32
      %div3A_707 = arith.divsi %add3A_705, %div3A_706 : i32
      %rem3A_708 = arith.constant 2 : i32
      %rem3A_709 = arith.remsi %add3A_705, %rem3A_708 : i32
      %mul3A_710 = arith.constant 64 : i32
      %mul3A_711 = arith.muli %rem3A_709, %mul3A_710 : i32
      %add3A_712 = arith.constant 0 : i32
      %add3A_713 = arith.addi %mul3A_711, %add3A_712 : i32
      %get3A_714 = arith.index_cast %div3A_707 : i32 to index
      %get3A_715 = arith.index_cast %add3A_713 : i32 to index
      %get3A_716 = tpu.vector_load %arg5[%get3A_714, %get3A_715] {strides = array<i32>} : memref<128x128xi32, #tpu.memory_space<vmem>>, vector<1x16xi32>,
      %get3A_717 = vector.shape_cast %get3A_716 : vector<1x16xi32> to vector<16xi32>
      %mul3A_718 = arith.constant 128 : i32
      %mul3A_719 = vector.broadcast %mul3A_718 : i32 to vector<16xi32>
      %mul3A_720 = arith.muli %get3A_717, %mul3A_719 : vector<16xi32>
      %add3A_721 = vector.broadcast %mul3A_711 : i32 to vector<16xi32>
      %add3A_722 = arith.addi %iota3A, %add3A_721 : vector<16xi32>
      %add3A_723 = arith.constant 0 : i32
      %add3A_724 = vector.broadcast %add3A_723 : i32 to vector<16xi32>
      %add3A_725 = arith.addi %add3A_722, %add3A_724 : vector<16xi32>
      %add3A_726 = arith.addi %mul3A_720, %add3A_725 : vector<16xi32>
      %swap3A_727 = arith.index_cast %div3A_707 : i32 to index
      %swap3A_728 = arith.index_cast %add3A_713 : i32 to index
      %swap3A_729 = tpu.vector_load %arg5[%swap3A_727, %swap3A_728] {strides = array<i32>} : memref<128x128xi32, #tpu.memory_space<vmem>>, vector<1x16xi32>,
      %swap3A_730 = vector.shape_cast %swap3A_729 : vector<1x16xi32> to vector<16xi32>
      %swap3A_731 = vector.shape_cast %add3A_726 : vector<16xi32> to vector<1x16xi32>
      tpu.vector_store %arg5[%swap3A_727, %swap3A_728], %swap3A_731 {strides = array<i32>} : memref<128x128xi32, #tpu.memory_space<vmem>>, vector<1x16xi32>,
      %add3A_732 = arith.constant 16 : i32
      %add3A_733 = arith.addi %mul3A_711, %add3A_732 : i32
      %get3A_734 = arith.index_cast %div3A_707 : i32 to index
      %get3A_735 = arith.index_cast %add3A_733 : i32 to index
      %get3A_736 = tpu.vector_load %arg5[%get3A_734, %get3A_735] {strides = array<i32>} : memref<128x128xi32, #tpu.memory_space<vmem>>, vector<1x16xi32>,
      %get3A_737 = vector.shape_cast %get3A_736 : vector<1x16xi32> to vector<16xi32>
      %mul3A_738 = arith.constant 128 : i32
      %mul3A_739 = vector.broadcast %mul3A_738 : i32 to vector<16xi32>
      %mul3A_740 = arith.muli %get3A_737, %mul3A_739 : vector<16xi32>
      %add3A_741 = vector.broadcast %mul3A_711 : i32 to vector<16xi32>
      %add3A_742 = arith.addi %iota3A, %add3A_741 : vector<16xi32>
      %add3A_743 = arith.constant 16 : i32
      %add3A_744 = vector.broadcast %add3A_743 : i32 to vector<16xi32>
      %add3A_745 = arith.addi %add3A_742, %add3A_744 : vector<16xi32>
      %add3A_746 = arith.addi %mul3A_740, %add3A_745 : vector<16xi32>
      %swap3A_747 = arith.index_cast %div3A_707 : i32 to index
      %swap3A_748 = arith.index_cast %add3A_733 : i32 to index
      %swap3A_749 = tpu.vector_load %arg5[%swap3A_747, %swap3A_748] {strides = array<i32>} : memref<128x128xi32, #tpu.memory_space<vmem>>, vector<1x16xi32>,
      %swap3A_750 = vector.shape_cast %swap3A_749 : vector<1x16xi32> to vector<16xi32>
      %swap3A_751 = vector.shape_cast %add3A_746 : vector<16xi32> to vector<1x16xi32>
      tpu.vector_store %arg5[%swap3A_747, %swap3A_748], %swap3A_751 {strides = array<i32>} : memref<128x128xi32, #tpu.memory_space<vmem>>, vector<1x16xi32>,
      %add3A_752 = arith.constant 32 : i32
      %add3A_753 = arith.addi %mul3A_711, %add3A_752 : i32
      %get3A_754 = arith.index_cast %div3A_707 : i32 to index
      %get3A_755 = arith.index_cast %add3A_753 : i32 to index
      %get3A_756 = tpu.vector_load %arg5[%get3A_754, %get3A_755] {strides = array<i32>} : memref<128x128xi32, #tpu.memory_space<vmem>>, vector<1x16xi32>,
      %get3A_757 = vector.shape_cast %get3A_756 : vector<1x16xi32> to vector<16xi32>
      %mul3A_758 = arith.constant 128 : i32
      %mul3A_759 = vector.broadcast %mul3A_758 : i32 to vector<16xi32>
      %mul3A_760 = arith.muli %get3A_757, %mul3A_759 : vector<16xi32>
      %add3A_761 = vector.broadcast %mul3A_711 : i32 to vector<16xi32>
      %add3A_762 = arith.addi %iota3A, %add3A_761 : vector<16xi32>
      %add3A_763 = arith.constant 32 : i32
      %add3A_764 = vector.broadcast %add3A_763 : i32 to vector<16xi32>
      %add3A_765 = arith.addi %add3A_762, %add3A_764 : vector<16xi32>
      %add3A_766 = arith.addi %mul3A_760, %add3A_765 : vector<16xi32>
      %swap3A_767 = arith.index_cast %div3A_707 : i32 to index
      %swap3A_768 = arith.index_cast %add3A_753 : i32 to index
      %swap3A_769 = tpu.vector_load %arg5[%swap3A_767, %swap3A_768] {strides = array<i32>} : memref<128x128xi32, #tpu.memory_space<vmem>>, vector<1x16xi32>,
      %swap3A_770 = vector.shape_cast %swap3A_769 : vector<1x16xi32> to vector<16xi32>
      %swap3A_771 = vector.shape_cast %add3A_766 : vector<16xi32> to vector<1x16xi32>
      tpu.vector_store %arg5[%swap3A_767, %swap3A_768], %swap3A_771 {strides = array<i32>} : memref<128x128xi32, #tpu.memory_space<vmem>>, vector<1x16xi32>,
      %add3A_772 = arith.constant 48 : i32
      %add3A_773 = arith.addi %mul3A_711, %add3A_772 : i32
      %get3A_774 = arith.index_cast %div3A_707 : i32 to index
      %get3A_775 = arith.index_cast %add3A_773 : i32 to index
      %get3A_776 = tpu.vector_load %arg5[%get3A_774, %get3A_775] {strides = array<i32>} : memref<128x128xi32, #tpu.memory_space<vmem>>, vector<1x16xi32>,
      %get3A_777 = vector.shape_cast %get3A_776 : vector<1x16xi32> to vector<16xi32>
      %mul3A_778 = arith.constant 128 : i32
      %mul3A_779 = vector.broadcast %mul3A_778 : i32 to vector<16xi32>
      %mul3A_780 = arith.muli %get3A_777, %mul3A_779 : vector<16xi32>
      %add3A_781 = vector.broadcast %mul3A_711 : i32 to vector<16xi32>
      %add3A_782 = arith.addi %iota3A, %add3A_781 : vector<16xi32>
      %add3A_783 = arith.constant 48 : i32
      %add3A_784 = vector.broadcast %add3A_783 : i32 to vector<16xi32>
      %add3A_785 = arith.addi %add3A_782, %add3A_784 : vector<16xi32>
      %add3A_786 = arith.addi %mul3A_780, %add3A_785 : vector<16xi32>
      %swap3A_787 = arith.index_cast %div3A_707 : i32 to index
      %swap3A_788 = arith.index_cast %add3A_773 : i32 to index
      %swap3A_789 = tpu.vector_load %arg5[%swap3A_787, %swap3A_788] {strides = array<i32>} : memref<128x128xi32, #tpu.memory_space<vmem>>, vector<1x16xi32>,
      %swap3A_790 = vector.shape_cast %swap3A_789 : vector<1x16xi32> to vector<16xi32>
      %swap3A_791 = vector.shape_cast %add3A_786 : vector<16xi32> to vector<1x16xi32>
      tpu.vector_store %arg5[%swap3A_787, %swap3A_788], %swap3A_791 {strides = array<i32>} : memref<128x128xi32, #tpu.memory_space<vmem>>, vector<1x16xi32>,
      %gt3A_792 = arith.constant 0 : i32
      %gt3A_793 = arith.cmpi sgt, %scan3A_600, %gt3A_792 : i32
      %convert_element_type3A_794 = arith.extui %gt3A_793 : i1 to i32
      %cond3A_795 = arith.constant 0 : i32
      %cond3A_796 = arith.cmpi ne, %convert_element_type3A_794, %cond3A_795 : i32
      scf.if %cond3A_796 {
        %mul3A_2088 = arith.constant 64 : i32
        %mul3A_2089 = arith.muli %add3A_705, %mul3A_2088 : i32
        %add3A_2090 = arith.addi %mul3A_22, %mul3A_2089 : i32
        %dma_wait3A_2091 = arith.constant 0 : i32
        %dma_wait3A_2092 = tpu.memref_slice %arg4[%add3A_2090, %dma_wait3A_2091] : memref<524288x128xf32, #tpu.memory_space<hbm>> -> memref<64x128xf32, #tpu.memory_space<hbm>>
        %dma_wait3A_2093 = arith.constant 0 : i32
        %dma_wait3A_2094 = tpu.memref_slice %arg4[%add3A_2090, %dma_wait3A_2093] : memref<524288x128xf32, #tpu.memory_space<hbm>> -> memref<64x128xf32, #tpu.memory_space<hbm>>
        tpu.wait_dma2 semaphore(%arg32 : memref<!tpu.dma_semaphore, #tpu.memory_space<semaphore_mem>>) src(%arg8 : memref<64x128xf32, #tpu.memory_space<vmem>>) dst(%dma_wait3A_2094 : memref<64x128xf32, #tpu.memory_space<hbm>>)
      } else {
      }
      %div3A_797 = arith.constant 2 : i32
      %div3A_798 = arith.divsi %add3A_705, %div3A_797 : i32
      %rem3A_799 = arith.constant 2 : i32
      %rem3A_800 = arith.remsi %add3A_705, %rem3A_799 : i32
      %mul3A_801 = arith.constant 64 : i32
      %mul3A_802 = arith.muli %rem3A_800, %mul3A_801 : i32
      %dma_start3A_803 = tpu.memref_slice %arg5[%div3A_798, %mul3A_802] : memref<128x128xi32, #tpu.memory_space<vmem>> -> memref<1x64xi32, #tpu.memory_space<vmem>>
      %dma_start3A_804 = tpu.memref_squeeze %dma_start3A_803 : memref<1x64xi32, #tpu.memory_space<vmem>> -> memref<64xi32, #tpu.memory_space<vmem>>
      %dma_start3A_805 = arith.constant 0 : i32
      %dma_start3A_806 = arith.constant 0 : i32
      %dma_start3A_807 = tpu.memref_slice %arg6[%dma_start3A_805, %dma_start3A_806] : memref<1152x128xf32, #tpu.memory_space<vmem_shared>> -> memref<1152x128xf32, #tpu.memory_space<vmem_shared>>
      tpu.enqueue_indirect_dma source(%dma_start3A_807 : memref<1152x128xf32, #tpu.memory_space<vmem_shared>>) target(%arg8 : memref<64x128xf32, #tpu.memory_space<vmem>>) offsets(%dma_start3A_804 : memref<64xi32, #tpu.memory_space<vmem>>) semaphore(%arg20 : memref<!tpu.dma_semaphore, #tpu.memory_space<semaphore_mem>>)
      %add3A_808 = arith.constant 2 : i32
      %add3A_809 = arith.addi %mul3A_602, %add3A_808 : i32
      %div3A_810 = arith.constant 2 : i32
      %div3A_811 = arith.divsi %add3A_809, %div3A_810 : i32
      %rem3A_812 = arith.constant 2 : i32
      %rem3A_813 = arith.remsi %add3A_809, %rem3A_812 : i32
      %mul3A_814 = arith.constant 64 : i32
      %mul3A_815 = arith.muli %rem3A_813, %mul3A_814 : i32
      %add3A_816 = arith.constant 0 : i32
      %add3A_817 = arith.addi %mul3A_815, %add3A_816 : i32
      %get3A_818 = arith.index_cast %div3A_811 : i32 to index
      %get3A_819 = arith.index_cast %add3A_817 : i32 to index
      %get3A_820 = tpu.vector_load %arg5[%get3A_818, %get3A_819] {strides = array<i32>} : memref<128x128xi32, #tpu.memory_space<vmem>>, vector<1x16xi32>,
      %get3A_821 = vector.shape_cast %get3A_820 : vector<1x16xi32> to vector<16xi32>
      %mul3A_822 = arith.constant 128 : i32
      %mul3A_823 = vector.broadcast %mul3A_822 : i32 to vector<16xi32>
      %mul3A_824 = arith.muli %get3A_821, %mul3A_823 : vector<16xi32>
      %add3A_825 = vector.broadcast %mul3A_815 : i32 to vector<16xi32>
      %add3A_826 = arith.addi %iota3A, %add3A_825 : vector<16xi32>
      %add3A_827 = arith.constant 0 : i32
      %add3A_828 = vector.broadcast %add3A_827 : i32 to vector<16xi32>
      %add3A_829 = arith.addi %add3A_826, %add3A_828 : vector<16xi32>
      %add3A_830 = arith.addi %mul3A_824, %add3A_829 : vector<16xi32>
      %swap3A_831 = arith.index_cast %div3A_811 : i32 to index
      %swap3A_832 = arith.index_cast %add3A_817 : i32 to index
      %swap3A_833 = tpu.vector_load %arg5[%swap3A_831, %swap3A_832] {strides = array<i32>} : memref<128x128xi32, #tpu.memory_space<vmem>>, vector<1x16xi32>,
      %swap3A_834 = vector.shape_cast %swap3A_833 : vector<1x16xi32> to vector<16xi32>
      %swap3A_835 = vector.shape_cast %add3A_830 : vector<16xi32> to vector<1x16xi32>
      tpu.vector_store %arg5[%swap3A_831, %swap3A_832], %swap3A_835 {strides = array<i32>} : memref<128x128xi32, #tpu.memory_space<vmem>>, vector<1x16xi32>,
      %add3A_836 = arith.constant 16 : i32
      %add3A_837 = arith.addi %mul3A_815, %add3A_836 : i32
      %get3A_838 = arith.index_cast %div3A_811 : i32 to index
      %get3A_839 = arith.index_cast %add3A_837 : i32 to index
      %get3A_840 = tpu.vector_load %arg5[%get3A_838, %get3A_839] {strides = array<i32>} : memref<128x128xi32, #tpu.memory_space<vmem>>, vector<1x16xi32>,
      %get3A_841 = vector.shape_cast %get3A_840 : vector<1x16xi32> to vector<16xi32>
      %mul3A_842 = arith.constant 128 : i32
      %mul3A_843 = vector.broadcast %mul3A_842 : i32 to vector<16xi32>
      %mul3A_844 = arith.muli %get3A_841, %mul3A_843 : vector<16xi32>
      %add3A_845 = vector.broadcast %mul3A_815 : i32 to vector<16xi32>
      %add3A_846 = arith.addi %iota3A, %add3A_845 : vector<16xi32>
      %add3A_847 = arith.constant 16 : i32
      %add3A_848 = vector.broadcast %add3A_847 : i32 to vector<16xi32>
      %add3A_849 = arith.addi %add3A_846, %add3A_848 : vector<16xi32>
      %add3A_850 = arith.addi %mul3A_844, %add3A_849 : vector<16xi32>
      %swap3A_851 = arith.index_cast %div3A_811 : i32 to index
      %swap3A_852 = arith.index_cast %add3A_837 : i32 to index
      %swap3A_853 = tpu.vector_load %arg5[%swap3A_851, %swap3A_852] {strides = array<i32>} : memref<128x128xi32, #tpu.memory_space<vmem>>, vector<1x16xi32>,
      %swap3A_854 = vector.shape_cast %swap3A_853 : vector<1x16xi32> to vector<16xi32>
      %swap3A_855 = vector.shape_cast %add3A_850 : vector<16xi32> to vector<1x16xi32>
      tpu.vector_store %arg5[%swap3A_851, %swap3A_852], %swap3A_855 {strides = array<i32>} : memref<128x128xi32, #tpu.memory_space<vmem>>, vector<1x16xi32>,
      %add3A_856 = arith.constant 32 : i32
      %add3A_857 = arith.addi %mul3A_815, %add3A_856 : i32
      %get3A_858 = arith.index_cast %div3A_811 : i32 to index
      %get3A_859 = arith.index_cast %add3A_857 : i32 to index
      %get3A_860 = tpu.vector_load %arg5[%get3A_858, %get3A_859] {strides = array<i32>} : memref<128x128xi32, #tpu.memory_space<vmem>>, vector<1x16xi32>,
      %get3A_861 = vector.shape_cast %get3A_860 : vector<1x16xi32> to vector<16xi32>
      %mul3A_862 = arith.constant 128 : i32
      %mul3A_863 = vector.broadcast %mul3A_862 : i32 to vector<16xi32>
      %mul3A_864 = arith.muli %get3A_861, %mul3A_863 : vector<16xi32>
      %add3A_865 = vector.broadcast %mul3A_815 : i32 to vector<16xi32>
      %add3A_866 = arith.addi %iota3A, %add3A_865 : vector<16xi32>
      %add3A_867 = arith.constant 32 : i32
      %add3A_868 = vector.broadcast %add3A_867 : i32 to vector<16xi32>
      %add3A_869 = arith.addi %add3A_866, %add3A_868 : vector<16xi32>
      %add3A_870 = arith.addi %mul3A_864, %add3A_869 : vector<16xi32>
      %swap3A_871 = arith.index_cast %div3A_811 : i32 to index
      %swap3A_872 = arith.index_cast %add3A_857 : i32 to index
      %swap3A_873 = tpu.vector_load %arg5[%swap3A_871, %swap3A_872] {strides = array<i32>} : memref<128x128xi32, #tpu.memory_space<vmem>>, vector<1x16xi32>,
      %swap3A_874 = vector.shape_cast %swap3A_873 : vector<1x16xi32> to vector<16xi32>
      %swap3A_875 = vector.shape_cast %add3A_870 : vector<16xi32> to vector<1x16xi32>
      tpu.vector_store %arg5[%swap3A_871, %swap3A_872], %swap3A_875 {strides = array<i32>} : memref<128x128xi32, #tpu.memory_space<vmem>>, vector<1x16xi32>,
      %add3A_876 = arith.constant 48 : i32
      %add3A_877 = arith.addi %mul3A_815, %add3A_876 : i32
      %get3A_878 = arith.index_cast %div3A_811 : i32 to index
      %get3A_879 = arith.index_cast %add3A_877 : i32 to index
      %get3A_880 = tpu.vector_load %arg5[%get3A_878, %get3A_879] {strides = array<i32>} : memref<128x128xi32, #tpu.memory_space<vmem>>, vector<1x16xi32>,
      %get3A_881 = vector.shape_cast %get3A_880 : vector<1x16xi32> to vector<16xi32>
      %mul3A_882 = arith.constant 128 : i32
      %mul3A_883 = vector.broadcast %mul3A_882 : i32 to vector<16xi32>
      %mul3A_884 = arith.muli %get3A_881, %mul3A_883 : vector<16xi32>
      %add3A_885 = vector.broadcast %mul3A_815 : i32 to vector<16xi32>
      %add3A_886 = arith.addi %iota3A, %add3A_885 : vector<16xi32>
      %add3A_887 = arith.constant 48 : i32
      %add3A_888 = vector.broadcast %add3A_887 : i32 to vector<16xi32>
      %add3A_889 = arith.addi %add3A_886, %add3A_888 : vector<16xi32>
      %add3A_890 = arith.addi %mul3A_884, %add3A_889 : vector<16xi32>
      %swap3A_891 = arith.index_cast %div3A_811 : i32 to index
      %swap3A_892 = arith.index_cast %add3A_877 : i32 to index
      %swap3A_893 = tpu.vector_load %arg5[%swap3A_891, %swap3A_892] {strides = array<i32>} : memref<128x128xi32, #tpu.memory_space<vmem>>, vector<1x16xi32>,
      %swap3A_894 = vector.shape_cast %swap3A_893 : vector<1x16xi32> to vector<16xi32>
      %swap3A_895 = vector.shape_cast %add3A_890 : vector<16xi32> to vector<1x16xi32>
      tpu.vector_store %arg5[%swap3A_891, %swap3A_892], %swap3A_895 {strides = array<i32>} : memref<128x128xi32, #tpu.memory_space<vmem>>, vector<1x16xi32>,
      %gt3A_896 = arith.constant 0 : i32
      %gt3A_897 = arith.cmpi sgt, %scan3A_600, %gt3A_896 : i32
      %convert_element_type3A_898 = arith.extui %gt3A_897 : i1 to i32
      %cond3A_899 = arith.constant 0 : i32
      %cond3A_900 = arith.cmpi ne, %convert_element_type3A_898, %cond3A_899 : i32
      scf.if %cond3A_900 {
        %mul3A_2088 = arith.constant 64 : i32
        %mul3A_2089 = arith.muli %add3A_809, %mul3A_2088 : i32
        %add3A_2090 = arith.addi %mul3A_22, %mul3A_2089 : i32
        %dma_wait3A_2091 = arith.constant 0 : i32
        %dma_wait3A_2092 = tpu.memref_slice %arg4[%add3A_2090, %dma_wait3A_2091] : memref<524288x128xf32, #tpu.memory_space<hbm>> -> memref<64x128xf32, #tpu.memory_space<hbm>>
        %dma_wait3A_2093 = arith.constant 0 : i32
        %dma_wait3A_2094 = tpu.memref_slice %arg4[%add3A_2090, %dma_wait3A_2093] : memref<524288x128xf32, #tpu.memory_space<hbm>> -> memref<64x128xf32, #tpu.memory_space<hbm>>
        tpu.wait_dma2 semaphore(%arg33 : memref<!tpu.dma_semaphore, #tpu.memory_space<semaphore_mem>>) src(%arg9 : memref<64x128xf32, #tpu.memory_space<vmem>>) dst(%dma_wait3A_2094 : memref<64x128xf32, #tpu.memory_space<hbm>>)
      } else {
      }
      %div3A_901 = arith.constant 2 : i32
      %div3A_902 = arith.divsi %add3A_809, %div3A_901 : i32
      %rem3A_903 = arith.constant 2 : i32
      %rem3A_904 = arith.remsi %add3A_809, %rem3A_903 : i32
      %mul3A_905 = arith.constant 64 : i32
      %mul3A_906 = arith.muli %rem3A_904, %mul3A_905 : i32
      %dma_start3A_907 = tpu.memref_slice %arg5[%div3A_902, %mul3A_906] : memref<128x128xi32, #tpu.memory_space<vmem>> -> memref<1x64xi32, #tpu.memory_space<vmem>>
      %dma_start3A_908 = tpu.memref_squeeze %dma_start3A_907 : memref<1x64xi32, #tpu.memory_space<vmem>> -> memref<64xi32, #tpu.memory_space<vmem>>
      %dma_start3A_909 = arith.constant 0 : i32
      %dma_start3A_910 = arith.constant 0 : i32
      %dma_start3A_911 = tpu.memref_slice %arg6[%dma_start3A_909, %dma_start3A_910] : memref<1152x128xf32, #tpu.memory_space<vmem_shared>> -> memref<1152x128xf32, #tpu.memory_space<vmem_shared>>
      tpu.enqueue_indirect_dma source(%dma_start3A_911 : memref<1152x128xf32, #tpu.memory_space<vmem_shared>>) target(%arg9 : memref<64x128xf32, #tpu.memory_space<vmem>>) offsets(%dma_start3A_908 : memref<64xi32, #tpu.memory_space<vmem>>) semaphore(%arg21 : memref<!tpu.dma_semaphore, #tpu.memory_space<semaphore_mem>>)
      %add3A_912 = arith.constant 3 : i32
      %add3A_913 = arith.addi %mul3A_602, %add3A_912 : i32
      %div3A_914 = arith.constant 2 : i32
      %div3A_915 = arith.divsi %add3A_913, %div3A_914 : i32
      %rem3A_916 = arith.constant 2 : i32
      %rem3A_917 = arith.remsi %add3A_913, %rem3A_916 : i32
      %mul3A_918 = arith.constant 64 : i32
      %mul3A_919 = arith.muli %rem3A_917, %mul3A_918 : i32
      %add3A_920 = arith.constant 0 : i32
      %add3A_921 = arith.addi %mul3A_919, %add3A_920 : i32
      %get3A_922 = arith.index_cast %div3A_915 : i32 to index
      %get3A_923 = arith.index_cast %add3A_921 : i32 to index
      %get3A_924 = tpu.vector_load %arg5[%get3A_922, %get3A_923] {strides = array<i32>} : memref<128x128xi32, #tpu.memory_space<vmem>>, vector<1x16xi32>,
      %get3A_925 = vector.shape_cast %get3A_924 : vector<1x16xi32> to vector<16xi32>
      %mul3A_926 = arith.constant 128 : i32
      %mul3A_927 = vector.broadcast %mul3A_926 : i32 to vector<16xi32>
      %mul3A_928 = arith.muli %get3A_925, %mul3A_927 : vector<16xi32>
      %add3A_929 = vector.broadcast %mul3A_919 : i32 to vector<16xi32>
      %add3A_930 = arith.addi %iota3A, %add3A_929 : vector<16xi32>
      %add3A_931 = arith.constant 0 : i32
      %add3A_932 = vector.broadcast %add3A_931 : i32 to vector<16xi32>
      %add3A_933 = arith.addi %add3A_930, %add3A_932 : vector<16xi32>
      %add3A_934 = arith.addi %mul3A_928, %add3A_933 : vector<16xi32>
      %swap3A_935 = arith.index_cast %div3A_915 : i32 to index
      %swap3A_936 = arith.index_cast %add3A_921 : i32 to index
      %swap3A_937 = tpu.vector_load %arg5[%swap3A_935, %swap3A_936] {strides = array<i32>} : memref<128x128xi32, #tpu.memory_space<vmem>>, vector<1x16xi32>,
      %swap3A_938 = vector.shape_cast %swap3A_937 : vector<1x16xi32> to vector<16xi32>
      %swap3A_939 = vector.shape_cast %add3A_934 : vector<16xi32> to vector<1x16xi32>
      tpu.vector_store %arg5[%swap3A_935, %swap3A_936], %swap3A_939 {strides = array<i32>} : memref<128x128xi32, #tpu.memory_space<vmem>>, vector<1x16xi32>,
      %add3A_940 = arith.constant 16 : i32
      %add3A_941 = arith.addi %mul3A_919, %add3A_940 : i32
      %get3A_942 = arith.index_cast %div3A_915 : i32 to index
      %get3A_943 = arith.index_cast %add3A_941 : i32 to index
      %get3A_944 = tpu.vector_load %arg5[%get3A_942, %get3A_943] {strides = array<i32>} : memref<128x128xi32, #tpu.memory_space<vmem>>, vector<1x16xi32>,
      %get3A_945 = vector.shape_cast %get3A_944 : vector<1x16xi32> to vector<16xi32>
      %mul3A_946 = arith.constant 128 : i32
      %mul3A_947 = vector.broadcast %mul3A_946 : i32 to vector<16xi32>
      %mul3A_948 = arith.muli %get3A_945, %mul3A_947 : vector<16xi32>
      %add3A_949 = vector.broadcast %mul3A_919 : i32 to vector<16xi32>
      %add3A_950 = arith.addi %iota3A, %add3A_949 : vector<16xi32>
      %add3A_951 = arith.constant 16 : i32
      %add3A_952 = vector.broadcast %add3A_951 : i32 to vector<16xi32>
      %add3A_953 = arith.addi %add3A_950, %add3A_952 : vector<16xi32>
      %add3A_954 = arith.addi %mul3A_948, %add3A_953 : vector<16xi32>
      %swap3A_955 = arith.index_cast %div3A_915 : i32 to index
      %swap3A_956 = arith.index_cast %add3A_941 : i32 to index
      %swap3A_957 = tpu.vector_load %arg5[%swap3A_955, %swap3A_956] {strides = array<i32>} : memref<128x128xi32, #tpu.memory_space<vmem>>, vector<1x16xi32>,
      %swap3A_958 = vector.shape_cast %swap3A_957 : vector<1x16xi32> to vector<16xi32>
      %swap3A_959 = vector.shape_cast %add3A_954 : vector<16xi32> to vector<1x16xi32>
      tpu.vector_store %arg5[%swap3A_955, %swap3A_956], %swap3A_959 {strides = array<i32>} : memref<128x128xi32, #tpu.memory_space<vmem>>, vector<1x16xi32>,
      %add3A_960 = arith.constant 32 : i32
      %add3A_961 = arith.addi %mul3A_919, %add3A_960 : i32
      %get3A_962 = arith.index_cast %div3A_915 : i32 to index
      %get3A_963 = arith.index_cast %add3A_961 : i32 to index
      %get3A_964 = tpu.vector_load %arg5[%get3A_962, %get3A_963] {strides = array<i32>} : memref<128x128xi32, #tpu.memory_space<vmem>>, vector<1x16xi32>,
      %get3A_965 = vector.shape_cast %get3A_964 : vector<1x16xi32> to vector<16xi32>
      %mul3A_966 = arith.constant 128 : i32
      %mul3A_967 = vector.broadcast %mul3A_966 : i32 to vector<16xi32>
      %mul3A_968 = arith.muli %get3A_965, %mul3A_967 : vector<16xi32>
      %add3A_969 = vector.broadcast %mul3A_919 : i32 to vector<16xi32>
      %add3A_970 = arith.addi %iota3A, %add3A_969 : vector<16xi32>
      %add3A_971 = arith.constant 32 : i32
      %add3A_972 = vector.broadcast %add3A_971 : i32 to vector<16xi32>
      %add3A_973 = arith.addi %add3A_970, %add3A_972 : vector<16xi32>
      %add3A_974 = arith.addi %mul3A_968, %add3A_973 : vector<16xi32>
      %swap3A_975 = arith.index_cast %div3A_915 : i32 to index
      %swap3A_976 = arith.index_cast %add3A_961 : i32 to index
      %swap3A_977 = tpu.vector_load %arg5[%swap3A_975, %swap3A_976] {strides = array<i32>} : memref<128x128xi32, #tpu.memory_space<vmem>>, vector<1x16xi32>,
      %swap3A_978 = vector.shape_cast %swap3A_977 : vector<1x16xi32> to vector<16xi32>
      %swap3A_979 = vector.shape_cast %add3A_974 : vector<16xi32> to vector<1x16xi32>
      tpu.vector_store %arg5[%swap3A_975, %swap3A_976], %swap3A_979 {strides = array<i32>} : memref<128x128xi32, #tpu.memory_space<vmem>>, vector<1x16xi32>,
      %add3A_980 = arith.constant 48 : i32
      %add3A_981 = arith.addi %mul3A_919, %add3A_980 : i32
      %get3A_982 = arith.index_cast %div3A_915 : i32 to index
      %get3A_983 = arith.index_cast %add3A_981 : i32 to index
      %get3A_984 = tpu.vector_load %arg5[%get3A_982, %get3A_983] {strides = array<i32>} : memref<128x128xi32, #tpu.memory_space<vmem>>, vector<1x16xi32>,
      %get3A_985 = vector.shape_cast %get3A_984 : vector<1x16xi32> to vector<16xi32>
      %mul3A_986 = arith.constant 128 : i32
      %mul3A_987 = vector.broadcast %mul3A_986 : i32 to vector<16xi32>
      %mul3A_988 = arith.muli %get3A_985, %mul3A_987 : vector<16xi32>
      %add3A_989 = vector.broadcast %mul3A_919 : i32 to vector<16xi32>
      %add3A_990 = arith.addi %iota3A, %add3A_989 : vector<16xi32>
      %add3A_991 = arith.constant 48 : i32
      %add3A_992 = vector.broadcast %add3A_991 : i32 to vector<16xi32>
      %add3A_993 = arith.addi %add3A_990, %add3A_992 : vector<16xi32>
      %add3A_994 = arith.addi %mul3A_988, %add3A_993 : vector<16xi32>
      %swap3A_995 = arith.index_cast %div3A_915 : i32 to index
      %swap3A_996 = arith.index_cast %add3A_981 : i32 to index
      %swap3A_997 = tpu.vector_load %arg5[%swap3A_995, %swap3A_996] {strides = array<i32>} : memref<128x128xi32, #tpu.memory_space<vmem>>, vector<1x16xi32>,
      %swap3A_998 = vector.shape_cast %swap3A_997 : vector<1x16xi32> to vector<16xi32>
      %swap3A_999 = vector.shape_cast %add3A_994 : vector<16xi32> to vector<1x16xi32>
      tpu.vector_store %arg5[%swap3A_995, %swap3A_996], %swap3A_999 {strides = array<i32>} : memref<128x128xi32, #tpu.memory_space<vmem>>, vector<1x16xi32>,
      %gt3A_1000 = arith.constant 0 : i32
      %gt3A_1001 = arith.cmpi sgt, %scan3A_600, %gt3A_1000 : i32
      %convert_element_type3A_1002 = arith.extui %gt3A_1001 : i1 to i32
      %cond3A_1003 = arith.constant 0 : i32
      %cond3A_1004 = arith.cmpi ne, %convert_element_type3A_1002, %cond3A_1003 : i32
      scf.if %cond3A_1004 {
        %mul3A_2088 = arith.constant 64 : i32
        %mul3A_2089 = arith.muli %add3A_913, %mul3A_2088 : i32
        %add3A_2090 = arith.addi %mul3A_22, %mul3A_2089 : i32
        %dma_wait3A_2091 = arith.constant 0 : i32
        %dma_wait3A_2092 = tpu.memref_slice %arg4[%add3A_2090, %dma_wait3A_2091] : memref<524288x128xf32, #tpu.memory_space<hbm>> -> memref<64x128xf32, #tpu.memory_space<hbm>>
        %dma_wait3A_2093 = arith.constant 0 : i32
        %dma_wait3A_2094 = tpu.memref_slice %arg4[%add3A_2090, %dma_wait3A_2093] : memref<524288x128xf32, #tpu.memory_space<hbm>> -> memref<64x128xf32, #tpu.memory_space<hbm>>
        tpu.wait_dma2 semaphore(%arg34 : memref<!tpu.dma_semaphore, #tpu.memory_space<semaphore_mem>>) src(%arg10 : memref<64x128xf32, #tpu.memory_space<vmem>>) dst(%dma_wait3A_2094 : memref<64x128xf32, #tpu.memory_space<hbm>>)
      } else {
      }
      %div3A_1005 = arith.constant 2 : i32
      %div3A_1006 = arith.divsi %add3A_913, %div3A_1005 : i32
      %rem3A_1007 = arith.constant 2 : i32
      %rem3A_1008 = arith.remsi %add3A_913, %rem3A_1007 : i32
      %mul3A_1009 = arith.constant 64 : i32
      %mul3A_1010 = arith.muli %rem3A_1008, %mul3A_1009 : i32
      %dma_start3A_1011 = tpu.memref_slice %arg5[%div3A_1006, %mul3A_1010] : memref<128x128xi32, #tpu.memory_space<vmem>> -> memref<1x64xi32, #tpu.memory_space<vmem>>
      %dma_start3A_1012 = tpu.memref_squeeze %dma_start3A_1011 : memref<1x64xi32, #tpu.memory_space<vmem>> -> memref<64xi32, #tpu.memory_space<vmem>>
      %dma_start3A_1013 = arith.constant 0 : i32
      %dma_start3A_1014 = arith.constant 0 : i32
      %dma_start3A_1015 = tpu.memref_slice %arg6[%dma_start3A_1013, %dma_start3A_1014] : memref<1152x128xf32, #tpu.memory_space<vmem_shared>> -> memref<1152x128xf32, #tpu.memory_space<vmem_shared>>
      tpu.enqueue_indirect_dma source(%dma_start3A_1015 : memref<1152x128xf32, #tpu.memory_space<vmem_shared>>) target(%arg10 : memref<64x128xf32, #tpu.memory_space<vmem>>) offsets(%dma_start3A_1012 : memref<64xi32, #tpu.memory_space<vmem>>) semaphore(%arg22 : memref<!tpu.dma_semaphore, #tpu.memory_space<semaphore_mem>>)
      %add3A_1016 = arith.constant 4 : i32
      %add3A_1017 = arith.addi %mul3A_602, %add3A_1016 : i32
      %div3A_1018 = arith.constant 2 : i32
      %div3A_1019 = arith.divsi %add3A_1017, %div3A_1018 : i32
      %rem3A_1020 = arith.constant 2 : i32
      %rem3A_1021 = arith.remsi %add3A_1017, %rem3A_1020 : i32
      %mul3A_1022 = arith.constant 64 : i32
      %mul3A_1023 = arith.muli %rem3A_1021, %mul3A_1022 : i32
      %add3A_1024 = arith.constant 0 : i32
      %add3A_1025 = arith.addi %mul3A_1023, %add3A_1024 : i32
      %get3A_1026 = arith.index_cast %div3A_1019 : i32 to index
      %get3A_1027 = arith.index_cast %add3A_1025 : i32 to index
      %get3A_1028 = tpu.vector_load %arg5[%get3A_1026, %get3A_1027] {strides = array<i32>} : memref<128x128xi32, #tpu.memory_space<vmem>>, vector<1x16xi32>,
      %get3A_1029 = vector.shape_cast %get3A_1028 : vector<1x16xi32> to vector<16xi32>
      %mul3A_1030 = arith.constant 128 : i32
      %mul3A_1031 = vector.broadcast %mul3A_1030 : i32 to vector<16xi32>
      %mul3A_1032 = arith.muli %get3A_1029, %mul3A_1031 : vector<16xi32>
      %add3A_1033 = vector.broadcast %mul3A_1023 : i32 to vector<16xi32>
      %add3A_1034 = arith.addi %iota3A, %add3A_1033 : vector<16xi32>
      %add3A_1035 = arith.constant 0 : i32
      %add3A_1036 = vector.broadcast %add3A_1035 : i32 to vector<16xi32>
      %add3A_1037 = arith.addi %add3A_1034, %add3A_1036 : vector<16xi32>
      %add3A_1038 = arith.addi %mul3A_1032, %add3A_1037 : vector<16xi32>
      %swap3A_1039 = arith.index_cast %div3A_1019 : i32 to index
      %swap3A_1040 = arith.index_cast %add3A_1025 : i32 to index
      %swap3A_1041 = tpu.vector_load %arg5[%swap3A_1039, %swap3A_1040] {strides = array<i32>} : memref<128x128xi32, #tpu.memory_space<vmem>>, vector<1x16xi32>,
      %swap3A_1042 = vector.shape_cast %swap3A_1041 : vector<1x16xi32> to vector<16xi32>
      %swap3A_1043 = vector.shape_cast %add3A_1038 : vector<16xi32> to vector<1x16xi32>
      tpu.vector_store %arg5[%swap3A_1039, %swap3A_1040], %swap3A_1043 {strides = array<i32>} : memref<128x128xi32, #tpu.memory_space<vmem>>, vector<1x16xi32>,
      %add3A_1044 = arith.constant 16 : i32
      %add3A_1045 = arith.addi %mul3A_1023, %add3A_1044 : i32
      %get3A_1046 = arith.index_cast %div3A_1019 : i32 to index
      %get3A_1047 = arith.index_cast %add3A_1045 : i32 to index
      %get3A_1048 = tpu.vector_load %arg5[%get3A_1046, %get3A_1047] {strides = array<i32>} : memref<128x128xi32, #tpu.memory_space<vmem>>, vector<1x16xi32>,
      %get3A_1049 = vector.shape_cast %get3A_1048 : vector<1x16xi32> to vector<16xi32>
      %mul3A_1050 = arith.constant 128 : i32
      %mul3A_1051 = vector.broadcast %mul3A_1050 : i32 to vector<16xi32>
      %mul3A_1052 = arith.muli %get3A_1049, %mul3A_1051 : vector<16xi32>
      %add3A_1053 = vector.broadcast %mul3A_1023 : i32 to vector<16xi32>
      %add3A_1054 = arith.addi %iota3A, %add3A_1053 : vector<16xi32>
      %add3A_1055 = arith.constant 16 : i32
      %add3A_1056 = vector.broadcast %add3A_1055 : i32 to vector<16xi32>
      %add3A_1057 = arith.addi %add3A_1054, %add3A_1056 : vector<16xi32>
      %add3A_1058 = arith.addi %mul3A_1052, %add3A_1057 : vector<16xi32>
      %swap3A_1059 = arith.index_cast %div3A_1019 : i32 to index
      %swap3A_1060 = arith.index_cast %add3A_1045 : i32 to index
      %swap3A_1061 = tpu.vector_load %arg5[%swap3A_1059, %swap3A_1060] {strides = array<i32>} : memref<128x128xi32, #tpu.memory_space<vmem>>, vector<1x16xi32>,
      %swap3A_1062 = vector.shape_cast %swap3A_1061 : vector<1x16xi32> to vector<16xi32>
      %swap3A_1063 = vector.shape_cast %add3A_1058 : vector<16xi32> to vector<1x16xi32>
      tpu.vector_store %arg5[%swap3A_1059, %swap3A_1060], %swap3A_1063 {strides = array<i32>} : memref<128x128xi32, #tpu.memory_space<vmem>>, vector<1x16xi32>,
      %add3A_1064 = arith.constant 32 : i32
      %add3A_1065 = arith.addi %mul3A_1023, %add3A_1064 : i32
      %get3A_1066 = arith.index_cast %div3A_1019 : i32 to index
      %get3A_1067 = arith.index_cast %add3A_1065 : i32 to index
      %get3A_1068 = tpu.vector_load %arg5[%get3A_1066, %get3A_1067] {strides = array<i32>} : memref<128x128xi32, #tpu.memory_space<vmem>>, vector<1x16xi32>,
      %get3A_1069 = vector.shape_cast %get3A_1068 : vector<1x16xi32> to vector<16xi32>
      %mul3A_1070 = arith.constant 128 : i32
      %mul3A_1071 = vector.broadcast %mul3A_1070 : i32 to vector<16xi32>
      %mul3A_1072 = arith.muli %get3A_1069, %mul3A_1071 : vector<16xi32>
      %add3A_1073 = vector.broadcast %mul3A_1023 : i32 to vector<16xi32>
      %add3A_1074 = arith.addi %iota3A, %add3A_1073 : vector<16xi32>
      %add3A_1075 = arith.constant 32 : i32
      %add3A_1076 = vector.broadcast %add3A_1075 : i32 to vector<16xi32>
      %add3A_1077 = arith.addi %add3A_1074, %add3A_1076 : vector<16xi32>
      %add3A_1078 = arith.addi %mul3A_1072, %add3A_1077 : vector<16xi32>
      %swap3A_1079 = arith.index_cast %div3A_1019 : i32 to index
      %swap3A_1080 = arith.index_cast %add3A_1065 : i32 to index
      %swap3A_1081 = tpu.vector_load %arg5[%swap3A_1079, %swap3A_1080] {strides = array<i32>} : memref<128x128xi32, #tpu.memory_space<vmem>>, vector<1x16xi32>,
      %swap3A_1082 = vector.shape_cast %swap3A_1081 : vector<1x16xi32> to vector<16xi32>
      %swap3A_1083 = vector.shape_cast %add3A_1078 : vector<16xi32> to vector<1x16xi32>
      tpu.vector_store %arg5[%swap3A_1079, %swap3A_1080], %swap3A_1083 {strides = array<i32>} : memref<128x128xi32, #tpu.memory_space<vmem>>, vector<1x16xi32>,
      %add3A_1084 = arith.constant 48 : i32
      %add3A_1085 = arith.addi %mul3A_1023, %add3A_1084 : i32
      %get3A_1086 = arith.index_cast %div3A_1019 : i32 to index
      %get3A_1087 = arith.index_cast %add3A_1085 : i32 to index
      %get3A_1088 = tpu.vector_load %arg5[%get3A_1086, %get3A_1087] {strides = array<i32>} : memref<128x128xi32, #tpu.memory_space<vmem>>, vector<1x16xi32>,
      %get3A_1089 = vector.shape_cast %get3A_1088 : vector<1x16xi32> to vector<16xi32>
      %mul3A_1090 = arith.constant 128 : i32
      %mul3A_1091 = vector.broadcast %mul3A_1090 : i32 to vector<16xi32>
      %mul3A_1092 = arith.muli %get3A_1089, %mul3A_1091 : vector<16xi32>
      %add3A_1093 = vector.broadcast %mul3A_1023 : i32 to vector<16xi32>
      %add3A_1094 = arith.addi %iota3A, %add3A_1093 : vector<16xi32>
      %add3A_1095 = arith.constant 48 : i32
      %add3A_1096 = vector.broadcast %add3A_1095 : i32 to vector<16xi32>
      %add3A_1097 = arith.addi %add3A_1094, %add3A_1096 : vector<16xi32>
      %add3A_1098 = arith.addi %mul3A_1092, %add3A_1097 : vector<16xi32>
      %swap3A_1099 = arith.index_cast %div3A_1019 : i32 to index
      %swap3A_1100 = arith.index_cast %add3A_1085 : i32 to index
      %swap3A_1101 = tpu.vector_load %arg5[%swap3A_1099, %swap3A_1100] {strides = array<i32>} : memref<128x128xi32, #tpu.memory_space<vmem>>, vector<1x16xi32>,
      %swap3A_1102 = vector.shape_cast %swap3A_1101 : vector<1x16xi32> to vector<16xi32>
      %swap3A_1103 = vector.shape_cast %add3A_1098 : vector<16xi32> to vector<1x16xi32>
      tpu.vector_store %arg5[%swap3A_1099, %swap3A_1100], %swap3A_1103 {strides = array<i32>} : memref<128x128xi32, #tpu.memory_space<vmem>>, vector<1x16xi32>,
      %gt3A_1104 = arith.constant 0 : i32
      %gt3A_1105 = arith.cmpi sgt, %scan3A_600, %gt3A_1104 : i32
      %convert_element_type3A_1106 = arith.extui %gt3A_1105 : i1 to i32
      %cond3A_1107 = arith.constant 0 : i32
      %cond3A_1108 = arith.cmpi ne, %convert_element_type3A_1106, %cond3A_1107 : i32
      scf.if %cond3A_1108 {
        %mul3A_2088 = arith.constant 64 : i32
        %mul3A_2089 = arith.muli %add3A_1017, %mul3A_2088 : i32
        %add3A_2090 = arith.addi %mul3A_22, %mul3A_2089 : i32
        %dma_wait3A_2091 = arith.constant 0 : i32
        %dma_wait3A_2092 = tpu.memref_slice %arg4[%add3A_2090, %dma_wait3A_2091] : memref<524288x128xf32, #tpu.memory_space<hbm>> -> memref<64x128xf32, #tpu.memory_space<hbm>>
        %dma_wait3A_2093 = arith.constant 0 : i32
        %dma_wait3A_2094 = tpu.memref_slice %arg4[%add3A_2090, %dma_wait3A_2093] : memref<524288x128xf32, #tpu.memory_space<hbm>> -> memref<64x128xf32, #tpu.memory_space<hbm>>
        tpu.wait_dma2 semaphore(%arg35 : memref<!tpu.dma_semaphore, #tpu.memory_space<semaphore_mem>>) src(%arg11 : memref<64x128xf32, #tpu.memory_space<vmem>>) dst(%dma_wait3A_2094 : memref<64x128xf32, #tpu.memory_space<hbm>>)
      } else {
      }
      %div3A_1109 = arith.constant 2 : i32
      %div3A_1110 = arith.divsi %add3A_1017, %div3A_1109 : i32
      %rem3A_1111 = arith.constant 2 : i32
      %rem3A_1112 = arith.remsi %add3A_1017, %rem3A_1111 : i32
      %mul3A_1113 = arith.constant 64 : i32
      %mul3A_1114 = arith.muli %rem3A_1112, %mul3A_1113 : i32
      %dma_start3A_1115 = tpu.memref_slice %arg5[%div3A_1110, %mul3A_1114] : memref<128x128xi32, #tpu.memory_space<vmem>> -> memref<1x64xi32, #tpu.memory_space<vmem>>
      %dma_start3A_1116 = tpu.memref_squeeze %dma_start3A_1115 : memref<1x64xi32, #tpu.memory_space<vmem>> -> memref<64xi32, #tpu.memory_space<vmem>>
      %dma_start3A_1117 = arith.constant 0 : i32
      %dma_start3A_1118 = arith.constant 0 : i32
      %dma_start3A_1119 = tpu.memref_slice %arg6[%dma_start3A_1117, %dma_start3A_1118] : memref<1152x128xf32, #tpu.memory_space<vmem_shared>> -> memref<1152x128xf32, #tpu.memory_space<vmem_shared>>
      tpu.enqueue_indirect_dma source(%dma_start3A_1119 : memref<1152x128xf32, #tpu.memory_space<vmem_shared>>) target(%arg11 : memref<64x128xf32, #tpu.memory_space<vmem>>) offsets(%dma_start3A_1116 : memref<64xi32, #tpu.memory_space<vmem>>) semaphore(%arg23 : memref<!tpu.dma_semaphore, #tpu.memory_space<semaphore_mem>>)
      %add3A_1120 = arith.constant 5 : i32
      %add3A_1121 = arith.addi %mul3A_602, %add3A_1120 : i32
      %div3A_1122 = arith.constant 2 : i32
      %div3A_1123 = arith.divsi %add3A_1121, %div3A_1122 : i32
      %rem3A_1124 = arith.constant 2 : i32
      %rem3A_1125 = arith.remsi %add3A_1121, %rem3A_1124 : i32
      %mul3A_1126 = arith.constant 64 : i32
      %mul3A_1127 = arith.muli %rem3A_1125, %mul3A_1126 : i32
      %add3A_1128 = arith.constant 0 : i32
      %add3A_1129 = arith.addi %mul3A_1127, %add3A_1128 : i32
      %get3A_1130 = arith.index_cast %div3A_1123 : i32 to index
      %get3A_1131 = arith.index_cast %add3A_1129 : i32 to index
      %get3A_1132 = tpu.vector_load %arg5[%get3A_1130, %get3A_1131] {strides = array<i32>} : memref<128x128xi32, #tpu.memory_space<vmem>>, vector<1x16xi32>,
      %get3A_1133 = vector.shape_cast %get3A_1132 : vector<1x16xi32> to vector<16xi32>
      %mul3A_1134 = arith.constant 128 : i32
      %mul3A_1135 = vector.broadcast %mul3A_1134 : i32 to vector<16xi32>
      %mul3A_1136 = arith.muli %get3A_1133, %mul3A_1135 : vector<16xi32>
      %add3A_1137 = vector.broadcast %mul3A_1127 : i32 to vector<16xi32>
      %add3A_1138 = arith.addi %iota3A, %add3A_1137 : vector<16xi32>
      %add3A_1139 = arith.constant 0 : i32
      %add3A_1140 = vector.broadcast %add3A_1139 : i32 to vector<16xi32>
      %add3A_1141 = arith.addi %add3A_1138, %add3A_1140 : vector<16xi32>
      %add3A_1142 = arith.addi %mul3A_1136, %add3A_1141 : vector<16xi32>
      %swap3A_1143 = arith.index_cast %div3A_1123 : i32 to index
      %swap3A_1144 = arith.index_cast %add3A_1129 : i32 to index
      %swap3A_1145 = tpu.vector_load %arg5[%swap3A_1143, %swap3A_1144] {strides = array<i32>} : memref<128x128xi32, #tpu.memory_space<vmem>>, vector<1x16xi32>,
      %swap3A_1146 = vector.shape_cast %swap3A_1145 : vector<1x16xi32> to vector<16xi32>
      %swap3A_1147 = vector.shape_cast %add3A_1142 : vector<16xi32> to vector<1x16xi32>
      tpu.vector_store %arg5[%swap3A_1143, %swap3A_1144], %swap3A_1147 {strides = array<i32>} : memref<128x128xi32, #tpu.memory_space<vmem>>, vector<1x16xi32>,
      %add3A_1148 = arith.constant 16 : i32
      %add3A_1149 = arith.addi %mul3A_1127, %add3A_1148 : i32
      %get3A_1150 = arith.index_cast %div3A_1123 : i32 to index
      %get3A_1151 = arith.index_cast %add3A_1149 : i32 to index
      %get3A_1152 = tpu.vector_load %arg5[%get3A_1150, %get3A_1151] {strides = array<i32>} : memref<128x128xi32, #tpu.memory_space<vmem>>, vector<1x16xi32>,
      %get3A_1153 = vector.shape_cast %get3A_1152 : vector<1x16xi32> to vector<16xi32>
      %mul3A_1154 = arith.constant 128 : i32
      %mul3A_1155 = vector.broadcast %mul3A_1154 : i32 to vector<16xi32>
      %mul3A_1156 = arith.muli %get3A_1153, %mul3A_1155 : vector<16xi32>
      %add3A_1157 = vector.broadcast %mul3A_1127 : i32 to vector<16xi32>
      %add3A_1158 = arith.addi %iota3A, %add3A_1157 : vector<16xi32>
      %add3A_1159 = arith.constant 16 : i32
      %add3A_1160 = vector.broadcast %add3A_1159 : i32 to vector<16xi32>
      %add3A_1161 = arith.addi %add3A_1158, %add3A_1160 : vector<16xi32>
      %add3A_1162 = arith.addi %mul3A_1156, %add3A_1161 : vector<16xi32>
      %swap3A_1163 = arith.index_cast %div3A_1123 : i32 to index
      %swap3A_1164 = arith.index_cast %add3A_1149 : i32 to index
      %swap3A_1165 = tpu.vector_load %arg5[%swap3A_1163, %swap3A_1164] {strides = array<i32>} : memref<128x128xi32, #tpu.memory_space<vmem>>, vector<1x16xi32>,
      %swap3A_1166 = vector.shape_cast %swap3A_1165 : vector<1x16xi32> to vector<16xi32>
      %swap3A_1167 = vector.shape_cast %add3A_1162 : vector<16xi32> to vector<1x16xi32>
      tpu.vector_store %arg5[%swap3A_1163, %swap3A_1164], %swap3A_1167 {strides = array<i32>} : memref<128x128xi32, #tpu.memory_space<vmem>>, vector<1x16xi32>,
      %add3A_1168 = arith.constant 32 : i32
      %add3A_1169 = arith.addi %mul3A_1127, %add3A_1168 : i32
      %get3A_1170 = arith.index_cast %div3A_1123 : i32 to index
      %get3A_1171 = arith.index_cast %add3A_1169 : i32 to index
      %get3A_1172 = tpu.vector_load %arg5[%get3A_1170, %get3A_1171] {strides = array<i32>} : memref<128x128xi32, #tpu.memory_space<vmem>>, vector<1x16xi32>,
      %get3A_1173 = vector.shape_cast %get3A_1172 : vector<1x16xi32> to vector<16xi32>
      %mul3A_1174 = arith.constant 128 : i32
      %mul3A_1175 = vector.broadcast %mul3A_1174 : i32 to vector<16xi32>
      %mul3A_1176 = arith.muli %get3A_1173, %mul3A_1175 : vector<16xi32>
      %add3A_1177 = vector.broadcast %mul3A_1127 : i32 to vector<16xi32>
      %add3A_1178 = arith.addi %iota3A, %add3A_1177 : vector<16xi32>
      %add3A_1179 = arith.constant 32 : i32
      %add3A_1180 = vector.broadcast %add3A_1179 : i32 to vector<16xi32>
      %add3A_1181 = arith.addi %add3A_1178, %add3A_1180 : vector<16xi32>
      %add3A_1182 = arith.addi %mul3A_1176, %add3A_1181 : vector<16xi32>
      %swap3A_1183 = arith.index_cast %div3A_1123 : i32 to index
      %swap3A_1184 = arith.index_cast %add3A_1169 : i32 to index
      %swap3A_1185 = tpu.vector_load %arg5[%swap3A_1183, %swap3A_1184] {strides = array<i32>} : memref<128x128xi32, #tpu.memory_space<vmem>>, vector<1x16xi32>,
      %swap3A_1186 = vector.shape_cast %swap3A_1185 : vector<1x16xi32> to vector<16xi32>
      %swap3A_1187 = vector.shape_cast %add3A_1182 : vector<16xi32> to vector<1x16xi32>
      tpu.vector_store %arg5[%swap3A_1183, %swap3A_1184], %swap3A_1187 {strides = array<i32>} : memref<128x128xi32, #tpu.memory_space<vmem>>, vector<1x16xi32>,
      %add3A_1188 = arith.constant 48 : i32
      %add3A_1189 = arith.addi %mul3A_1127, %add3A_1188 : i32
      %get3A_1190 = arith.index_cast %div3A_1123 : i32 to index
      %get3A_1191 = arith.index_cast %add3A_1189 : i32 to index
      %get3A_1192 = tpu.vector_load %arg5[%get3A_1190, %get3A_1191] {strides = array<i32>} : memref<128x128xi32, #tpu.memory_space<vmem>>, vector<1x16xi32>,
      %get3A_1193 = vector.shape_cast %get3A_1192 : vector<1x16xi32> to vector<16xi32>
      %mul3A_1194 = arith.constant 128 : i32
      %mul3A_1195 = vector.broadcast %mul3A_1194 : i32 to vector<16xi32>
      %mul3A_1196 = arith.muli %get3A_1193, %mul3A_1195 : vector<16xi32>
      %add3A_1197 = vector.broadcast %mul3A_1127 : i32 to vector<16xi32>
      %add3A_1198 = arith.addi %iota3A, %add3A_1197 : vector<16xi32>
      %add3A_1199 = arith.constant 48 : i32
      %add3A_1200 = vector.broadcast %add3A_1199 : i32 to vector<16xi32>
      %add3A_1201 = arith.addi %add3A_1198, %add3A_1200 : vector<16xi32>
      %add3A_1202 = arith.addi %mul3A_1196, %add3A_1201 : vector<16xi32>
      %swap3A_1203 = arith.index_cast %div3A_1123 : i32 to index
      %swap3A_1204 = arith.index_cast %add3A_1189 : i32 to index
      %swap3A_1205 = tpu.vector_load %arg5[%swap3A_1203, %swap3A_1204] {strides = array<i32>} : memref<128x128xi32, #tpu.memory_space<vmem>>, vector<1x16xi32>,
      %swap3A_1206 = vector.shape_cast %swap3A_1205 : vector<1x16xi32> to vector<16xi32>
      %swap3A_1207 = vector.shape_cast %add3A_1202 : vector<16xi32> to vector<1x16xi32>
      tpu.vector_store %arg5[%swap3A_1203, %swap3A_1204], %swap3A_1207 {strides = array<i32>} : memref<128x128xi32, #tpu.memory_space<vmem>>, vector<1x16xi32>,
      %gt3A_1208 = arith.constant 0 : i32
      %gt3A_1209 = arith.cmpi sgt, %scan3A_600, %gt3A_1208 : i32
      %convert_element_type3A_1210 = arith.extui %gt3A_1209 : i1 to i32
      %cond3A_1211 = arith.constant 0 : i32
      %cond3A_1212 = arith.cmpi ne, %convert_element_type3A_1210, %cond3A_1211 : i32
      scf.if %cond3A_1212 {
        %mul3A_2088 = arith.constant 64 : i32
        %mul3A_2089 = arith.muli %add3A_1121, %mul3A_2088 : i32
        %add3A_2090 = arith.addi %mul3A_22, %mul3A_2089 : i32
        %dma_wait3A_2091 = arith.constant 0 : i32
        %dma_wait3A_2092 = tpu.memref_slice %arg4[%add3A_2090, %dma_wait3A_2091] : memref<524288x128xf32, #tpu.memory_space<hbm>> -> memref<64x128xf32, #tpu.memory_space<hbm>>
        %dma_wait3A_2093 = arith.constant 0 : i32
        %dma_wait3A_2094 = tpu.memref_slice %arg4[%add3A_2090, %dma_wait3A_2093] : memref<524288x128xf32, #tpu.memory_space<hbm>> -> memref<64x128xf32, #tpu.memory_space<hbm>>
        tpu.wait_dma2 semaphore(%arg36 : memref<!tpu.dma_semaphore, #tpu.memory_space<semaphore_mem>>) src(%arg12 : memref<64x128xf32, #tpu.memory_space<vmem>>) dst(%dma_wait3A_2094 : memref<64x128xf32, #tpu.memory_space<hbm>>)
      } else {
      }
      %div3A_1213 = arith.constant 2 : i32
      %div3A_1214 = arith.divsi %add3A_1121, %div3A_1213 : i32
      %rem3A_1215 = arith.constant 2 : i32
      %rem3A_1216 = arith.remsi %add3A_1121, %rem3A_1215 : i32
      %mul3A_1217 = arith.constant 64 : i32
      %mul3A_1218 = arith.muli %rem3A_1216, %mul3A_1217 : i32
      %dma_start3A_1219 = tpu.memref_slice %arg5[%div3A_1214, %mul3A_1218] : memref<128x128xi32, #tpu.memory_space<vmem>> -> memref<1x64xi32, #tpu.memory_space<vmem>>
      %dma_start3A_1220 = tpu.memref_squeeze %dma_start3A_1219 : memref<1x64xi32, #tpu.memory_space<vmem>> -> memref<64xi32, #tpu.memory_space<vmem>>
      %dma_start3A_1221 = arith.constant 0 : i32
      %dma_start3A_1222 = arith.constant 0 : i32
      %dma_start3A_1223 = tpu.memref_slice %arg6[%dma_start3A_1221, %dma_start3A_1222] : memref<1152x128xf32, #tpu.memory_space<vmem_shared>> -> memref<1152x128xf32, #tpu.memory_space<vmem_shared>>
      tpu.enqueue_indirect_dma source(%dma_start3A_1223 : memref<1152x128xf32, #tpu.memory_space<vmem_shared>>) target(%arg12 : memref<64x128xf32, #tpu.memory_space<vmem>>) offsets(%dma_start3A_1220 : memref<64xi32, #tpu.memory_space<vmem>>) semaphore(%arg24 : memref<!tpu.dma_semaphore, #tpu.memory_space<semaphore_mem>>)
      %add3A_1224 = arith.constant 6 : i32
      %add3A_1225 = arith.addi %mul3A_602, %add3A_1224 : i32
      %div3A_1226 = arith.constant 2 : i32
      %div3A_1227 = arith.divsi %add3A_1225, %div3A_1226 : i32
      %rem3A_1228 = arith.constant 2 : i32
      %rem3A_1229 = arith.remsi %add3A_1225, %rem3A_1228 : i32
      %mul3A_1230 = arith.constant 64 : i32
      %mul3A_1231 = arith.muli %rem3A_1229, %mul3A_1230 : i32
      %add3A_1232 = arith.constant 0 : i32
      %add3A_1233 = arith.addi %mul3A_1231, %add3A_1232 : i32
      %get3A_1234 = arith.index_cast %div3A_1227 : i32 to index
      %get3A_1235 = arith.index_cast %add3A_1233 : i32 to index
      %get3A_1236 = tpu.vector_load %arg5[%get3A_1234, %get3A_1235] {strides = array<i32>} : memref<128x128xi32, #tpu.memory_space<vmem>>, vector<1x16xi32>,
      %get3A_1237 = vector.shape_cast %get3A_1236 : vector<1x16xi32> to vector<16xi32>
      %mul3A_1238 = arith.constant 128 : i32
      %mul3A_1239 = vector.broadcast %mul3A_1238 : i32 to vector<16xi32>
      %mul3A_1240 = arith.muli %get3A_1237, %mul3A_1239 : vector<16xi32>
      %add3A_1241 = vector.broadcast %mul3A_1231 : i32 to vector<16xi32>
      %add3A_1242 = arith.addi %iota3A, %add3A_1241 : vector<16xi32>
      %add3A_1243 = arith.constant 0 : i32
      %add3A_1244 = vector.broadcast %add3A_1243 : i32 to vector<16xi32>
      %add3A_1245 = arith.addi %add3A_1242, %add3A_1244 : vector<16xi32>
      %add3A_1246 = arith.addi %mul3A_1240, %add3A_1245 : vector<16xi32>
      %swap3A_1247 = arith.index_cast %div3A_1227 : i32 to index
      %swap3A_1248 = arith.index_cast %add3A_1233 : i32 to index
      %swap3A_1249 = tpu.vector_load %arg5[%swap3A_1247, %swap3A_1248] {strides = array<i32>} : memref<128x128xi32, #tpu.memory_space<vmem>>, vector<1x16xi32>,
      %swap3A_1250 = vector.shape_cast %swap3A_1249 : vector<1x16xi32> to vector<16xi32>
      %swap3A_1251 = vector.shape_cast %add3A_1246 : vector<16xi32> to vector<1x16xi32>
      tpu.vector_store %arg5[%swap3A_1247, %swap3A_1248], %swap3A_1251 {strides = array<i32>} : memref<128x128xi32, #tpu.memory_space<vmem>>, vector<1x16xi32>,
      %add3A_1252 = arith.constant 16 : i32
      %add3A_1253 = arith.addi %mul3A_1231, %add3A_1252 : i32
      %get3A_1254 = arith.index_cast %div3A_1227 : i32 to index
      %get3A_1255 = arith.index_cast %add3A_1253 : i32 to index
      %get3A_1256 = tpu.vector_load %arg5[%get3A_1254, %get3A_1255] {strides = array<i32>} : memref<128x128xi32, #tpu.memory_space<vmem>>, vector<1x16xi32>,
      %get3A_1257 = vector.shape_cast %get3A_1256 : vector<1x16xi32> to vector<16xi32>
      %mul3A_1258 = arith.constant 128 : i32
      %mul3A_1259 = vector.broadcast %mul3A_1258 : i32 to vector<16xi32>
      %mul3A_1260 = arith.muli %get3A_1257, %mul3A_1259 : vector<16xi32>
      %add3A_1261 = vector.broadcast %mul3A_1231 : i32 to vector<16xi32>
      %add3A_1262 = arith.addi %iota3A, %add3A_1261 : vector<16xi32>
      %add3A_1263 = arith.constant 16 : i32
      %add3A_1264 = vector.broadcast %add3A_1263 : i32 to vector<16xi32>
      %add3A_1265 = arith.addi %add3A_1262, %add3A_1264 : vector<16xi32>
      %add3A_1266 = arith.addi %mul3A_1260, %add3A_1265 : vector<16xi32>
      %swap3A_1267 = arith.index_cast %div3A_1227 : i32 to index
      %swap3A_1268 = arith.index_cast %add3A_1253 : i32 to index
      %swap3A_1269 = tpu.vector_load %arg5[%swap3A_1267, %swap3A_1268] {strides = array<i32>} : memref<128x128xi32, #tpu.memory_space<vmem>>, vector<1x16xi32>,
      %swap3A_1270 = vector.shape_cast %swap3A_1269 : vector<1x16xi32> to vector<16xi32>
      %swap3A_1271 = vector.shape_cast %add3A_1266 : vector<16xi32> to vector<1x16xi32>
      tpu.vector_store %arg5[%swap3A_1267, %swap3A_1268], %swap3A_1271 {strides = array<i32>} : memref<128x128xi32, #tpu.memory_space<vmem>>, vector<1x16xi32>,
      %add3A_1272 = arith.constant 32 : i32
      %add3A_1273 = arith.addi %mul3A_1231, %add3A_1272 : i32
      %get3A_1274 = arith.index_cast %div3A_1227 : i32 to index
      %get3A_1275 = arith.index_cast %add3A_1273 : i32 to index
      %get3A_1276 = tpu.vector_load %arg5[%get3A_1274, %get3A_1275] {strides = array<i32>} : memref<128x128xi32, #tpu.memory_space<vmem>>, vector<1x16xi32>,
      %get3A_1277 = vector.shape_cast %get3A_1276 : vector<1x16xi32> to vector<16xi32>
      %mul3A_1278 = arith.constant 128 : i32
      %mul3A_1279 = vector.broadcast %mul3A_1278 : i32 to vector<16xi32>
      %mul3A_1280 = arith.muli %get3A_1277, %mul3A_1279 : vector<16xi32>
      %add3A_1281 = vector.broadcast %mul3A_1231 : i32 to vector<16xi32>
      %add3A_1282 = arith.addi %iota3A, %add3A_1281 : vector<16xi32>
      %add3A_1283 = arith.constant 32 : i32
      %add3A_1284 = vector.broadcast %add3A_1283 : i32 to vector<16xi32>
      %add3A_1285 = arith.addi %add3A_1282, %add3A_1284 : vector<16xi32>
      %add3A_1286 = arith.addi %mul3A_1280, %add3A_1285 : vector<16xi32>
      %swap3A_1287 = arith.index_cast %div3A_1227 : i32 to index
      %swap3A_1288 = arith.index_cast %add3A_1273 : i32 to index
      %swap3A_1289 = tpu.vector_load %arg5[%swap3A_1287, %swap3A_1288] {strides = array<i32>} : memref<128x128xi32, #tpu.memory_space<vmem>>, vector<1x16xi32>,
      %swap3A_1290 = vector.shape_cast %swap3A_1289 : vector<1x16xi32> to vector<16xi32>
      %swap3A_1291 = vector.shape_cast %add3A_1286 : vector<16xi32> to vector<1x16xi32>
      tpu.vector_store %arg5[%swap3A_1287, %swap3A_1288], %swap3A_1291 {strides = array<i32>} : memref<128x128xi32, #tpu.memory_space<vmem>>, vector<1x16xi32>,
      %add3A_1292 = arith.constant 48 : i32
      %add3A_1293 = arith.addi %mul3A_1231, %add3A_1292 : i32
      %get3A_1294 = arith.index_cast %div3A_1227 : i32 to index
      %get3A_1295 = arith.index_cast %add3A_1293 : i32 to index
      %get3A_1296 = tpu.vector_load %arg5[%get3A_1294, %get3A_1295] {strides = array<i32>} : memref<128x128xi32, #tpu.memory_space<vmem>>, vector<1x16xi32>,
      %get3A_1297 = vector.shape_cast %get3A_1296 : vector<1x16xi32> to vector<16xi32>
      %mul3A_1298 = arith.constant 128 : i32
      %mul3A_1299 = vector.broadcast %mul3A_1298 : i32 to vector<16xi32>
      %mul3A_1300 = arith.muli %get3A_1297, %mul3A_1299 : vector<16xi32>
      %add3A_1301 = vector.broadcast %mul3A_1231 : i32 to vector<16xi32>
      %add3A_1302 = arith.addi %iota3A, %add3A_1301 : vector<16xi32>
      %add3A_1303 = arith.constant 48 : i32
      %add3A_1304 = vector.broadcast %add3A_1303 : i32 to vector<16xi32>
      %add3A_1305 = arith.addi %add3A_1302, %add3A_1304 : vector<16xi32>
      %add3A_1306 = arith.addi %mul3A_1300, %add3A_1305 : vector<16xi32>
      %swap3A_1307 = arith.index_cast %div3A_1227 : i32 to index
      %swap3A_1308 = arith.index_cast %add3A_1293 : i32 to index
      %swap3A_1309 = tpu.vector_load %arg5[%swap3A_1307, %swap3A_1308] {strides = array<i32>} : memref<128x128xi32, #tpu.memory_space<vmem>>, vector<1x16xi32>,
      %swap3A_1310 = vector.shape_cast %swap3A_1309 : vector<1x16xi32> to vector<16xi32>
      %swap3A_1311 = vector.shape_cast %add3A_1306 : vector<16xi32> to vector<1x16xi32>
      tpu.vector_store %arg5[%swap3A_1307, %swap3A_1308], %swap3A_1311 {strides = array<i32>} : memref<128x128xi32, #tpu.memory_space<vmem>>, vector<1x16xi32>,
      %gt3A_1312 = arith.constant 0 : i32
      %gt3A_1313 = arith.cmpi sgt, %scan3A_600, %gt3A_1312 : i32
      %convert_element_type3A_1314 = arith.extui %gt3A_1313 : i1 to i32
      %cond3A_1315 = arith.constant 0 : i32
      %cond3A_1316 = arith.cmpi ne, %convert_element_type3A_1314, %cond3A_1315 : i32
      scf.if %cond3A_1316 {
        %mul3A_2088 = arith.constant 64 : i32
        %mul3A_2089 = arith.muli %add3A_1225, %mul3A_2088 : i32
        %add3A_2090 = arith.addi %mul3A_22, %mul3A_2089 : i32
        %dma_wait3A_2091 = arith.constant 0 : i32
        %dma_wait3A_2092 = tpu.memref_slice %arg4[%add3A_2090, %dma_wait3A_2091] : memref<524288x128xf32, #tpu.memory_space<hbm>> -> memref<64x128xf32, #tpu.memory_space<hbm>>
        %dma_wait3A_2093 = arith.constant 0 : i32
        %dma_wait3A_2094 = tpu.memref_slice %arg4[%add3A_2090, %dma_wait3A_2093] : memref<524288x128xf32, #tpu.memory_space<hbm>> -> memref<64x128xf32, #tpu.memory_space<hbm>>
        tpu.wait_dma2 semaphore(%arg37 : memref<!tpu.dma_semaphore, #tpu.memory_space<semaphore_mem>>) src(%arg13 : memref<64x128xf32, #tpu.memory_space<vmem>>) dst(%dma_wait3A_2094 : memref<64x128xf32, #tpu.memory_space<hbm>>)
      } else {
      }
      %div3A_1317 = arith.constant 2 : i32
      %div3A_1318 = arith.divsi %add3A_1225, %div3A_1317 : i32
      %rem3A_1319 = arith.constant 2 : i32
      %rem3A_1320 = arith.remsi %add3A_1225, %rem3A_1319 : i32
      %mul3A_1321 = arith.constant 64 : i32
      %mul3A_1322 = arith.muli %rem3A_1320, %mul3A_1321 : i32
      %dma_start3A_1323 = tpu.memref_slice %arg5[%div3A_1318, %mul3A_1322] : memref<128x128xi32, #tpu.memory_space<vmem>> -> memref<1x64xi32, #tpu.memory_space<vmem>>
      %dma_start3A_1324 = tpu.memref_squeeze %dma_start3A_1323 : memref<1x64xi32, #tpu.memory_space<vmem>> -> memref<64xi32, #tpu.memory_space<vmem>>
      %dma_start3A_1325 = arith.constant 0 : i32
      %dma_start3A_1326 = arith.constant 0 : i32
      %dma_start3A_1327 = tpu.memref_slice %arg6[%dma_start3A_1325, %dma_start3A_1326] : memref<1152x128xf32, #tpu.memory_space<vmem_shared>> -> memref<1152x128xf32, #tpu.memory_space<vmem_shared>>
      tpu.enqueue_indirect_dma source(%dma_start3A_1327 : memref<1152x128xf32, #tpu.memory_space<vmem_shared>>) target(%arg13 : memref<64x128xf32, #tpu.memory_space<vmem>>) offsets(%dma_start3A_1324 : memref<64xi32, #tpu.memory_space<vmem>>) semaphore(%arg25 : memref<!tpu.dma_semaphore, #tpu.memory_space<semaphore_mem>>)
      %add3A_1328 = arith.constant 7 : i32
      %add3A_1329 = arith.addi %mul3A_602, %add3A_1328 : i32
      %div3A_1330 = arith.constant 2 : i32
      %div3A_1331 = arith.divsi %add3A_1329, %div3A_1330 : i32
      %rem3A_1332 = arith.constant 2 : i32
      %rem3A_1333 = arith.remsi %add3A_1329, %rem3A_1332 : i32
      %mul3A_1334 = arith.constant 64 : i32
      %mul3A_1335 = arith.muli %rem3A_1333, %mul3A_1334 : i32
      %add3A_1336 = arith.constant 0 : i32
      %add3A_1337 = arith.addi %mul3A_1335, %add3A_1336 : i32
      %get3A_1338 = arith.index_cast %div3A_1331 : i32 to index
      %get3A_1339 = arith.index_cast %add3A_1337 : i32 to index
      %get3A_1340 = tpu.vector_load %arg5[%get3A_1338, %get3A_1339] {strides = array<i32>} : memref<128x128xi32, #tpu.memory_space<vmem>>, vector<1x16xi32>,
      %get3A_1341 = vector.shape_cast %get3A_1340 : vector<1x16xi32> to vector<16xi32>
      %mul3A_1342 = arith.constant 128 : i32
      %mul3A_1343 = vector.broadcast %mul3A_1342 : i32 to vector<16xi32>
      %mul3A_1344 = arith.muli %get3A_1341, %mul3A_1343 : vector<16xi32>
      %add3A_1345 = vector.broadcast %mul3A_1335 : i32 to vector<16xi32>
      %add3A_1346 = arith.addi %iota3A, %add3A_1345 : vector<16xi32>
      %add3A_1347 = arith.constant 0 : i32
      %add3A_1348 = vector.broadcast %add3A_1347 : i32 to vector<16xi32>
      %add3A_1349 = arith.addi %add3A_1346, %add3A_1348 : vector<16xi32>
      %add3A_1350 = arith.addi %mul3A_1344, %add3A_1349 : vector<16xi32>
      %swap3A_1351 = arith.index_cast %div3A_1331 : i32 to index
      %swap3A_1352 = arith.index_cast %add3A_1337 : i32 to index
      %swap3A_1353 = tpu.vector_load %arg5[%swap3A_1351, %swap3A_1352] {strides = array<i32>} : memref<128x128xi32, #tpu.memory_space<vmem>>, vector<1x16xi32>,
      %swap3A_1354 = vector.shape_cast %swap3A_1353 : vector<1x16xi32> to vector<16xi32>
      %swap3A_1355 = vector.shape_cast %add3A_1350 : vector<16xi32> to vector<1x16xi32>
      tpu.vector_store %arg5[%swap3A_1351, %swap3A_1352], %swap3A_1355 {strides = array<i32>} : memref<128x128xi32, #tpu.memory_space<vmem>>, vector<1x16xi32>,
      %add3A_1356 = arith.constant 16 : i32
      %add3A_1357 = arith.addi %mul3A_1335, %add3A_1356 : i32
      %get3A_1358 = arith.index_cast %div3A_1331 : i32 to index
      %get3A_1359 = arith.index_cast %add3A_1357 : i32 to index
      %get3A_1360 = tpu.vector_load %arg5[%get3A_1358, %get3A_1359] {strides = array<i32>} : memref<128x128xi32, #tpu.memory_space<vmem>>, vector<1x16xi32>,
      %get3A_1361 = vector.shape_cast %get3A_1360 : vector<1x16xi32> to vector<16xi32>
      %mul3A_1362 = arith.constant 128 : i32
      %mul3A_1363 = vector.broadcast %mul3A_1362 : i32 to vector<16xi32>
      %mul3A_1364 = arith.muli %get3A_1361, %mul3A_1363 : vector<16xi32>
      %add3A_1365 = vector.broadcast %mul3A_1335 : i32 to vector<16xi32>
      %add3A_1366 = arith.addi %iota3A, %add3A_1365 : vector<16xi32>
      %add3A_1367 = arith.constant 16 : i32
      %add3A_1368 = vector.broadcast %add3A_1367 : i32 to vector<16xi32>
      %add3A_1369 = arith.addi %add3A_1366, %add3A_1368 : vector<16xi32>
      %add3A_1370 = arith.addi %mul3A_1364, %add3A_1369 : vector<16xi32>
      %swap3A_1371 = arith.index_cast %div3A_1331 : i32 to index
      %swap3A_1372 = arith.index_cast %add3A_1357 : i32 to index
      %swap3A_1373 = tpu.vector_load %arg5[%swap3A_1371, %swap3A_1372] {strides = array<i32>} : memref<128x128xi32, #tpu.memory_space<vmem>>, vector<1x16xi32>,
      %swap3A_1374 = vector.shape_cast %swap3A_1373 : vector<1x16xi32> to vector<16xi32>
      %swap3A_1375 = vector.shape_cast %add3A_1370 : vector<16xi32> to vector<1x16xi32>
      tpu.vector_store %arg5[%swap3A_1371, %swap3A_1372], %swap3A_1375 {strides = array<i32>} : memref<128x128xi32, #tpu.memory_space<vmem>>, vector<1x16xi32>,
      %add3A_1376 = arith.constant 32 : i32
      %add3A_1377 = arith.addi %mul3A_1335, %add3A_1376 : i32
      %get3A_1378 = arith.index_cast %div3A_1331 : i32 to index
      %get3A_1379 = arith.index_cast %add3A_1377 : i32 to index
      %get3A_1380 = tpu.vector_load %arg5[%get3A_1378, %get3A_1379] {strides = array<i32>} : memref<128x128xi32, #tpu.memory_space<vmem>>, vector<1x16xi32>,
      %get3A_1381 = vector.shape_cast %get3A_1380 : vector<1x16xi32> to vector<16xi32>
      %mul3A_1382 = arith.constant 128 : i32
      %mul3A_1383 = vector.broadcast %mul3A_1382 : i32 to vector<16xi32>
      %mul3A_1384 = arith.muli %get3A_1381, %mul3A_1383 : vector<16xi32>
      %add3A_1385 = vector.broadcast %mul3A_1335 : i32 to vector<16xi32>
      %add3A_1386 = arith.addi %iota3A, %add3A_1385 : vector<16xi32>
      %add3A_1387 = arith.constant 32 : i32
      %add3A_1388 = vector.broadcast %add3A_1387 : i32 to vector<16xi32>
      %add3A_1389 = arith.addi %add3A_1386, %add3A_1388 : vector<16xi32>
      %add3A_1390 = arith.addi %mul3A_1384, %add3A_1389 : vector<16xi32>
      %swap3A_1391 = arith.index_cast %div3A_1331 : i32 to index
      %swap3A_1392 = arith.index_cast %add3A_1377 : i32 to index
      %swap3A_1393 = tpu.vector_load %arg5[%swap3A_1391, %swap3A_1392] {strides = array<i32>} : memref<128x128xi32, #tpu.memory_space<vmem>>, vector<1x16xi32>,
      %swap3A_1394 = vector.shape_cast %swap3A_1393 : vector<1x16xi32> to vector<16xi32>
      %swap3A_1395 = vector.shape_cast %add3A_1390 : vector<16xi32> to vector<1x16xi32>
      tpu.vector_store %arg5[%swap3A_1391, %swap3A_1392], %swap3A_1395 {strides = array<i32>} : memref<128x128xi32, #tpu.memory_space<vmem>>, vector<1x16xi32>,
      %add3A_1396 = arith.constant 48 : i32
      %add3A_1397 = arith.addi %mul3A_1335, %add3A_1396 : i32
      %get3A_1398 = arith.index_cast %div3A_1331 : i32 to index
      %get3A_1399 = arith.index_cast %add3A_1397 : i32 to index
      %get3A_1400 = tpu.vector_load %arg5[%get3A_1398, %get3A_1399] {strides = array<i32>} : memref<128x128xi32, #tpu.memory_space<vmem>>, vector<1x16xi32>,
      %get3A_1401 = vector.shape_cast %get3A_1400 : vector<1x16xi32> to vector<16xi32>
      %mul3A_1402 = arith.constant 128 : i32
      %mul3A_1403 = vector.broadcast %mul3A_1402 : i32 to vector<16xi32>
      %mul3A_1404 = arith.muli %get3A_1401, %mul3A_1403 : vector<16xi32>
      %add3A_1405 = vector.broadcast %mul3A_1335 : i32 to vector<16xi32>
      %add3A_1406 = arith.addi %iota3A, %add3A_1405 : vector<16xi32>
      %add3A_1407 = arith.constant 48 : i32
      %add3A_1408 = vector.broadcast %add3A_1407 : i32 to vector<16xi32>
      %add3A_1409 = arith.addi %add3A_1406, %add3A_1408 : vector<16xi32>
      %add3A_1410 = arith.addi %mul3A_1404, %add3A_1409 : vector<16xi32>
      %swap3A_1411 = arith.index_cast %div3A_1331 : i32 to index
      %swap3A_1412 = arith.index_cast %add3A_1397 : i32 to index
      %swap3A_1413 = tpu.vector_load %arg5[%swap3A_1411, %swap3A_1412] {strides = array<i32>} : memref<128x128xi32, #tpu.memory_space<vmem>>, vector<1x16xi32>,
      %swap3A_1414 = vector.shape_cast %swap3A_1413 : vector<1x16xi32> to vector<16xi32>
      %swap3A_1415 = vector.shape_cast %add3A_1410 : vector<16xi32> to vector<1x16xi32>
      tpu.vector_store %arg5[%swap3A_1411, %swap3A_1412], %swap3A_1415 {strides = array<i32>} : memref<128x128xi32, #tpu.memory_space<vmem>>, vector<1x16xi32>,
      %gt3A_1416 = arith.constant 0 : i32
      %gt3A_1417 = arith.cmpi sgt, %scan3A_600, %gt3A_1416 : i32
      %convert_element_type3A_1418 = arith.extui %gt3A_1417 : i1 to i32
      %cond3A_1419 = arith.constant 0 : i32
      %cond3A_1420 = arith.cmpi ne, %convert_element_type3A_1418, %cond3A_1419 : i32
      scf.if %cond3A_1420 {
        %mul3A_2088 = arith.constant 64 : i32
        %mul3A_2089 = arith.muli %add3A_1329, %mul3A_2088 : i32
        %add3A_2090 = arith.addi %mul3A_22, %mul3A_2089 : i32
        %dma_wait3A_2091 = arith.constant 0 : i32
        %dma_wait3A_2092 = tpu.memref_slice %arg4[%add3A_2090, %dma_wait3A_2091] : memref<524288x128xf32, #tpu.memory_space<hbm>> -> memref<64x128xf32, #tpu.memory_space<hbm>>
        %dma_wait3A_2093 = arith.constant 0 : i32
        %dma_wait3A_2094 = tpu.memref_slice %arg4[%add3A_2090, %dma_wait3A_2093] : memref<524288x128xf32, #tpu.memory_space<hbm>> -> memref<64x128xf32, #tpu.memory_space<hbm>>
        tpu.wait_dma2 semaphore(%arg38 : memref<!tpu.dma_semaphore, #tpu.memory_space<semaphore_mem>>) src(%arg14 : memref<64x128xf32, #tpu.memory_space<vmem>>) dst(%dma_wait3A_2094 : memref<64x128xf32, #tpu.memory_space<hbm>>)
      } else {
      }
      %div3A_1421 = arith.constant 2 : i32
      %div3A_1422 = arith.divsi %add3A_1329, %div3A_1421 : i32
      %rem3A_1423 = arith.constant 2 : i32
      %rem3A_1424 = arith.remsi %add3A_1329, %rem3A_1423 : i32
      %mul3A_1425 = arith.constant 64 : i32
      %mul3A_1426 = arith.muli %rem3A_1424, %mul3A_1425 : i32
      %dma_start3A_1427 = tpu.memref_slice %arg5[%div3A_1422, %mul3A_1426] : memref<128x128xi32, #tpu.memory_space<vmem>> -> memref<1x64xi32, #tpu.memory_space<vmem>>
      %dma_start3A_1428 = tpu.memref_squeeze %dma_start3A_1427 : memref<1x64xi32, #tpu.memory_space<vmem>> -> memref<64xi32, #tpu.memory_space<vmem>>
      %dma_start3A_1429 = arith.constant 0 : i32
      %dma_start3A_1430 = arith.constant 0 : i32
      %dma_start3A_1431 = tpu.memref_slice %arg6[%dma_start3A_1429, %dma_start3A_1430] : memref<1152x128xf32, #tpu.memory_space<vmem_shared>> -> memref<1152x128xf32, #tpu.memory_space<vmem_shared>>
      tpu.enqueue_indirect_dma source(%dma_start3A_1431 : memref<1152x128xf32, #tpu.memory_space<vmem_shared>>) target(%arg14 : memref<64x128xf32, #tpu.memory_space<vmem>>) offsets(%dma_start3A_1428 : memref<64xi32, #tpu.memory_space<vmem>>) semaphore(%arg26 : memref<!tpu.dma_semaphore, #tpu.memory_space<semaphore_mem>>)
      %add3A_1432 = arith.constant 8 : i32
      %add3A_1433 = arith.addi %mul3A_602, %add3A_1432 : i32
      %div3A_1434 = arith.constant 2 : i32
      %div3A_1435 = arith.divsi %add3A_1433, %div3A_1434 : i32
      %rem3A_1436 = arith.constant 2 : i32
      %rem3A_1437 = arith.remsi %add3A_1433, %rem3A_1436 : i32
      %mul3A_1438 = arith.constant 64 : i32
      %mul3A_1439 = arith.muli %rem3A_1437, %mul3A_1438 : i32
      %add3A_1440 = arith.constant 0 : i32
      %add3A_1441 = arith.addi %mul3A_1439, %add3A_1440 : i32
      %get3A_1442 = arith.index_cast %div3A_1435 : i32 to index
      %get3A_1443 = arith.index_cast %add3A_1441 : i32 to index
      %get3A_1444 = tpu.vector_load %arg5[%get3A_1442, %get3A_1443] {strides = array<i32>} : memref<128x128xi32, #tpu.memory_space<vmem>>, vector<1x16xi32>,
      %get3A_1445 = vector.shape_cast %get3A_1444 : vector<1x16xi32> to vector<16xi32>
      %mul3A_1446 = arith.constant 128 : i32
      %mul3A_1447 = vector.broadcast %mul3A_1446 : i32 to vector<16xi32>
      %mul3A_1448 = arith.muli %get3A_1445, %mul3A_1447 : vector<16xi32>
      %add3A_1449 = vector.broadcast %mul3A_1439 : i32 to vector<16xi32>
      %add3A_1450 = arith.addi %iota3A, %add3A_1449 : vector<16xi32>
      %add3A_1451 = arith.constant 0 : i32
      %add3A_1452 = vector.broadcast %add3A_1451 : i32 to vector<16xi32>
      %add3A_1453 = arith.addi %add3A_1450, %add3A_1452 : vector<16xi32>
      %add3A_1454 = arith.addi %mul3A_1448, %add3A_1453 : vector<16xi32>
      %swap3A_1455 = arith.index_cast %div3A_1435 : i32 to index
      %swap3A_1456 = arith.index_cast %add3A_1441 : i32 to index
      %swap3A_1457 = tpu.vector_load %arg5[%swap3A_1455, %swap3A_1456] {strides = array<i32>} : memref<128x128xi32, #tpu.memory_space<vmem>>, vector<1x16xi32>,
      %swap3A_1458 = vector.shape_cast %swap3A_1457 : vector<1x16xi32> to vector<16xi32>
      %swap3A_1459 = vector.shape_cast %add3A_1454 : vector<16xi32> to vector<1x16xi32>
      tpu.vector_store %arg5[%swap3A_1455, %swap3A_1456], %swap3A_1459 {strides = array<i32>} : memref<128x128xi32, #tpu.memory_space<vmem>>, vector<1x16xi32>,
      %add3A_1460 = arith.constant 16 : i32
      %add3A_1461 = arith.addi %mul3A_1439, %add3A_1460 : i32
      %get3A_1462 = arith.index_cast %div3A_1435 : i32 to index
      %get3A_1463 = arith.index_cast %add3A_1461 : i32 to index
      %get3A_1464 = tpu.vector_load %arg5[%get3A_1462, %get3A_1463] {strides = array<i32>} : memref<128x128xi32, #tpu.memory_space<vmem>>, vector<1x16xi32>,
      %get3A_1465 = vector.shape_cast %get3A_1464 : vector<1x16xi32> to vector<16xi32>
      %mul3A_1466 = arith.constant 128 : i32
      %mul3A_1467 = vector.broadcast %mul3A_1466 : i32 to vector<16xi32>
      %mul3A_1468 = arith.muli %get3A_1465, %mul3A_1467 : vector<16xi32>
      %add3A_1469 = vector.broadcast %mul3A_1439 : i32 to vector<16xi32>
      %add3A_1470 = arith.addi %iota3A, %add3A_1469 : vector<16xi32>
      %add3A_1471 = arith.constant 16 : i32
      %add3A_1472 = vector.broadcast %add3A_1471 : i32 to vector<16xi32>
      %add3A_1473 = arith.addi %add3A_1470, %add3A_1472 : vector<16xi32>
      %add3A_1474 = arith.addi %mul3A_1468, %add3A_1473 : vector<16xi32>
      %swap3A_1475 = arith.index_cast %div3A_1435 : i32 to index
      %swap3A_1476 = arith.index_cast %add3A_1461 : i32 to index
      %swap3A_1477 = tpu.vector_load %arg5[%swap3A_1475, %swap3A_1476] {strides = array<i32>} : memref<128x128xi32, #tpu.memory_space<vmem>>, vector<1x16xi32>,
      %swap3A_1478 = vector.shape_cast %swap3A_1477 : vector<1x16xi32> to vector<16xi32>
      %swap3A_1479 = vector.shape_cast %add3A_1474 : vector<16xi32> to vector<1x16xi32>
      tpu.vector_store %arg5[%swap3A_1475, %swap3A_1476], %swap3A_1479 {strides = array<i32>} : memref<128x128xi32, #tpu.memory_space<vmem>>, vector<1x16xi32>,
      %add3A_1480 = arith.constant 32 : i32
      %add3A_1481 = arith.addi %mul3A_1439, %add3A_1480 : i32
      %get3A_1482 = arith.index_cast %div3A_1435 : i32 to index
      %get3A_1483 = arith.index_cast %add3A_1481 : i32 to index
      %get3A_1484 = tpu.vector_load %arg5[%get3A_1482, %get3A_1483] {strides = array<i32>} : memref<128x128xi32, #tpu.memory_space<vmem>>, vector<1x16xi32>,
      %get3A_1485 = vector.shape_cast %get3A_1484 : vector<1x16xi32> to vector<16xi32>
      %mul3A_1486 = arith.constant 128 : i32
      %mul3A_1487 = vector.broadcast %mul3A_1486 : i32 to vector<16xi32>
      %mul3A_1488 = arith.muli %get3A_1485, %mul3A_1487 : vector<16xi32>
      %add3A_1489 = vector.broadcast %mul3A_1439 : i32 to vector<16xi32>
      %add3A_1490 = arith.addi %iota3A, %add3A_1489 : vector<16xi32>
      %add3A_1491 = arith.constant 32 : i32
      %add3A_1492 = vector.broadcast %add3A_1491 : i32 to vector<16xi32>
      %add3A_1493 = arith.addi %add3A_1490, %add3A_1492 : vector<16xi32>
      %add3A_1494 = arith.addi %mul3A_1488, %add3A_1493 : vector<16xi32>
      %swap3A_1495 = arith.index_cast %div3A_1435 : i32 to index
      %swap3A_1496 = arith.index_cast %add3A_1481 : i32 to index
      %swap3A_1497 = tpu.vector_load %arg5[%swap3A_1495, %swap3A_1496] {strides = array<i32>} : memref<128x128xi32, #tpu.memory_space<vmem>>, vector<1x16xi32>,
      %swap3A_1498 = vector.shape_cast %swap3A_1497 : vector<1x16xi32> to vector<16xi32>
      %swap3A_1499 = vector.shape_cast %add3A_1494 : vector<16xi32> to vector<1x16xi32>
      tpu.vector_store %arg5[%swap3A_1495, %swap3A_1496], %swap3A_1499 {strides = array<i32>} : memref<128x128xi32, #tpu.memory_space<vmem>>, vector<1x16xi32>,
      %add3A_1500 = arith.constant 48 : i32
      %add3A_1501 = arith.addi %mul3A_1439, %add3A_1500 : i32
      %get3A_1502 = arith.index_cast %div3A_1435 : i32 to index
      %get3A_1503 = arith.index_cast %add3A_1501 : i32 to index
      %get3A_1504 = tpu.vector_load %arg5[%get3A_1502, %get3A_1503] {strides = array<i32>} : memref<128x128xi32, #tpu.memory_space<vmem>>, vector<1x16xi32>,
      %get3A_1505 = vector.shape_cast %get3A_1504 : vector<1x16xi32> to vector<16xi32>
      %mul3A_1506 = arith.constant 128 : i32
      %mul3A_1507 = vector.broadcast %mul3A_1506 : i32 to vector<16xi32>
      %mul3A_1508 = arith.muli %get3A_1505, %mul3A_1507 : vector<16xi32>
      %add3A_1509 = vector.broadcast %mul3A_1439 : i32 to vector<16xi32>
      %add3A_1510 = arith.addi %iota3A, %add3A_1509 : vector<16xi32>
      %add3A_1511 = arith.constant 48 : i32
      %add3A_1512 = vector.broadcast %add3A_1511 : i32 to vector<16xi32>
      %add3A_1513 = arith.addi %add3A_1510, %add3A_1512 : vector<16xi32>
      %add3A_1514 = arith.addi %mul3A_1508, %add3A_1513 : vector<16xi32>
      %swap3A_1515 = arith.index_cast %div3A_1435 : i32 to index
      %swap3A_1516 = arith.index_cast %add3A_1501 : i32 to index
      %swap3A_1517 = tpu.vector_load %arg5[%swap3A_1515, %swap3A_1516] {strides = array<i32>} : memref<128x128xi32, #tpu.memory_space<vmem>>, vector<1x16xi32>,
      %swap3A_1518 = vector.shape_cast %swap3A_1517 : vector<1x16xi32> to vector<16xi32>
      %swap3A_1519 = vector.shape_cast %add3A_1514 : vector<16xi32> to vector<1x16xi32>
      tpu.vector_store %arg5[%swap3A_1515, %swap3A_1516], %swap3A_1519 {strides = array<i32>} : memref<128x128xi32, #tpu.memory_space<vmem>>, vector<1x16xi32>,
      %gt3A_1520 = arith.constant 0 : i32
      %gt3A_1521 = arith.cmpi sgt, %scan3A_600, %gt3A_1520 : i32
      %convert_element_type3A_1522 = arith.extui %gt3A_1521 : i1 to i32
      %cond3A_1523 = arith.constant 0 : i32
      %cond3A_1524 = arith.cmpi ne, %convert_element_type3A_1522, %cond3A_1523 : i32
      scf.if %cond3A_1524 {
        %mul3A_2088 = arith.constant 64 : i32
        %mul3A_2089 = arith.muli %add3A_1433, %mul3A_2088 : i32
        %add3A_2090 = arith.addi %mul3A_22, %mul3A_2089 : i32
        %dma_wait3A_2091 = arith.constant 0 : i32
        %dma_wait3A_2092 = tpu.memref_slice %arg4[%add3A_2090, %dma_wait3A_2091] : memref<524288x128xf32, #tpu.memory_space<hbm>> -> memref<64x128xf32, #tpu.memory_space<hbm>>
        %dma_wait3A_2093 = arith.constant 0 : i32
        %dma_wait3A_2094 = tpu.memref_slice %arg4[%add3A_2090, %dma_wait3A_2093] : memref<524288x128xf32, #tpu.memory_space<hbm>> -> memref<64x128xf32, #tpu.memory_space<hbm>>
        tpu.wait_dma2 semaphore(%arg39 : memref<!tpu.dma_semaphore, #tpu.memory_space<semaphore_mem>>) src(%arg15 : memref<64x128xf32, #tpu.memory_space<vmem>>) dst(%dma_wait3A_2094 : memref<64x128xf32, #tpu.memory_space<hbm>>)
      } else {
      }
      %div3A_1525 = arith.constant 2 : i32
      %div3A_1526 = arith.divsi %add3A_1433, %div3A_1525 : i32
      %rem3A_1527 = arith.constant 2 : i32
      %rem3A_1528 = arith.remsi %add3A_1433, %rem3A_1527 : i32
      %mul3A_1529 = arith.constant 64 : i32
      %mul3A_1530 = arith.muli %rem3A_1528, %mul3A_1529 : i32
      %dma_start3A_1531 = tpu.memref_slice %arg5[%div3A_1526, %mul3A_1530] : memref<128x128xi32, #tpu.memory_space<vmem>> -> memref<1x64xi32, #tpu.memory_space<vmem>>
      %dma_start3A_1532 = tpu.memref_squeeze %dma_start3A_1531 : memref<1x64xi32, #tpu.memory_space<vmem>> -> memref<64xi32, #tpu.memory_space<vmem>>
      %dma_start3A_1533 = arith.constant 0 : i32
      %dma_start3A_1534 = arith.constant 0 : i32
      %dma_start3A_1535 = tpu.memref_slice %arg6[%dma_start3A_1533, %dma_start3A_1534] : memref<1152x128xf32, #tpu.memory_space<vmem_shared>> -> memref<1152x128xf32, #tpu.memory_space<vmem_shared>>
      tpu.enqueue_indirect_dma source(%dma_start3A_1535 : memref<1152x128xf32, #tpu.memory_space<vmem_shared>>) target(%arg15 : memref<64x128xf32, #tpu.memory_space<vmem>>) offsets(%dma_start3A_1532 : memref<64xi32, #tpu.memory_space<vmem>>) semaphore(%arg27 : memref<!tpu.dma_semaphore, #tpu.memory_space<semaphore_mem>>)
      %add3A_1536 = arith.constant 9 : i32
      %add3A_1537 = arith.addi %mul3A_602, %add3A_1536 : i32
      %div3A_1538 = arith.constant 2 : i32
      %div3A_1539 = arith.divsi %add3A_1537, %div3A_1538 : i32
      %rem3A_1540 = arith.constant 2 : i32
      %rem3A_1541 = arith.remsi %add3A_1537, %rem3A_1540 : i32
      %mul3A_1542 = arith.constant 64 : i32
      %mul3A_1543 = arith.muli %rem3A_1541, %mul3A_1542 : i32
      %add3A_1544 = arith.constant 0 : i32
      %add3A_1545 = arith.addi %mul3A_1543, %add3A_1544 : i32
      %get3A_1546 = arith.index_cast %div3A_1539 : i32 to index
      %get3A_1547 = arith.index_cast %add3A_1545 : i32 to index
      %get3A_1548 = tpu.vector_load %arg5[%get3A_1546, %get3A_1547] {strides = array<i32>} : memref<128x128xi32, #tpu.memory_space<vmem>>, vector<1x16xi32>,
      %get3A_1549 = vector.shape_cast %get3A_1548 : vector<1x16xi32> to vector<16xi32>
      %mul3A_1550 = arith.constant 128 : i32
      %mul3A_1551 = vector.broadcast %mul3A_1550 : i32 to vector<16xi32>
      %mul3A_1552 = arith.muli %get3A_1549, %mul3A_1551 : vector<16xi32>
      %add3A_1553 = vector.broadcast %mul3A_1543 : i32 to vector<16xi32>
      %add3A_1554 = arith.addi %iota3A, %add3A_1553 : vector<16xi32>
      %add3A_1555 = arith.constant 0 : i32
      %add3A_1556 = vector.broadcast %add3A_1555 : i32 to vector<16xi32>
      %add3A_1557 = arith.addi %add3A_1554, %add3A_1556 : vector<16xi32>
      %add3A_1558 = arith.addi %mul3A_1552, %add3A_1557 : vector<16xi32>
      %swap3A_1559 = arith.index_cast %div3A_1539 : i32 to index
      %swap3A_1560 = arith.index_cast %add3A_1545 : i32 to index
      %swap3A_1561 = tpu.vector_load %arg5[%swap3A_1559, %swap3A_1560] {strides = array<i32>} : memref<128x128xi32, #tpu.memory_space<vmem>>, vector<1x16xi32>,
      %swap3A_1562 = vector.shape_cast %swap3A_1561 : vector<1x16xi32> to vector<16xi32>
      %swap3A_1563 = vector.shape_cast %add3A_1558 : vector<16xi32> to vector<1x16xi32>
      tpu.vector_store %arg5[%swap3A_1559, %swap3A_1560], %swap3A_1563 {strides = array<i32>} : memref<128x128xi32, #tpu.memory_space<vmem>>, vector<1x16xi32>,
      %add3A_1564 = arith.constant 16 : i32
      %add3A_1565 = arith.addi %mul3A_1543, %add3A_1564 : i32
      %get3A_1566 = arith.index_cast %div3A_1539 : i32 to index
      %get3A_1567 = arith.index_cast %add3A_1565 : i32 to index
      %get3A_1568 = tpu.vector_load %arg5[%get3A_1566, %get3A_1567] {strides = array<i32>} : memref<128x128xi32, #tpu.memory_space<vmem>>, vector<1x16xi32>,
      %get3A_1569 = vector.shape_cast %get3A_1568 : vector<1x16xi32> to vector<16xi32>
      %mul3A_1570 = arith.constant 128 : i32
      %mul3A_1571 = vector.broadcast %mul3A_1570 : i32 to vector<16xi32>
      %mul3A_1572 = arith.muli %get3A_1569, %mul3A_1571 : vector<16xi32>
      %add3A_1573 = vector.broadcast %mul3A_1543 : i32 to vector<16xi32>
      %add3A_1574 = arith.addi %iota3A, %add3A_1573 : vector<16xi32>
      %add3A_1575 = arith.constant 16 : i32
      %add3A_1576 = vector.broadcast %add3A_1575 : i32 to vector<16xi32>
      %add3A_1577 = arith.addi %add3A_1574, %add3A_1576 : vector<16xi32>
      %add3A_1578 = arith.addi %mul3A_1572, %add3A_1577 : vector<16xi32>
      %swap3A_1579 = arith.index_cast %div3A_1539 : i32 to index
      %swap3A_1580 = arith.index_cast %add3A_1565 : i32 to index
      %swap3A_1581 = tpu.vector_load %arg5[%swap3A_1579, %swap3A_1580] {strides = array<i32>} : memref<128x128xi32, #tpu.memory_space<vmem>>, vector<1x16xi32>,
      %swap3A_1582 = vector.shape_cast %swap3A_1581 : vector<1x16xi32> to vector<16xi32>
      %swap3A_1583 = vector.shape_cast %add3A_1578 : vector<16xi32> to vector<1x16xi32>
      tpu.vector_store %arg5[%swap3A_1579, %swap3A_1580], %swap3A_1583 {strides = array<i32>} : memref<128x128xi32, #tpu.memory_space<vmem>>, vector<1x16xi32>,
      %add3A_1584 = arith.constant 32 : i32
      %add3A_1585 = arith.addi %mul3A_1543, %add3A_1584 : i32
      %get3A_1586 = arith.index_cast %div3A_1539 : i32 to index
      %get3A_1587 = arith.index_cast %add3A_1585 : i32 to index
      %get3A_1588 = tpu.vector_load %arg5[%get3A_1586, %get3A_1587] {strides = array<i32>} : memref<128x128xi32, #tpu.memory_space<vmem>>, vector<1x16xi32>,
      %get3A_1589 = vector.shape_cast %get3A_1588 : vector<1x16xi32> to vector<16xi32>
      %mul3A_1590 = arith.constant 128 : i32
      %mul3A_1591 = vector.broadcast %mul3A_1590 : i32 to vector<16xi32>
      %mul3A_1592 = arith.muli %get3A_1589, %mul3A_1591 : vector<16xi32>
      %add3A_1593 = vector.broadcast %mul3A_1543 : i32 to vector<16xi32>
      %add3A_1594 = arith.addi %iota3A, %add3A_1593 : vector<16xi32>
      %add3A_1595 = arith.constant 32 : i32
      %add3A_1596 = vector.broadcast %add3A_1595 : i32 to vector<16xi32>
      %add3A_1597 = arith.addi %add3A_1594, %add3A_1596 : vector<16xi32>
      %add3A_1598 = arith.addi %mul3A_1592, %add3A_1597 : vector<16xi32>
      %swap3A_1599 = arith.index_cast %div3A_1539 : i32 to index
      %swap3A_1600 = arith.index_cast %add3A_1585 : i32 to index
      %swap3A_1601 = tpu.vector_load %arg5[%swap3A_1599, %swap3A_1600] {strides = array<i32>} : memref<128x128xi32, #tpu.memory_space<vmem>>, vector<1x16xi32>,
      %swap3A_1602 = vector.shape_cast %swap3A_1601 : vector<1x16xi32> to vector<16xi32>
      %swap3A_1603 = vector.shape_cast %add3A_1598 : vector<16xi32> to vector<1x16xi32>
      tpu.vector_store %arg5[%swap3A_1599, %swap3A_1600], %swap3A_1603 {strides = array<i32>} : memref<128x128xi32, #tpu.memory_space<vmem>>, vector<1x16xi32>,
      %add3A_1604 = arith.constant 48 : i32
      %add3A_1605 = arith.addi %mul3A_1543, %add3A_1604 : i32
      %get3A_1606 = arith.index_cast %div3A_1539 : i32 to index
      %get3A_1607 = arith.index_cast %add3A_1605 : i32 to index
      %get3A_1608 = tpu.vector_load %arg5[%get3A_1606, %get3A_1607] {strides = array<i32>} : memref<128x128xi32, #tpu.memory_space<vmem>>, vector<1x16xi32>,
      %get3A_1609 = vector.shape_cast %get3A_1608 : vector<1x16xi32> to vector<16xi32>
      %mul3A_1610 = arith.constant 128 : i32
      %mul3A_1611 = vector.broadcast %mul3A_1610 : i32 to vector<16xi32>
      %mul3A_1612 = arith.muli %get3A_1609, %mul3A_1611 : vector<16xi32>
      %add3A_1613 = vector.broadcast %mul3A_1543 : i32 to vector<16xi32>
      %add3A_1614 = arith.addi %iota3A, %add3A_1613 : vector<16xi32>
      %add3A_1615 = arith.constant 48 : i32
      %add3A_1616 = vector.broadcast %add3A_1615 : i32 to vector<16xi32>
      %add3A_1617 = arith.addi %add3A_1614, %add3A_1616 : vector<16xi32>
      %add3A_1618 = arith.addi %mul3A_1612, %add3A_1617 : vector<16xi32>
      %swap3A_1619 = arith.index_cast %div3A_1539 : i32 to index
      %swap3A_1620 = arith.index_cast %add3A_1605 : i32 to index
      %swap3A_1621 = tpu.vector_load %arg5[%swap3A_1619, %swap3A_1620] {strides = array<i32>} : memref<128x128xi32, #tpu.memory_space<vmem>>, vector<1x16xi32>,
      %swap3A_1622 = vector.shape_cast %swap3A_1621 : vector<1x16xi32> to vector<16xi32>
      %swap3A_1623 = vector.shape_cast %add3A_1618 : vector<16xi32> to vector<1x16xi32>
      tpu.vector_store %arg5[%swap3A_1619, %swap3A_1620], %swap3A_1623 {strides = array<i32>} : memref<128x128xi32, #tpu.memory_space<vmem>>, vector<1x16xi32>,
      %gt3A_1624 = arith.constant 0 : i32
      %gt3A_1625 = arith.cmpi sgt, %scan3A_600, %gt3A_1624 : i32
      %convert_element_type3A_1626 = arith.extui %gt3A_1625 : i1 to i32
      %cond3A_1627 = arith.constant 0 : i32
      %cond3A_1628 = arith.cmpi ne, %convert_element_type3A_1626, %cond3A_1627 : i32
      scf.if %cond3A_1628 {
        %mul3A_2088 = arith.constant 64 : i32
        %mul3A_2089 = arith.muli %add3A_1537, %mul3A_2088 : i32
        %add3A_2090 = arith.addi %mul3A_22, %mul3A_2089 : i32
        %dma_wait3A_2091 = arith.constant 0 : i32
        %dma_wait3A_2092 = tpu.memref_slice %arg4[%add3A_2090, %dma_wait3A_2091] : memref<524288x128xf32, #tpu.memory_space<hbm>> -> memref<64x128xf32, #tpu.memory_space<hbm>>
        %dma_wait3A_2093 = arith.constant 0 : i32
        %dma_wait3A_2094 = tpu.memref_slice %arg4[%add3A_2090, %dma_wait3A_2093] : memref<524288x128xf32, #tpu.memory_space<hbm>> -> memref<64x128xf32, #tpu.memory_space<hbm>>
        tpu.wait_dma2 semaphore(%arg40 : memref<!tpu.dma_semaphore, #tpu.memory_space<semaphore_mem>>) src(%arg16 : memref<64x128xf32, #tpu.memory_space<vmem>>) dst(%dma_wait3A_2094 : memref<64x128xf32, #tpu.memory_space<hbm>>)
      } else {
      }
      %div3A_1629 = arith.constant 2 : i32
      %div3A_1630 = arith.divsi %add3A_1537, %div3A_1629 : i32
      %rem3A_1631 = arith.constant 2 : i32
      %rem3A_1632 = arith.remsi %add3A_1537, %rem3A_1631 : i32
      %mul3A_1633 = arith.constant 64 : i32
      %mul3A_1634 = arith.muli %rem3A_1632, %mul3A_1633 : i32
      %dma_start3A_1635 = tpu.memref_slice %arg5[%div3A_1630, %mul3A_1634] : memref<128x128xi32, #tpu.memory_space<vmem>> -> memref<1x64xi32, #tpu.memory_space<vmem>>
      %dma_start3A_1636 = tpu.memref_squeeze %dma_start3A_1635 : memref<1x64xi32, #tpu.memory_space<vmem>> -> memref<64xi32, #tpu.memory_space<vmem>>
      %dma_start3A_1637 = arith.constant 0 : i32
      %dma_start3A_1638 = arith.constant 0 : i32
      %dma_start3A_1639 = tpu.memref_slice %arg6[%dma_start3A_1637, %dma_start3A_1638] : memref<1152x128xf32, #tpu.memory_space<vmem_shared>> -> memref<1152x128xf32, #tpu.memory_space<vmem_shared>>
      tpu.enqueue_indirect_dma source(%dma_start3A_1639 : memref<1152x128xf32, #tpu.memory_space<vmem_shared>>) target(%arg16 : memref<64x128xf32, #tpu.memory_space<vmem>>) offsets(%dma_start3A_1636 : memref<64xi32, #tpu.memory_space<vmem>>) semaphore(%arg28 : memref<!tpu.dma_semaphore, #tpu.memory_space<semaphore_mem>>)
      %add3A_1640 = arith.constant 10 : i32
      %add3A_1641 = arith.addi %mul3A_602, %add3A_1640 : i32
      %div3A_1642 = arith.constant 2 : i32
      %div3A_1643 = arith.divsi %add3A_1641, %div3A_1642 : i32
      %rem3A_1644 = arith.constant 2 : i32
      %rem3A_1645 = arith.remsi %add3A_1641, %rem3A_1644 : i32
      %mul3A_1646 = arith.constant 64 : i32
      %mul3A_1647 = arith.muli %rem3A_1645, %mul3A_1646 : i32
      %add3A_1648 = arith.constant 0 : i32
      %add3A_1649 = arith.addi %mul3A_1647, %add3A_1648 : i32
      %get3A_1650 = arith.index_cast %div3A_1643 : i32 to index
      %get3A_1651 = arith.index_cast %add3A_1649 : i32 to index
      %get3A_1652 = tpu.vector_load %arg5[%get3A_1650, %get3A_1651] {strides = array<i32>} : memref<128x128xi32, #tpu.memory_space<vmem>>, vector<1x16xi32>,
      %get3A_1653 = vector.shape_cast %get3A_1652 : vector<1x16xi32> to vector<16xi32>
      %mul3A_1654 = arith.constant 128 : i32
      %mul3A_1655 = vector.broadcast %mul3A_1654 : i32 to vector<16xi32>
      %mul3A_1656 = arith.muli %get3A_1653, %mul3A_1655 : vector<16xi32>
      %add3A_1657 = vector.broadcast %mul3A_1647 : i32 to vector<16xi32>
      %add3A_1658 = arith.addi %iota3A, %add3A_1657 : vector<16xi32>
      %add3A_1659 = arith.constant 0 : i32
      %add3A_1660 = vector.broadcast %add3A_1659 : i32 to vector<16xi32>
      %add3A_1661 = arith.addi %add3A_1658, %add3A_1660 : vector<16xi32>
      %add3A_1662 = arith.addi %mul3A_1656, %add3A_1661 : vector<16xi32>
      %swap3A_1663 = arith.index_cast %div3A_1643 : i32 to index
      %swap3A_1664 = arith.index_cast %add3A_1649 : i32 to index
      %swap3A_1665 = tpu.vector_load %arg5[%swap3A_1663, %swap3A_1664] {strides = array<i32>} : memref<128x128xi32, #tpu.memory_space<vmem>>, vector<1x16xi32>,
      %swap3A_1666 = vector.shape_cast %swap3A_1665 : vector<1x16xi32> to vector<16xi32>
      %swap3A_1667 = vector.shape_cast %add3A_1662 : vector<16xi32> to vector<1x16xi32>
      tpu.vector_store %arg5[%swap3A_1663, %swap3A_1664], %swap3A_1667 {strides = array<i32>} : memref<128x128xi32, #tpu.memory_space<vmem>>, vector<1x16xi32>,
      %add3A_1668 = arith.constant 16 : i32
      %add3A_1669 = arith.addi %mul3A_1647, %add3A_1668 : i32
      %get3A_1670 = arith.index_cast %div3A_1643 : i32 to index
      %get3A_1671 = arith.index_cast %add3A_1669 : i32 to index
      %get3A_1672 = tpu.vector_load %arg5[%get3A_1670, %get3A_1671] {strides = array<i32>} : memref<128x128xi32, #tpu.memory_space<vmem>>, vector<1x16xi32>,
      %get3A_1673 = vector.shape_cast %get3A_1672 : vector<1x16xi32> to vector<16xi32>
      %mul3A_1674 = arith.constant 128 : i32
      %mul3A_1675 = vector.broadcast %mul3A_1674 : i32 to vector<16xi32>
      %mul3A_1676 = arith.muli %get3A_1673, %mul3A_1675 : vector<16xi32>
      %add3A_1677 = vector.broadcast %mul3A_1647 : i32 to vector<16xi32>
      %add3A_1678 = arith.addi %iota3A, %add3A_1677 : vector<16xi32>
      %add3A_1679 = arith.constant 16 : i32
      %add3A_1680 = vector.broadcast %add3A_1679 : i32 to vector<16xi32>
      %add3A_1681 = arith.addi %add3A_1678, %add3A_1680 : vector<16xi32>
      %add3A_1682 = arith.addi %mul3A_1676, %add3A_1681 : vector<16xi32>
      %swap3A_1683 = arith.index_cast %div3A_1643 : i32 to index
      %swap3A_1684 = arith.index_cast %add3A_1669 : i32 to index
      %swap3A_1685 = tpu.vector_load %arg5[%swap3A_1683, %swap3A_1684] {strides = array<i32>} : memref<128x128xi32, #tpu.memory_space<vmem>>, vector<1x16xi32>,
      %swap3A_1686 = vector.shape_cast %swap3A_1685 : vector<1x16xi32> to vector<16xi32>
      %swap3A_1687 = vector.shape_cast %add3A_1682 : vector<16xi32> to vector<1x16xi32>
      tpu.vector_store %arg5[%swap3A_1683, %swap3A_1684], %swap3A_1687 {strides = array<i32>} : memref<128x128xi32, #tpu.memory_space<vmem>>, vector<1x16xi32>,
      %add3A_1688 = arith.constant 32 : i32
      %add3A_1689 = arith.addi %mul3A_1647, %add3A_1688 : i32
      %get3A_1690 = arith.index_cast %div3A_1643 : i32 to index
      %get3A_1691 = arith.index_cast %add3A_1689 : i32 to index
      %get3A_1692 = tpu.vector_load %arg5[%get3A_1690, %get3A_1691] {strides = array<i32>} : memref<128x128xi32, #tpu.memory_space<vmem>>, vector<1x16xi32>,
      %get3A_1693 = vector.shape_cast %get3A_1692 : vector<1x16xi32> to vector<16xi32>
      %mul3A_1694 = arith.constant 128 : i32
      %mul3A_1695 = vector.broadcast %mul3A_1694 : i32 to vector<16xi32>
      %mul3A_1696 = arith.muli %get3A_1693, %mul3A_1695 : vector<16xi32>
      %add3A_1697 = vector.broadcast %mul3A_1647 : i32 to vector<16xi32>
      %add3A_1698 = arith.addi %iota3A, %add3A_1697 : vector<16xi32>
      %add3A_1699 = arith.constant 32 : i32
      %add3A_1700 = vector.broadcast %add3A_1699 : i32 to vector<16xi32>
      %add3A_1701 = arith.addi %add3A_1698, %add3A_1700 : vector<16xi32>
      %add3A_1702 = arith.addi %mul3A_1696, %add3A_1701 : vector<16xi32>
      %swap3A_1703 = arith.index_cast %div3A_1643 : i32 to index
      %swap3A_1704 = arith.index_cast %add3A_1689 : i32 to index
      %swap3A_1705 = tpu.vector_load %arg5[%swap3A_1703, %swap3A_1704] {strides = array<i32>} : memref<128x128xi32, #tpu.memory_space<vmem>>, vector<1x16xi32>,
      %swap3A_1706 = vector.shape_cast %swap3A_1705 : vector<1x16xi32> to vector<16xi32>
      %swap3A_1707 = vector.shape_cast %add3A_1702 : vector<16xi32> to vector<1x16xi32>
      tpu.vector_store %arg5[%swap3A_1703, %swap3A_1704], %swap3A_1707 {strides = array<i32>} : memref<128x128xi32, #tpu.memory_space<vmem>>, vector<1x16xi32>,
      %add3A_1708 = arith.constant 48 : i32
      %add3A_1709 = arith.addi %mul3A_1647, %add3A_1708 : i32
      %get3A_1710 = arith.index_cast %div3A_1643 : i32 to index
      %get3A_1711 = arith.index_cast %add3A_1709 : i32 to index
      %get3A_1712 = tpu.vector_load %arg5[%get3A_1710, %get3A_1711] {strides = array<i32>} : memref<128x128xi32, #tpu.memory_space<vmem>>, vector<1x16xi32>,
      %get3A_1713 = vector.shape_cast %get3A_1712 : vector<1x16xi32> to vector<16xi32>
      %mul3A_1714 = arith.constant 128 : i32
      %mul3A_1715 = vector.broadcast %mul3A_1714 : i32 to vector<16xi32>
      %mul3A_1716 = arith.muli %get3A_1713, %mul3A_1715 : vector<16xi32>
      %add3A_1717 = vector.broadcast %mul3A_1647 : i32 to vector<16xi32>
      %add3A_1718 = arith.addi %iota3A, %add3A_1717 : vector<16xi32>
      %add3A_1719 = arith.constant 48 : i32
      %add3A_1720 = vector.broadcast %add3A_1719 : i32 to vector<16xi32>
      %add3A_1721 = arith.addi %add3A_1718, %add3A_1720 : vector<16xi32>
      %add3A_1722 = arith.addi %mul3A_1716, %add3A_1721 : vector<16xi32>
      %swap3A_1723 = arith.index_cast %div3A_1643 : i32 to index
      %swap3A_1724 = arith.index_cast %add3A_1709 : i32 to index
      %swap3A_1725 = tpu.vector_load %arg5[%swap3A_1723, %swap3A_1724] {strides = array<i32>} : memref<128x128xi32, #tpu.memory_space<vmem>>, vector<1x16xi32>,
      %swap3A_1726 = vector.shape_cast %swap3A_1725 : vector<1x16xi32> to vector<16xi32>
      %swap3A_1727 = vector.shape_cast %add3A_1722 : vector<16xi32> to vector<1x16xi32>
      tpu.vector_store %arg5[%swap3A_1723, %swap3A_1724], %swap3A_1727 {strides = array<i32>} : memref<128x128xi32, #tpu.memory_space<vmem>>, vector<1x16xi32>,
      %gt3A_1728 = arith.constant 0 : i32
      %gt3A_1729 = arith.cmpi sgt, %scan3A_600, %gt3A_1728 : i32
      %convert_element_type3A_1730 = arith.extui %gt3A_1729 : i1 to i32
      %cond3A_1731 = arith.constant 0 : i32
      %cond3A_1732 = arith.cmpi ne, %convert_element_type3A_1730, %cond3A_1731 : i32
      scf.if %cond3A_1732 {
        %mul3A_2088 = arith.constant 64 : i32
        %mul3A_2089 = arith.muli %add3A_1641, %mul3A_2088 : i32
        %add3A_2090 = arith.addi %mul3A_22, %mul3A_2089 : i32
        %dma_wait3A_2091 = arith.constant 0 : i32
        %dma_wait3A_2092 = tpu.memref_slice %arg4[%add3A_2090, %dma_wait3A_2091] : memref<524288x128xf32, #tpu.memory_space<hbm>> -> memref<64x128xf32, #tpu.memory_space<hbm>>
        %dma_wait3A_2093 = arith.constant 0 : i32
        %dma_wait3A_2094 = tpu.memref_slice %arg4[%add3A_2090, %dma_wait3A_2093] : memref<524288x128xf32, #tpu.memory_space<hbm>> -> memref<64x128xf32, #tpu.memory_space<hbm>>
        tpu.wait_dma2 semaphore(%arg41 : memref<!tpu.dma_semaphore, #tpu.memory_space<semaphore_mem>>) src(%arg17 : memref<64x128xf32, #tpu.memory_space<vmem>>) dst(%dma_wait3A_2094 : memref<64x128xf32, #tpu.memory_space<hbm>>)
      } else {
      }
      %div3A_1733 = arith.constant 2 : i32
      %div3A_1734 = arith.divsi %add3A_1641, %div3A_1733 : i32
      %rem3A_1735 = arith.constant 2 : i32
      %rem3A_1736 = arith.remsi %add3A_1641, %rem3A_1735 : i32
      %mul3A_1737 = arith.constant 64 : i32
      %mul3A_1738 = arith.muli %rem3A_1736, %mul3A_1737 : i32
      %dma_start3A_1739 = tpu.memref_slice %arg5[%div3A_1734, %mul3A_1738] : memref<128x128xi32, #tpu.memory_space<vmem>> -> memref<1x64xi32, #tpu.memory_space<vmem>>
      %dma_start3A_1740 = tpu.memref_squeeze %dma_start3A_1739 : memref<1x64xi32, #tpu.memory_space<vmem>> -> memref<64xi32, #tpu.memory_space<vmem>>
      %dma_start3A_1741 = arith.constant 0 : i32
      %dma_start3A_1742 = arith.constant 0 : i32
      %dma_start3A_1743 = tpu.memref_slice %arg6[%dma_start3A_1741, %dma_start3A_1742] : memref<1152x128xf32, #tpu.memory_space<vmem_shared>> -> memref<1152x128xf32, #tpu.memory_space<vmem_shared>>
      tpu.enqueue_indirect_dma source(%dma_start3A_1743 : memref<1152x128xf32, #tpu.memory_space<vmem_shared>>) target(%arg17 : memref<64x128xf32, #tpu.memory_space<vmem>>) offsets(%dma_start3A_1740 : memref<64xi32, #tpu.memory_space<vmem>>) semaphore(%arg29 : memref<!tpu.dma_semaphore, #tpu.memory_space<semaphore_mem>>)
      %add3A_1744 = arith.constant 11 : i32
      %add3A_1745 = arith.addi %mul3A_602, %add3A_1744 : i32
      %div3A_1746 = arith.constant 2 : i32
      %div3A_1747 = arith.divsi %add3A_1745, %div3A_1746 : i32
      %rem3A_1748 = arith.constant 2 : i32
      %rem3A_1749 = arith.remsi %add3A_1745, %rem3A_1748 : i32
      %mul3A_1750 = arith.constant 64 : i32
      %mul3A_1751 = arith.muli %rem3A_1749, %mul3A_1750 : i32
      %add3A_1752 = arith.constant 0 : i32
      %add3A_1753 = arith.addi %mul3A_1751, %add3A_1752 : i32
      %get3A_1754 = arith.index_cast %div3A_1747 : i32 to index
      %get3A_1755 = arith.index_cast %add3A_1753 : i32 to index
      %get3A_1756 = tpu.vector_load %arg5[%get3A_1754, %get3A_1755] {strides = array<i32>} : memref<128x128xi32, #tpu.memory_space<vmem>>, vector<1x16xi32>,
      %get3A_1757 = vector.shape_cast %get3A_1756 : vector<1x16xi32> to vector<16xi32>
      %mul3A_1758 = arith.constant 128 : i32
      %mul3A_1759 = vector.broadcast %mul3A_1758 : i32 to vector<16xi32>
      %mul3A_1760 = arith.muli %get3A_1757, %mul3A_1759 : vector<16xi32>
      %add3A_1761 = vector.broadcast %mul3A_1751 : i32 to vector<16xi32>
      %add3A_1762 = arith.addi %iota3A, %add3A_1761 : vector<16xi32>
      %add3A_1763 = arith.constant 0 : i32
      %add3A_1764 = vector.broadcast %add3A_1763 : i32 to vector<16xi32>
      %add3A_1765 = arith.addi %add3A_1762, %add3A_1764 : vector<16xi32>
      %add3A_1766 = arith.addi %mul3A_1760, %add3A_1765 : vector<16xi32>
      %swap3A_1767 = arith.index_cast %div3A_1747 : i32 to index
      %swap3A_1768 = arith.index_cast %add3A_1753 : i32 to index
      %swap3A_1769 = tpu.vector_load %arg5[%swap3A_1767, %swap3A_1768] {strides = array<i32>} : memref<128x128xi32, #tpu.memory_space<vmem>>, vector<1x16xi32>,
      %swap3A_1770 = vector.shape_cast %swap3A_1769 : vector<1x16xi32> to vector<16xi32>
      %swap3A_1771 = vector.shape_cast %add3A_1766 : vector<16xi32> to vector<1x16xi32>
      tpu.vector_store %arg5[%swap3A_1767, %swap3A_1768], %swap3A_1771 {strides = array<i32>} : memref<128x128xi32, #tpu.memory_space<vmem>>, vector<1x16xi32>,
      %add3A_1772 = arith.constant 16 : i32
      %add3A_1773 = arith.addi %mul3A_1751, %add3A_1772 : i32
      %get3A_1774 = arith.index_cast %div3A_1747 : i32 to index
      %get3A_1775 = arith.index_cast %add3A_1773 : i32 to index
      %get3A_1776 = tpu.vector_load %arg5[%get3A_1774, %get3A_1775] {strides = array<i32>} : memref<128x128xi32, #tpu.memory_space<vmem>>, vector<1x16xi32>,
      %get3A_1777 = vector.shape_cast %get3A_1776 : vector<1x16xi32> to vector<16xi32>
      %mul3A_1778 = arith.constant 128 : i32
      %mul3A_1779 = vector.broadcast %mul3A_1778 : i32 to vector<16xi32>
      %mul3A_1780 = arith.muli %get3A_1777, %mul3A_1779 : vector<16xi32>
      %add3A_1781 = vector.broadcast %mul3A_1751 : i32 to vector<16xi32>
      %add3A_1782 = arith.addi %iota3A, %add3A_1781 : vector<16xi32>
      %add3A_1783 = arith.constant 16 : i32
      %add3A_1784 = vector.broadcast %add3A_1783 : i32 to vector<16xi32>
      %add3A_1785 = arith.addi %add3A_1782, %add3A_1784 : vector<16xi32>
      %add3A_1786 = arith.addi %mul3A_1780, %add3A_1785 : vector<16xi32>
      %swap3A_1787 = arith.index_cast %div3A_1747 : i32 to index
      %swap3A_1788 = arith.index_cast %add3A_1773 : i32 to index
      %swap3A_1789 = tpu.vector_load %arg5[%swap3A_1787, %swap3A_1788] {strides = array<i32>} : memref<128x128xi32, #tpu.memory_space<vmem>>, vector<1x16xi32>,
      %swap3A_1790 = vector.shape_cast %swap3A_1789 : vector<1x16xi32> to vector<16xi32>
      %swap3A_1791 = vector.shape_cast %add3A_1786 : vector<16xi32> to vector<1x16xi32>
      tpu.vector_store %arg5[%swap3A_1787, %swap3A_1788], %swap3A_1791 {strides = array<i32>} : memref<128x128xi32, #tpu.memory_space<vmem>>, vector<1x16xi32>,
      %add3A_1792 = arith.constant 32 : i32
      %add3A_1793 = arith.addi %mul3A_1751, %add3A_1792 : i32
      %get3A_1794 = arith.index_cast %div3A_1747 : i32 to index
      %get3A_1795 = arith.index_cast %add3A_1793 : i32 to index
      %get3A_1796 = tpu.vector_load %arg5[%get3A_1794, %get3A_1795] {strides = array<i32>} : memref<128x128xi32, #tpu.memory_space<vmem>>, vector<1x16xi32>,
      %get3A_1797 = vector.shape_cast %get3A_1796 : vector<1x16xi32> to vector<16xi32>
      %mul3A_1798 = arith.constant 128 : i32
      %mul3A_1799 = vector.broadcast %mul3A_1798 : i32 to vector<16xi32>
      %mul3A_1800 = arith.muli %get3A_1797, %mul3A_1799 : vector<16xi32>
      %add3A_1801 = vector.broadcast %mul3A_1751 : i32 to vector<16xi32>
      %add3A_1802 = arith.addi %iota3A, %add3A_1801 : vector<16xi32>
      %add3A_1803 = arith.constant 32 : i32
      %add3A_1804 = vector.broadcast %add3A_1803 : i32 to vector<16xi32>
      %add3A_1805 = arith.addi %add3A_1802, %add3A_1804 : vector<16xi32>
      %add3A_1806 = arith.addi %mul3A_1800, %add3A_1805 : vector<16xi32>
      %swap3A_1807 = arith.index_cast %div3A_1747 : i32 to index
      %swap3A_1808 = arith.index_cast %add3A_1793 : i32 to index
      %swap3A_1809 = tpu.vector_load %arg5[%swap3A_1807, %swap3A_1808] {strides = array<i32>} : memref<128x128xi32, #tpu.memory_space<vmem>>, vector<1x16xi32>,
      %swap3A_1810 = vector.shape_cast %swap3A_1809 : vector<1x16xi32> to vector<16xi32>
      %swap3A_1811 = vector.shape_cast %add3A_1806 : vector<16xi32> to vector<1x16xi32>
      tpu.vector_store %arg5[%swap3A_1807, %swap3A_1808], %swap3A_1811 {strides = array<i32>} : memref<128x128xi32, #tpu.memory_space<vmem>>, vector<1x16xi32>,
      %add3A_1812 = arith.constant 48 : i32
      %add3A_1813 = arith.addi %mul3A_1751, %add3A_1812 : i32
      %get3A_1814 = arith.index_cast %div3A_1747 : i32 to index
      %get3A_1815 = arith.index_cast %add3A_1813 : i32 to index
      %get3A_1816 = tpu.vector_load %arg5[%get3A_1814, %get3A_1815] {strides = array<i32>} : memref<128x128xi32, #tpu.memory_space<vmem>>, vector<1x16xi32>,
      %get3A_1817 = vector.shape_cast %get3A_1816 : vector<1x16xi32> to vector<16xi32>
      %mul3A_1818 = arith.constant 128 : i32
      %mul3A_1819 = vector.broadcast %mul3A_1818 : i32 to vector<16xi32>
      %mul3A_1820 = arith.muli %get3A_1817, %mul3A_1819 : vector<16xi32>
      %add3A_1821 = vector.broadcast %mul3A_1751 : i32 to vector<16xi32>
      %add3A_1822 = arith.addi %iota3A, %add3A_1821 : vector<16xi32>
      %add3A_1823 = arith.constant 48 : i32
      %add3A_1824 = vector.broadcast %add3A_1823 : i32 to vector<16xi32>
      %add3A_1825 = arith.addi %add3A_1822, %add3A_1824 : vector<16xi32>
      %add3A_1826 = arith.addi %mul3A_1820, %add3A_1825 : vector<16xi32>
      %swap3A_1827 = arith.index_cast %div3A_1747 : i32 to index
      %swap3A_1828 = arith.index_cast %add3A_1813 : i32 to index
      %swap3A_1829 = tpu.vector_load %arg5[%swap3A_1827, %swap3A_1828] {strides = array<i32>} : memref<128x128xi32, #tpu.memory_space<vmem>>, vector<1x16xi32>,
      %swap3A_1830 = vector.shape_cast %swap3A_1829 : vector<1x16xi32> to vector<16xi32>
      %swap3A_1831 = vector.shape_cast %add3A_1826 : vector<16xi32> to vector<1x16xi32>
      tpu.vector_store %arg5[%swap3A_1827, %swap3A_1828], %swap3A_1831 {strides = array<i32>} : memref<128x128xi32, #tpu.memory_space<vmem>>, vector<1x16xi32>,
      %gt3A_1832 = arith.constant 0 : i32
      %gt3A_1833 = arith.cmpi sgt, %scan3A_600, %gt3A_1832 : i32
      %convert_element_type3A_1834 = arith.extui %gt3A_1833 : i1 to i32
      %cond3A_1835 = arith.constant 0 : i32
      %cond3A_1836 = arith.cmpi ne, %convert_element_type3A_1834, %cond3A_1835 : i32
      scf.if %cond3A_1836 {
        %mul3A_2088 = arith.constant 64 : i32
        %mul3A_2089 = arith.muli %add3A_1745, %mul3A_2088 : i32
        %add3A_2090 = arith.addi %mul3A_22, %mul3A_2089 : i32
        %dma_wait3A_2091 = arith.constant 0 : i32
        %dma_wait3A_2092 = tpu.memref_slice %arg4[%add3A_2090, %dma_wait3A_2091] : memref<524288x128xf32, #tpu.memory_space<hbm>> -> memref<64x128xf32, #tpu.memory_space<hbm>>
        %dma_wait3A_2093 = arith.constant 0 : i32
        %dma_wait3A_2094 = tpu.memref_slice %arg4[%add3A_2090, %dma_wait3A_2093] : memref<524288x128xf32, #tpu.memory_space<hbm>> -> memref<64x128xf32, #tpu.memory_space<hbm>>
        tpu.wait_dma2 semaphore(%arg42 : memref<!tpu.dma_semaphore, #tpu.memory_space<semaphore_mem>>) src(%arg18 : memref<64x128xf32, #tpu.memory_space<vmem>>) dst(%dma_wait3A_2094 : memref<64x128xf32, #tpu.memory_space<hbm>>)
      } else {
      }
      %div3A_1837 = arith.constant 2 : i32
      %div3A_1838 = arith.divsi %add3A_1745, %div3A_1837 : i32
      %rem3A_1839 = arith.constant 2 : i32
      %rem3A_1840 = arith.remsi %add3A_1745, %rem3A_1839 : i32
      %mul3A_1841 = arith.constant 64 : i32
      %mul3A_1842 = arith.muli %rem3A_1840, %mul3A_1841 : i32
      %dma_start3A_1843 = tpu.memref_slice %arg5[%div3A_1838, %mul3A_1842] : memref<128x128xi32, #tpu.memory_space<vmem>> -> memref<1x64xi32, #tpu.memory_space<vmem>>
      %dma_start3A_1844 = tpu.memref_squeeze %dma_start3A_1843 : memref<1x64xi32, #tpu.memory_space<vmem>> -> memref<64xi32, #tpu.memory_space<vmem>>
      %dma_start3A_1845 = arith.constant 0 : i32
      %dma_start3A_1846 = arith.constant 0 : i32
      %dma_start3A_1847 = tpu.memref_slice %arg6[%dma_start3A_1845, %dma_start3A_1846] : memref<1152x128xf32, #tpu.memory_space<vmem_shared>> -> memref<1152x128xf32, #tpu.memory_space<vmem_shared>>
      tpu.enqueue_indirect_dma source(%dma_start3A_1847 : memref<1152x128xf32, #tpu.memory_space<vmem_shared>>) target(%arg18 : memref<64x128xf32, #tpu.memory_space<vmem>>) offsets(%dma_start3A_1844 : memref<64xi32, #tpu.memory_space<vmem>>) semaphore(%arg30 : memref<!tpu.dma_semaphore, #tpu.memory_space<semaphore_mem>>)
      %add3A_1848 = arith.constant 0 : i32
      %add3A_1849 = arith.addi %mul3A_602, %add3A_1848 : i32
      %div3A_1850 = arith.constant 2 : i32
      %div3A_1851 = arith.divsi %add3A_1849, %div3A_1850 : i32
      %rem3A_1852 = arith.constant 2 : i32
      %rem3A_1853 = arith.remsi %add3A_1849, %rem3A_1852 : i32
      %mul3A_1854 = arith.constant 64 : i32
      %mul3A_1855 = arith.muli %rem3A_1853, %mul3A_1854 : i32
      %dma_wait3A_1856 = tpu.memref_slice %arg5[%div3A_1851, %mul3A_1855] : memref<128x128xi32, #tpu.memory_space<vmem>> -> memref<1x64xi32, #tpu.memory_space<vmem>>
      %dma_wait3A_1857 = tpu.memref_squeeze %dma_wait3A_1856 : memref<1x64xi32, #tpu.memory_space<vmem>> -> memref<64xi32, #tpu.memory_space<vmem>>
      %dma_wait3A_1858 = arith.constant 0 : i32
      %dma_wait3A_1859 = arith.constant 0 : i32
      %dma_wait3A_1860 = tpu.memref_slice %arg6[%dma_wait3A_1858, %dma_wait3A_1859] : memref<1152x128xf32, #tpu.memory_space<vmem_shared>> -> memref<1152x128xf32, #tpu.memory_space<vmem_shared>>
      tpu.wait_indirect_dma semaphore(%arg19 : memref<!tpu.dma_semaphore, #tpu.memory_space<semaphore_mem>>) src(%dma_wait3A_1860 : memref<1152x128xf32, #tpu.memory_space<vmem_shared>>) dst(%arg7 : memref<64x128xf32, #tpu.memory_space<vmem>>)
      %mul3A_1861 = arith.constant 64 : i32
      %mul3A_1862 = arith.muli %add3A_1849, %mul3A_1861 : i32
      %add3A_1863 = arith.addi %mul3A_22, %mul3A_1862 : i32
      %dma_start3A_1864 = arith.constant 0 : i32
      %dma_start3A_1865 = tpu.memref_slice %arg4[%add3A_1863, %dma_start3A_1864] : memref<524288x128xf32, #tpu.memory_space<hbm>> -> memref<64x128xf32, #tpu.memory_space<hbm>>
      %dma_start3A_1866 = arith.constant 0 : i32
      %dma_start3A_1867 = tpu.memref_slice %arg4[%add3A_1863, %dma_start3A_1866] : memref<524288x128xf32, #tpu.memory_space<hbm>> -> memref<64x128xf32, #tpu.memory_space<hbm>>
      tpu.enqueue_dma source(%arg7 : memref<64x128xf32, #tpu.memory_space<vmem>>) target(%dma_start3A_1867 : memref<64x128xf32, #tpu.memory_space<hbm>>) target_semaphore(%arg31 : memref<!tpu.dma_semaphore, #tpu.memory_space<semaphore_mem>>)
      %add3A_1868 = arith.constant 1 : i32
      %add3A_1869 = arith.addi %mul3A_602, %add3A_1868 : i32
      %div3A_1870 = arith.constant 2 : i32
      %div3A_1871 = arith.divsi %add3A_1869, %div3A_1870 : i32
      %rem3A_1872 = arith.constant 2 : i32
      %rem3A_1873 = arith.remsi %add3A_1869, %rem3A_1872 : i32
      %mul3A_1874 = arith.constant 64 : i32
      %mul3A_1875 = arith.muli %rem3A_1873, %mul3A_1874 : i32
      %dma_wait3A_1876 = tpu.memref_slice %arg5[%div3A_1871, %mul3A_1875] : memref<128x128xi32, #tpu.memory_space<vmem>> -> memref<1x64xi32, #tpu.memory_space<vmem>>
      %dma_wait3A_1877 = tpu.memref_squeeze %dma_wait3A_1876 : memref<1x64xi32, #tpu.memory_space<vmem>> -> memref<64xi32, #tpu.memory_space<vmem>>
      %dma_wait3A_1878 = arith.constant 0 : i32
      %dma_wait3A_1879 = arith.constant 0 : i32
      %dma_wait3A_1880 = tpu.memref_slice %arg6[%dma_wait3A_1878, %dma_wait3A_1879] : memref<1152x128xf32, #tpu.memory_space<vmem_shared>> -> memref<1152x128xf32, #tpu.memory_space<vmem_shared>>
      tpu.wait_indirect_dma semaphore(%arg20 : memref<!tpu.dma_semaphore, #tpu.memory_space<semaphore_mem>>) src(%dma_wait3A_1880 : memref<1152x128xf32, #tpu.memory_space<vmem_shared>>) dst(%arg8 : memref<64x128xf32, #tpu.memory_space<vmem>>)
      %mul3A_1881 = arith.constant 64 : i32
      %mul3A_1882 = arith.muli %add3A_1869, %mul3A_1881 : i32
      %add3A_1883 = arith.addi %mul3A_22, %mul3A_1882 : i32
      %dma_start3A_1884 = arith.constant 0 : i32
      %dma_start3A_1885 = tpu.memref_slice %arg4[%add3A_1883, %dma_start3A_1884] : memref<524288x128xf32, #tpu.memory_space<hbm>> -> memref<64x128xf32, #tpu.memory_space<hbm>>
      %dma_start3A_1886 = arith.constant 0 : i32
      %dma_start3A_1887 = tpu.memref_slice %arg4[%add3A_1883, %dma_start3A_1886] : memref<524288x128xf32, #tpu.memory_space<hbm>> -> memref<64x128xf32, #tpu.memory_space<hbm>>
      tpu.enqueue_dma source(%arg8 : memref<64x128xf32, #tpu.memory_space<vmem>>) target(%dma_start3A_1887 : memref<64x128xf32, #tpu.memory_space<hbm>>) target_semaphore(%arg32 : memref<!tpu.dma_semaphore, #tpu.memory_space<semaphore_mem>>)
      %add3A_1888 = arith.constant 2 : i32
      %add3A_1889 = arith.addi %mul3A_602, %add3A_1888 : i32
      %div3A_1890 = arith.constant 2 : i32
      %div3A_1891 = arith.divsi %add3A_1889, %div3A_1890 : i32
      %rem3A_1892 = arith.constant 2 : i32
      %rem3A_1893 = arith.remsi %add3A_1889, %rem3A_1892 : i32
      %mul3A_1894 = arith.constant 64 : i32
      %mul3A_1895 = arith.muli %rem3A_1893, %mul3A_1894 : i32
      %dma_wait3A_1896 = tpu.memref_slice %arg5[%div3A_1891, %mul3A_1895] : memref<128x128xi32, #tpu.memory_space<vmem>> -> memref<1x64xi32, #tpu.memory_space<vmem>>
      %dma_wait3A_1897 = tpu.memref_squeeze %dma_wait3A_1896 : memref<1x64xi32, #tpu.memory_space<vmem>> -> memref<64xi32, #tpu.memory_space<vmem>>
      %dma_wait3A_1898 = arith.constant 0 : i32
      %dma_wait3A_1899 = arith.constant 0 : i32
      %dma_wait3A_1900 = tpu.memref_slice %arg6[%dma_wait3A_1898, %dma_wait3A_1899] : memref<1152x128xf32, #tpu.memory_space<vmem_shared>> -> memref<1152x128xf32, #tpu.memory_space<vmem_shared>>
      tpu.wait_indirect_dma semaphore(%arg21 : memref<!tpu.dma_semaphore, #tpu.memory_space<semaphore_mem>>) src(%dma_wait3A_1900 : memref<1152x128xf32, #tpu.memory_space<vmem_shared>>) dst(%arg9 : memref<64x128xf32, #tpu.memory_space<vmem>>)
      %mul3A_1901 = arith.constant 64 : i32
      %mul3A_1902 = arith.muli %add3A_1889, %mul3A_1901 : i32
      %add3A_1903 = arith.addi %mul3A_22, %mul3A_1902 : i32
      %dma_start3A_1904 = arith.constant 0 : i32
      %dma_start3A_1905 = tpu.memref_slice %arg4[%add3A_1903, %dma_start3A_1904] : memref<524288x128xf32, #tpu.memory_space<hbm>> -> memref<64x128xf32, #tpu.memory_space<hbm>>
      %dma_start3A_1906 = arith.constant 0 : i32
      %dma_start3A_1907 = tpu.memref_slice %arg4[%add3A_1903, %dma_start3A_1906] : memref<524288x128xf32, #tpu.memory_space<hbm>> -> memref<64x128xf32, #tpu.memory_space<hbm>>
      tpu.enqueue_dma source(%arg9 : memref<64x128xf32, #tpu.memory_space<vmem>>) target(%dma_start3A_1907 : memref<64x128xf32, #tpu.memory_space<hbm>>) target_semaphore(%arg33 : memref<!tpu.dma_semaphore, #tpu.memory_space<semaphore_mem>>)
      %add3A_1908 = arith.constant 3 : i32
      %add3A_1909 = arith.addi %mul3A_602, %add3A_1908 : i32
      %div3A_1910 = arith.constant 2 : i32
      %div3A_1911 = arith.divsi %add3A_1909, %div3A_1910 : i32
      %rem3A_1912 = arith.constant 2 : i32
      %rem3A_1913 = arith.remsi %add3A_1909, %rem3A_1912 : i32
      %mul3A_1914 = arith.constant 64 : i32
      %mul3A_1915 = arith.muli %rem3A_1913, %mul3A_1914 : i32
      %dma_wait3A_1916 = tpu.memref_slice %arg5[%div3A_1911, %mul3A_1915] : memref<128x128xi32, #tpu.memory_space<vmem>> -> memref<1x64xi32, #tpu.memory_space<vmem>>
      %dma_wait3A_1917 = tpu.memref_squeeze %dma_wait3A_1916 : memref<1x64xi32, #tpu.memory_space<vmem>> -> memref<64xi32, #tpu.memory_space<vmem>>
      %dma_wait3A_1918 = arith.constant 0 : i32
      %dma_wait3A_1919 = arith.constant 0 : i32
      %dma_wait3A_1920 = tpu.memref_slice %arg6[%dma_wait3A_1918, %dma_wait3A_1919] : memref<1152x128xf32, #tpu.memory_space<vmem_shared>> -> memref<1152x128xf32, #tpu.memory_space<vmem_shared>>
      tpu.wait_indirect_dma semaphore(%arg22 : memref<!tpu.dma_semaphore, #tpu.memory_space<semaphore_mem>>) src(%dma_wait3A_1920 : memref<1152x128xf32, #tpu.memory_space<vmem_shared>>) dst(%arg10 : memref<64x128xf32, #tpu.memory_space<vmem>>)
      %mul3A_1921 = arith.constant 64 : i32
      %mul3A_1922 = arith.muli %add3A_1909, %mul3A_1921 : i32
      %add3A_1923 = arith.addi %mul3A_22, %mul3A_1922 : i32
      %dma_start3A_1924 = arith.constant 0 : i32
      %dma_start3A_1925 = tpu.memref_slice %arg4[%add3A_1923, %dma_start3A_1924] : memref<524288x128xf32, #tpu.memory_space<hbm>> -> memref<64x128xf32, #tpu.memory_space<hbm>>
      %dma_start3A_1926 = arith.constant 0 : i32
      %dma_start3A_1927 = tpu.memref_slice %arg4[%add3A_1923, %dma_start3A_1926] : memref<524288x128xf32, #tpu.memory_space<hbm>> -> memref<64x128xf32, #tpu.memory_space<hbm>>
      tpu.enqueue_dma source(%arg10 : memref<64x128xf32, #tpu.memory_space<vmem>>) target(%dma_start3A_1927 : memref<64x128xf32, #tpu.memory_space<hbm>>) target_semaphore(%arg34 : memref<!tpu.dma_semaphore, #tpu.memory_space<semaphore_mem>>)
      %add3A_1928 = arith.constant 4 : i32
      %add3A_1929 = arith.addi %mul3A_602, %add3A_1928 : i32
      %div3A_1930 = arith.constant 2 : i32
      %div3A_1931 = arith.divsi %add3A_1929, %div3A_1930 : i32
      %rem3A_1932 = arith.constant 2 : i32
      %rem3A_1933 = arith.remsi %add3A_1929, %rem3A_1932 : i32
      %mul3A_1934 = arith.constant 64 : i32
      %mul3A_1935 = arith.muli %rem3A_1933, %mul3A_1934 : i32
      %dma_wait3A_1936 = tpu.memref_slice %arg5[%div3A_1931, %mul3A_1935] : memref<128x128xi32, #tpu.memory_space<vmem>> -> memref<1x64xi32, #tpu.memory_space<vmem>>
      %dma_wait3A_1937 = tpu.memref_squeeze %dma_wait3A_1936 : memref<1x64xi32, #tpu.memory_space<vmem>> -> memref<64xi32, #tpu.memory_space<vmem>>
      %dma_wait3A_1938 = arith.constant 0 : i32
      %dma_wait3A_1939 = arith.constant 0 : i32
      %dma_wait3A_1940 = tpu.memref_slice %arg6[%dma_wait3A_1938, %dma_wait3A_1939] : memref<1152x128xf32, #tpu.memory_space<vmem_shared>> -> memref<1152x128xf32, #tpu.memory_space<vmem_shared>>
      tpu.wait_indirect_dma semaphore(%arg23 : memref<!tpu.dma_semaphore, #tpu.memory_space<semaphore_mem>>) src(%dma_wait3A_1940 : memref<1152x128xf32, #tpu.memory_space<vmem_shared>>) dst(%arg11 : memref<64x128xf32, #tpu.memory_space<vmem>>)
      %mul3A_1941 = arith.constant 64 : i32
      %mul3A_1942 = arith.muli %add3A_1929, %mul3A_1941 : i32
      %add3A_1943 = arith.addi %mul3A_22, %mul3A_1942 : i32
      %dma_start3A_1944 = arith.constant 0 : i32
      %dma_start3A_1945 = tpu.memref_slice %arg4[%add3A_1943, %dma_start3A_1944] : memref<524288x128xf32, #tpu.memory_space<hbm>> -> memref<64x128xf32, #tpu.memory_space<hbm>>
      %dma_start3A_1946 = arith.constant 0 : i32
      %dma_start3A_1947 = tpu.memref_slice %arg4[%add3A_1943, %dma_start3A_1946] : memref<524288x128xf32, #tpu.memory_space<hbm>> -> memref<64x128xf32, #tpu.memory_space<hbm>>
      tpu.enqueue_dma source(%arg11 : memref<64x128xf32, #tpu.memory_space<vmem>>) target(%dma_start3A_1947 : memref<64x128xf32, #tpu.memory_space<hbm>>) target_semaphore(%arg35 : memref<!tpu.dma_semaphore, #tpu.memory_space<semaphore_mem>>)
      %add3A_1948 = arith.constant 5 : i32
      %add3A_1949 = arith.addi %mul3A_602, %add3A_1948 : i32
      %div3A_1950 = arith.constant 2 : i32
      %div3A_1951 = arith.divsi %add3A_1949, %div3A_1950 : i32
      %rem3A_1952 = arith.constant 2 : i32
      %rem3A_1953 = arith.remsi %add3A_1949, %rem3A_1952 : i32
      %mul3A_1954 = arith.constant 64 : i32
      %mul3A_1955 = arith.muli %rem3A_1953, %mul3A_1954 : i32
      %dma_wait3A_1956 = tpu.memref_slice %arg5[%div3A_1951, %mul3A_1955] : memref<128x128xi32, #tpu.memory_space<vmem>> -> memref<1x64xi32, #tpu.memory_space<vmem>>
      %dma_wait3A_1957 = tpu.memref_squeeze %dma_wait3A_1956 : memref<1x64xi32, #tpu.memory_space<vmem>> -> memref<64xi32, #tpu.memory_space<vmem>>
      %dma_wait3A_1958 = arith.constant 0 : i32
      %dma_wait3A_1959 = arith.constant 0 : i32
      %dma_wait3A_1960 = tpu.memref_slice %arg6[%dma_wait3A_1958, %dma_wait3A_1959] : memref<1152x128xf32, #tpu.memory_space<vmem_shared>> -> memref<1152x128xf32, #tpu.memory_space<vmem_shared>>
      tpu.wait_indirect_dma semaphore(%arg24 : memref<!tpu.dma_semaphore, #tpu.memory_space<semaphore_mem>>) src(%dma_wait3A_1960 : memref<1152x128xf32, #tpu.memory_space<vmem_shared>>) dst(%arg12 : memref<64x128xf32, #tpu.memory_space<vmem>>)
      %mul3A_1961 = arith.constant 64 : i32
      %mul3A_1962 = arith.muli %add3A_1949, %mul3A_1961 : i32
      %add3A_1963 = arith.addi %mul3A_22, %mul3A_1962 : i32
      %dma_start3A_1964 = arith.constant 0 : i32
      %dma_start3A_1965 = tpu.memref_slice %arg4[%add3A_1963, %dma_start3A_1964] : memref<524288x128xf32, #tpu.memory_space<hbm>> -> memref<64x128xf32, #tpu.memory_space<hbm>>
      %dma_start3A_1966 = arith.constant 0 : i32
      %dma_start3A_1967 = tpu.memref_slice %arg4[%add3A_1963, %dma_start3A_1966] : memref<524288x128xf32, #tpu.memory_space<hbm>> -> memref<64x128xf32, #tpu.memory_space<hbm>>
      tpu.enqueue_dma source(%arg12 : memref<64x128xf32, #tpu.memory_space<vmem>>) target(%dma_start3A_1967 : memref<64x128xf32, #tpu.memory_space<hbm>>) target_semaphore(%arg36 : memref<!tpu.dma_semaphore, #tpu.memory_space<semaphore_mem>>)
      %add3A_1968 = arith.constant 6 : i32
      %add3A_1969 = arith.addi %mul3A_602, %add3A_1968 : i32
      %div3A_1970 = arith.constant 2 : i32
      %div3A_1971 = arith.divsi %add3A_1969, %div3A_1970 : i32
      %rem3A_1972 = arith.constant 2 : i32
      %rem3A_1973 = arith.remsi %add3A_1969, %rem3A_1972 : i32
      %mul3A_1974 = arith.constant 64 : i32
      %mul3A_1975 = arith.muli %rem3A_1973, %mul3A_1974 : i32
      %dma_wait3A_1976 = tpu.memref_slice %arg5[%div3A_1971, %mul3A_1975] : memref<128x128xi32, #tpu.memory_space<vmem>> -> memref<1x64xi32, #tpu.memory_space<vmem>>
      %dma_wait3A_1977 = tpu.memref_squeeze %dma_wait3A_1976 : memref<1x64xi32, #tpu.memory_space<vmem>> -> memref<64xi32, #tpu.memory_space<vmem>>
      %dma_wait3A_1978 = arith.constant 0 : i32
      %dma_wait3A_1979 = arith.constant 0 : i32
      %dma_wait3A_1980 = tpu.memref_slice %arg6[%dma_wait3A_1978, %dma_wait3A_1979] : memref<1152x128xf32, #tpu.memory_space<vmem_shared>> -> memref<1152x128xf32, #tpu.memory_space<vmem_shared>>
      tpu.wait_indirect_dma semaphore(%arg25 : memref<!tpu.dma_semaphore, #tpu.memory_space<semaphore_mem>>) src(%dma_wait3A_1980 : memref<1152x128xf32, #tpu.memory_space<vmem_shared>>) dst(%arg13 : memref<64x128xf32, #tpu.memory_space<vmem>>)
      %mul3A_1981 = arith.constant 64 : i32
      %mul3A_1982 = arith.muli %add3A_1969, %mul3A_1981 : i32
      %add3A_1983 = arith.addi %mul3A_22, %mul3A_1982 : i32
      %dma_start3A_1984 = arith.constant 0 : i32
      %dma_start3A_1985 = tpu.memref_slice %arg4[%add3A_1983, %dma_start3A_1984] : memref<524288x128xf32, #tpu.memory_space<hbm>> -> memref<64x128xf32, #tpu.memory_space<hbm>>
      %dma_start3A_1986 = arith.constant 0 : i32
      %dma_start3A_1987 = tpu.memref_slice %arg4[%add3A_1983, %dma_start3A_1986] : memref<524288x128xf32, #tpu.memory_space<hbm>> -> memref<64x128xf32, #tpu.memory_space<hbm>>
      tpu.enqueue_dma source(%arg13 : memref<64x128xf32, #tpu.memory_space<vmem>>) target(%dma_start3A_1987 : memref<64x128xf32, #tpu.memory_space<hbm>>) target_semaphore(%arg37 : memref<!tpu.dma_semaphore, #tpu.memory_space<semaphore_mem>>)
      %add3A_1988 = arith.constant 7 : i32
      %add3A_1989 = arith.addi %mul3A_602, %add3A_1988 : i32
      %div3A_1990 = arith.constant 2 : i32
      %div3A_1991 = arith.divsi %add3A_1989, %div3A_1990 : i32
      %rem3A_1992 = arith.constant 2 : i32
      %rem3A_1993 = arith.remsi %add3A_1989, %rem3A_1992 : i32
      %mul3A_1994 = arith.constant 64 : i32
      %mul3A_1995 = arith.muli %rem3A_1993, %mul3A_1994 : i32
      %dma_wait3A_1996 = tpu.memref_slice %arg5[%div3A_1991, %mul3A_1995] : memref<128x128xi32, #tpu.memory_space<vmem>> -> memref<1x64xi32, #tpu.memory_space<vmem>>
      %dma_wait3A_1997 = tpu.memref_squeeze %dma_wait3A_1996 : memref<1x64xi32, #tpu.memory_space<vmem>> -> memref<64xi32, #tpu.memory_space<vmem>>
      %dma_wait3A_1998 = arith.constant 0 : i32
      %dma_wait3A_1999 = arith.constant 0 : i32
      %dma_wait3A_2000 = tpu.memref_slice %arg6[%dma_wait3A_1998, %dma_wait3A_1999] : memref<1152x128xf32, #tpu.memory_space<vmem_shared>> -> memref<1152x128xf32, #tpu.memory_space<vmem_shared>>
      tpu.wait_indirect_dma semaphore(%arg26 : memref<!tpu.dma_semaphore, #tpu.memory_space<semaphore_mem>>) src(%dma_wait3A_2000 : memref<1152x128xf32, #tpu.memory_space<vmem_shared>>) dst(%arg14 : memref<64x128xf32, #tpu.memory_space<vmem>>)
      %mul3A_2001 = arith.constant 64 : i32
      %mul3A_2002 = arith.muli %add3A_1989, %mul3A_2001 : i32
      %add3A_2003 = arith.addi %mul3A_22, %mul3A_2002 : i32
      %dma_start3A_2004 = arith.constant 0 : i32
      %dma_start3A_2005 = tpu.memref_slice %arg4[%add3A_2003, %dma_start3A_2004] : memref<524288x128xf32, #tpu.memory_space<hbm>> -> memref<64x128xf32, #tpu.memory_space<hbm>>
      %dma_start3A_2006 = arith.constant 0 : i32
      %dma_start3A_2007 = tpu.memref_slice %arg4[%add3A_2003, %dma_start3A_2006] : memref<524288x128xf32, #tpu.memory_space<hbm>> -> memref<64x128xf32, #tpu.memory_space<hbm>>
      tpu.enqueue_dma source(%arg14 : memref<64x128xf32, #tpu.memory_space<vmem>>) target(%dma_start3A_2007 : memref<64x128xf32, #tpu.memory_space<hbm>>) target_semaphore(%arg38 : memref<!tpu.dma_semaphore, #tpu.memory_space<semaphore_mem>>)
      %add3A_2008 = arith.constant 8 : i32
      %add3A_2009 = arith.addi %mul3A_602, %add3A_2008 : i32
      %div3A_2010 = arith.constant 2 : i32
      %div3A_2011 = arith.divsi %add3A_2009, %div3A_2010 : i32
      %rem3A_2012 = arith.constant 2 : i32
      %rem3A_2013 = arith.remsi %add3A_2009, %rem3A_2012 : i32
      %mul3A_2014 = arith.constant 64 : i32
      %mul3A_2015 = arith.muli %rem3A_2013, %mul3A_2014 : i32
      %dma_wait3A_2016 = tpu.memref_slice %arg5[%div3A_2011, %mul3A_2015] : memref<128x128xi32, #tpu.memory_space<vmem>> -> memref<1x64xi32, #tpu.memory_space<vmem>>
      %dma_wait3A_2017 = tpu.memref_squeeze %dma_wait3A_2016 : memref<1x64xi32, #tpu.memory_space<vmem>> -> memref<64xi32, #tpu.memory_space<vmem>>
      %dma_wait3A_2018 = arith.constant 0 : i32
      %dma_wait3A_2019 = arith.constant 0 : i32
      %dma_wait3A_2020 = tpu.memref_slice %arg6[%dma_wait3A_2018, %dma_wait3A_2019] : memref<1152x128xf32, #tpu.memory_space<vmem_shared>> -> memref<1152x128xf32, #tpu.memory_space<vmem_shared>>
      tpu.wait_indirect_dma semaphore(%arg27 : memref<!tpu.dma_semaphore, #tpu.memory_space<semaphore_mem>>) src(%dma_wait3A_2020 : memref<1152x128xf32, #tpu.memory_space<vmem_shared>>) dst(%arg15 : memref<64x128xf32, #tpu.memory_space<vmem>>)
      %mul3A_2021 = arith.constant 64 : i32
      %mul3A_2022 = arith.muli %add3A_2009, %mul3A_2021 : i32
      %add3A_2023 = arith.addi %mul3A_22, %mul3A_2022 : i32
      %dma_start3A_2024 = arith.constant 0 : i32
      %dma_start3A_2025 = tpu.memref_slice %arg4[%add3A_2023, %dma_start3A_2024] : memref<524288x128xf32, #tpu.memory_space<hbm>> -> memref<64x128xf32, #tpu.memory_space<hbm>>
      %dma_start3A_2026 = arith.constant 0 : i32
      %dma_start3A_2027 = tpu.memref_slice %arg4[%add3A_2023, %dma_start3A_2026] : memref<524288x128xf32, #tpu.memory_space<hbm>> -> memref<64x128xf32, #tpu.memory_space<hbm>>
      tpu.enqueue_dma source(%arg15 : memref<64x128xf32, #tpu.memory_space<vmem>>) target(%dma_start3A_2027 : memref<64x128xf32, #tpu.memory_space<hbm>>) target_semaphore(%arg39 : memref<!tpu.dma_semaphore, #tpu.memory_space<semaphore_mem>>)
      %add3A_2028 = arith.constant 9 : i32
      %add3A_2029 = arith.addi %mul3A_602, %add3A_2028 : i32
      %div3A_2030 = arith.constant 2 : i32
      %div3A_2031 = arith.divsi %add3A_2029, %div3A_2030 : i32
      %rem3A_2032 = arith.constant 2 : i32
      %rem3A_2033 = arith.remsi %add3A_2029, %rem3A_2032 : i32
      %mul3A_2034 = arith.constant 64 : i32
      %mul3A_2035 = arith.muli %rem3A_2033, %mul3A_2034 : i32
      %dma_wait3A_2036 = tpu.memref_slice %arg5[%div3A_2031, %mul3A_2035] : memref<128x128xi32, #tpu.memory_space<vmem>> -> memref<1x64xi32, #tpu.memory_space<vmem>>
      %dma_wait3A_2037 = tpu.memref_squeeze %dma_wait3A_2036 : memref<1x64xi32, #tpu.memory_space<vmem>> -> memref<64xi32, #tpu.memory_space<vmem>>
      %dma_wait3A_2038 = arith.constant 0 : i32
      %dma_wait3A_2039 = arith.constant 0 : i32
      %dma_wait3A_2040 = tpu.memref_slice %arg6[%dma_wait3A_2038, %dma_wait3A_2039] : memref<1152x128xf32, #tpu.memory_space<vmem_shared>> -> memref<1152x128xf32, #tpu.memory_space<vmem_shared>>
      tpu.wait_indirect_dma semaphore(%arg28 : memref<!tpu.dma_semaphore, #tpu.memory_space<semaphore_mem>>) src(%dma_wait3A_2040 : memref<1152x128xf32, #tpu.memory_space<vmem_shared>>) dst(%arg16 : memref<64x128xf32, #tpu.memory_space<vmem>>)
      %mul3A_2041 = arith.constant 64 : i32
      %mul3A_2042 = arith.muli %add3A_2029, %mul3A_2041 : i32
      %add3A_2043 = arith.addi %mul3A_22, %mul3A_2042 : i32
      %dma_start3A_2044 = arith.constant 0 : i32
      %dma_start3A_2045 = tpu.memref_slice %arg4[%add3A_2043, %dma_start3A_2044] : memref<524288x128xf32, #tpu.memory_space<hbm>> -> memref<64x128xf32, #tpu.memory_space<hbm>>
      %dma_start3A_2046 = arith.constant 0 : i32
      %dma_start3A_2047 = tpu.memref_slice %arg4[%add3A_2043, %dma_start3A_2046] : memref<524288x128xf32, #tpu.memory_space<hbm>> -> memref<64x128xf32, #tpu.memory_space<hbm>>
      tpu.enqueue_dma source(%arg16 : memref<64x128xf32, #tpu.memory_space<vmem>>) target(%dma_start3A_2047 : memref<64x128xf32, #tpu.memory_space<hbm>>) target_semaphore(%arg40 : memref<!tpu.dma_semaphore, #tpu.memory_space<semaphore_mem>>)
      %add3A_2048 = arith.constant 10 : i32
      %add3A_2049 = arith.addi %mul3A_602, %add3A_2048 : i32
      %div3A_2050 = arith.constant 2 : i32
      %div3A_2051 = arith.divsi %add3A_2049, %div3A_2050 : i32
      %rem3A_2052 = arith.constant 2 : i32
      %rem3A_2053 = arith.remsi %add3A_2049, %rem3A_2052 : i32
      %mul3A_2054 = arith.constant 64 : i32
      %mul3A_2055 = arith.muli %rem3A_2053, %mul3A_2054 : i32
      %dma_wait3A_2056 = tpu.memref_slice %arg5[%div3A_2051, %mul3A_2055] : memref<128x128xi32, #tpu.memory_space<vmem>> -> memref<1x64xi32, #tpu.memory_space<vmem>>
      %dma_wait3A_2057 = tpu.memref_squeeze %dma_wait3A_2056 : memref<1x64xi32, #tpu.memory_space<vmem>> -> memref<64xi32, #tpu.memory_space<vmem>>
      %dma_wait3A_2058 = arith.constant 0 : i32
      %dma_wait3A_2059 = arith.constant 0 : i32
      %dma_wait3A_2060 = tpu.memref_slice %arg6[%dma_wait3A_2058, %dma_wait3A_2059] : memref<1152x128xf32, #tpu.memory_space<vmem_shared>> -> memref<1152x128xf32, #tpu.memory_space<vmem_shared>>
      tpu.wait_indirect_dma semaphore(%arg29 : memref<!tpu.dma_semaphore, #tpu.memory_space<semaphore_mem>>) src(%dma_wait3A_2060 : memref<1152x128xf32, #tpu.memory_space<vmem_shared>>) dst(%arg17 : memref<64x128xf32, #tpu.memory_space<vmem>>)
      %mul3A_2061 = arith.constant 64 : i32
      %mul3A_2062 = arith.muli %add3A_2049, %mul3A_2061 : i32
      %add3A_2063 = arith.addi %mul3A_22, %mul3A_2062 : i32
      %dma_start3A_2064 = arith.constant 0 : i32
      %dma_start3A_2065 = tpu.memref_slice %arg4[%add3A_2063, %dma_start3A_2064] : memref<524288x128xf32, #tpu.memory_space<hbm>> -> memref<64x128xf32, #tpu.memory_space<hbm>>
      %dma_start3A_2066 = arith.constant 0 : i32
      %dma_start3A_2067 = tpu.memref_slice %arg4[%add3A_2063, %dma_start3A_2066] : memref<524288x128xf32, #tpu.memory_space<hbm>> -> memref<64x128xf32, #tpu.memory_space<hbm>>
      tpu.enqueue_dma source(%arg17 : memref<64x128xf32, #tpu.memory_space<vmem>>) target(%dma_start3A_2067 : memref<64x128xf32, #tpu.memory_space<hbm>>) target_semaphore(%arg41 : memref<!tpu.dma_semaphore, #tpu.memory_space<semaphore_mem>>)
      %add3A_2068 = arith.constant 11 : i32
      %add3A_2069 = arith.addi %mul3A_602, %add3A_2068 : i32
      %div3A_2070 = arith.constant 2 : i32
      %div3A_2071 = arith.divsi %add3A_2069, %div3A_2070 : i32
      %rem3A_2072 = arith.constant 2 : i32
      %rem3A_2073 = arith.remsi %add3A_2069, %rem3A_2072 : i32
      %mul3A_2074 = arith.constant 64 : i32
      %mul3A_2075 = arith.muli %rem3A_2073, %mul3A_2074 : i32
      %dma_wait3A_2076 = tpu.memref_slice %arg5[%div3A_2071, %mul3A_2075] : memref<128x128xi32, #tpu.memory_space<vmem>> -> memref<1x64xi32, #tpu.memory_space<vmem>>
      %dma_wait3A_2077 = tpu.memref_squeeze %dma_wait3A_2076 : memref<1x64xi32, #tpu.memory_space<vmem>> -> memref<64xi32, #tpu.memory_space<vmem>>
      %dma_wait3A_2078 = arith.constant 0 : i32
      %dma_wait3A_2079 = arith.constant 0 : i32
      %dma_wait3A_2080 = tpu.memref_slice %arg6[%dma_wait3A_2078, %dma_wait3A_2079] : memref<1152x128xf32, #tpu.memory_space<vmem_shared>> -> memref<1152x128xf32, #tpu.memory_space<vmem_shared>>
      tpu.wait_indirect_dma semaphore(%arg30 : memref<!tpu.dma_semaphore, #tpu.memory_space<semaphore_mem>>) src(%dma_wait3A_2080 : memref<1152x128xf32, #tpu.memory_space<vmem_shared>>) dst(%arg18 : memref<64x128xf32, #tpu.memory_space<vmem>>)
      %mul3A_2081 = arith.constant 64 : i32
      %mul3A_2082 = arith.muli %add3A_2069, %mul3A_2081 : i32
      %add3A_2083 = arith.addi %mul3A_22, %mul3A_2082 : i32
      %dma_start3A_2084 = arith.constant 0 : i32
      %dma_start3A_2085 = tpu.memref_slice %arg4[%add3A_2083, %dma_start3A_2084] : memref<524288x128xf32, #tpu.memory_space<hbm>> -> memref<64x128xf32, #tpu.memory_space<hbm>>
      %dma_start3A_2086 = arith.constant 0 : i32
      %dma_start3A_2087 = tpu.memref_slice %arg4[%add3A_2083, %dma_start3A_2086] : memref<524288x128xf32, #tpu.memory_space<hbm>> -> memref<64x128xf32, #tpu.memory_space<hbm>>
      tpu.enqueue_dma source(%arg18 : memref<64x128xf32, #tpu.memory_space<vmem>>) target(%dma_start3A_2087 : memref<64x128xf32, #tpu.memory_space<hbm>>) target_semaphore(%arg42 : memref<!tpu.dma_semaphore, #tpu.memory_space<semaphore_mem>>)
    }
    %scan3A_27 = arith.constant 21 : i32
    %div3A = arith.constant 252 : i32
    %div3A_28 = arith.constant 2 : i32
    %div3A_29 = arith.divsi %div3A, %div3A_28 : i32
    %rem3A = arith.constant 252 : i32
    %rem3A_30 = arith.constant 2 : i32
    %rem3A_31 = arith.remsi %rem3A, %rem3A_30 : i32
    %mul3A_32 = arith.constant 64 : i32
    %mul3A_33 = arith.muli %rem3A_31, %mul3A_32 : i32
    %add3A_34 = arith.constant 0 : i32
    %add3A_35 = arith.addi %mul3A_33, %add3A_34 : i32
    %get3A = arith.index_cast %div3A_29 : i32 to index
    %get3A_36 = arith.index_cast %add3A_35 : i32 to index
    %get3A_37 = tpu.vector_load %arg5[%get3A, %get3A_36] {strides = array<i32>} : memref<128x128xi32, #tpu.memory_space<vmem>>, vector<1x16xi32>,
    %get3A_38 = vector.shape_cast %get3A_37 : vector<1x16xi32> to vector<16xi32>
    %mul3A_39 = arith.constant 128 : i32
    %mul3A_40 = vector.broadcast %mul3A_39 : i32 to vector<16xi32>
    %mul3A_41 = arith.muli %get3A_38, %mul3A_40 : vector<16xi32>
    %add3A_42 = vector.broadcast %mul3A_33 : i32 to vector<16xi32>
    %add3A_43 = arith.addi %iota3A, %add3A_42 : vector<16xi32>
    %add3A_44 = arith.constant 0 : i32
    %add3A_45 = vector.broadcast %add3A_44 : i32 to vector<16xi32>
    %add3A_46 = arith.addi %add3A_43, %add3A_45 : vector<16xi32>
    %add3A_47 = arith.addi %mul3A_41, %add3A_46 : vector<16xi32>
    %swap3A = arith.index_cast %div3A_29 : i32 to index
    %swap3A_48 = arith.index_cast %add3A_35 : i32 to index
    %swap3A_49 = tpu.vector_load %arg5[%swap3A, %swap3A_48] {strides = array<i32>} : memref<128x128xi32, #tpu.memory_space<vmem>>, vector<1x16xi32>,
    %swap3A_50 = vector.shape_cast %swap3A_49 : vector<1x16xi32> to vector<16xi32>
    %swap3A_51 = vector.shape_cast %add3A_47 : vector<16xi32> to vector<1x16xi32>
    tpu.vector_store %arg5[%swap3A, %swap3A_48], %swap3A_51 {strides = array<i32>} : memref<128x128xi32, #tpu.memory_space<vmem>>, vector<1x16xi32>,
    %add3A_52 = arith.constant 16 : i32
    %add3A_53 = arith.addi %mul3A_33, %add3A_52 : i32
    %get3A_54 = arith.index_cast %div3A_29 : i32 to index
    %get3A_55 = arith.index_cast %add3A_53 : i32 to index
    %get3A_56 = tpu.vector_load %arg5[%get3A_54, %get3A_55] {strides = array<i32>} : memref<128x128xi32, #tpu.memory_space<vmem>>, vector<1x16xi32>,
    %get3A_57 = vector.shape_cast %get3A_56 : vector<1x16xi32> to vector<16xi32>
    %mul3A_58 = arith.constant 128 : i32
    %mul3A_59 = vector.broadcast %mul3A_58 : i32 to vector<16xi32>
    %mul3A_60 = arith.muli %get3A_57, %mul3A_59 : vector<16xi32>
    %add3A_61 = vector.broadcast %mul3A_33 : i32 to vector<16xi32>
    %add3A_62 = arith.addi %iota3A, %add3A_61 : vector<16xi32>
    %add3A_63 = arith.constant 16 : i32
    %add3A_64 = vector.broadcast %add3A_63 : i32 to vector<16xi32>
    %add3A_65 = arith.addi %add3A_62, %add3A_64 : vector<16xi32>
    %add3A_66 = arith.addi %mul3A_60, %add3A_65 : vector<16xi32>
    %swap3A_67 = arith.index_cast %div3A_29 : i32 to index
    %swap3A_68 = arith.index_cast %add3A_53 : i32 to index
    %swap3A_69 = tpu.vector_load %arg5[%swap3A_67, %swap3A_68] {strides = array<i32>} : memref<128x128xi32, #tpu.memory_space<vmem>>, vector<1x16xi32>,
    %swap3A_70 = vector.shape_cast %swap3A_69 : vector<1x16xi32> to vector<16xi32>
    %swap3A_71 = vector.shape_cast %add3A_66 : vector<16xi32> to vector<1x16xi32>
    tpu.vector_store %arg5[%swap3A_67, %swap3A_68], %swap3A_71 {strides = array<i32>} : memref<128x128xi32, #tpu.memory_space<vmem>>, vector<1x16xi32>,
    %add3A_72 = arith.constant 32 : i32
    %add3A_73 = arith.addi %mul3A_33, %add3A_72 : i32
    %get3A_74 = arith.index_cast %div3A_29 : i32 to index
    %get3A_75 = arith.index_cast %add3A_73 : i32 to index
    %get3A_76 = tpu.vector_load %arg5[%get3A_74, %get3A_75] {strides = array<i32>} : memref<128x128xi32, #tpu.memory_space<vmem>>, vector<1x16xi32>,
    %get3A_77 = vector.shape_cast %get3A_76 : vector<1x16xi32> to vector<16xi32>
    %mul3A_78 = arith.constant 128 : i32
    %mul3A_79 = vector.broadcast %mul3A_78 : i32 to vector<16xi32>
    %mul3A_80 = arith.muli %get3A_77, %mul3A_79 : vector<16xi32>
    %add3A_81 = vector.broadcast %mul3A_33 : i32 to vector<16xi32>
    %add3A_82 = arith.addi %iota3A, %add3A_81 : vector<16xi32>
    %add3A_83 = arith.constant 32 : i32
    %add3A_84 = vector.broadcast %add3A_83 : i32 to vector<16xi32>
    %add3A_85 = arith.addi %add3A_82, %add3A_84 : vector<16xi32>
    %add3A_86 = arith.addi %mul3A_80, %add3A_85 : vector<16xi32>
    %swap3A_87 = arith.index_cast %div3A_29 : i32 to index
    %swap3A_88 = arith.index_cast %add3A_73 : i32 to index
    %swap3A_89 = tpu.vector_load %arg5[%swap3A_87, %swap3A_88] {strides = array<i32>} : memref<128x128xi32, #tpu.memory_space<vmem>>, vector<1x16xi32>,
    %swap3A_90 = vector.shape_cast %swap3A_89 : vector<1x16xi32> to vector<16xi32>
    %swap3A_91 = vector.shape_cast %add3A_86 : vector<16xi32> to vector<1x16xi32>
    tpu.vector_store %arg5[%swap3A_87, %swap3A_88], %swap3A_91 {strides = array<i32>} : memref<128x128xi32, #tpu.memory_space<vmem>>, vector<1x16xi32>,
    %add3A_92 = arith.constant 48 : i32
    %add3A_93 = arith.addi %mul3A_33, %add3A_92 : i32
    %get3A_94 = arith.index_cast %div3A_29 : i32 to index
    %get3A_95 = arith.index_cast %add3A_93 : i32 to index
    %get3A_96 = tpu.vector_load %arg5[%get3A_94, %get3A_95] {strides = array<i32>} : memref<128x128xi32, #tpu.memory_space<vmem>>, vector<1x16xi32>,
    %get3A_97 = vector.shape_cast %get3A_96 : vector<1x16xi32> to vector<16xi32>
    %mul3A_98 = arith.constant 128 : i32
    %mul3A_99 = vector.broadcast %mul3A_98 : i32 to vector<16xi32>
    %mul3A_100 = arith.muli %get3A_97, %mul3A_99 : vector<16xi32>
    %add3A_101 = vector.broadcast %mul3A_33 : i32 to vector<16xi32>
    %add3A_102 = arith.addi %iota3A, %add3A_101 : vector<16xi32>
    %add3A_103 = arith.constant 48 : i32
    %add3A_104 = vector.broadcast %add3A_103 : i32 to vector<16xi32>
    %add3A_105 = arith.addi %add3A_102, %add3A_104 : vector<16xi32>
    %add3A_106 = arith.addi %mul3A_100, %add3A_105 : vector<16xi32>
    %swap3A_107 = arith.index_cast %div3A_29 : i32 to index
    %swap3A_108 = arith.index_cast %add3A_93 : i32 to index
    %swap3A_109 = tpu.vector_load %arg5[%swap3A_107, %swap3A_108] {strides = array<i32>} : memref<128x128xi32, #tpu.memory_space<vmem>>, vector<1x16xi32>,
    %swap3A_110 = vector.shape_cast %swap3A_109 : vector<1x16xi32> to vector<16xi32>
    %swap3A_111 = vector.shape_cast %add3A_106 : vector<16xi32> to vector<1x16xi32>
    tpu.vector_store %arg5[%swap3A_107, %swap3A_108], %swap3A_111 {strides = array<i32>} : memref<128x128xi32, #tpu.memory_space<vmem>>, vector<1x16xi32>,
    %add3A_112 = arith.constant 16128 : i32
    %add3A_113 = arith.addi %mul3A_22, %add3A_112 : i32
    %dma_wait3A_114 = arith.constant 0 : i32
    %dma_wait3A_115 = tpu.memref_slice %arg4[%add3A_113, %dma_wait3A_114] : memref<524288x128xf32, #tpu.memory_space<hbm>> -> memref<64x128xf32, #tpu.memory_space<hbm>>
    %dma_wait3A_116 = arith.constant 0 : i32
    %dma_wait3A_117 = tpu.memref_slice %arg4[%add3A_113, %dma_wait3A_116] : memref<524288x128xf32, #tpu.memory_space<hbm>> -> memref<64x128xf32, #tpu.memory_space<hbm>>
    tpu.wait_dma2 semaphore(%arg31 : memref<!tpu.dma_semaphore, #tpu.memory_space<semaphore_mem>>) src(%arg7 : memref<64x128xf32, #tpu.memory_space<vmem>>) dst(%dma_wait3A_117 : memref<64x128xf32, #tpu.memory_space<hbm>>)
    %div3A_118 = arith.constant 252 : i32
    %div3A_119 = arith.constant 2 : i32
    %div3A_120 = arith.divsi %div3A_118, %div3A_119 : i32
    %rem3A_121 = arith.constant 252 : i32
    %rem3A_122 = arith.constant 2 : i32
    %rem3A_123 = arith.remsi %rem3A_121, %rem3A_122 : i32
    %mul3A_124 = arith.constant 64 : i32
    %mul3A_125 = arith.muli %rem3A_123, %mul3A_124 : i32
    %dma_start3A_126 = tpu.memref_slice %arg5[%div3A_120, %mul3A_125] : memref<128x128xi32, #tpu.memory_space<vmem>> -> memref<1x64xi32, #tpu.memory_space<vmem>>
    %dma_start3A_127 = tpu.memref_squeeze %dma_start3A_126 : memref<1x64xi32, #tpu.memory_space<vmem>> -> memref<64xi32, #tpu.memory_space<vmem>>
    %dma_start3A_128 = arith.constant 0 : i32
    %dma_start3A_129 = arith.constant 0 : i32
    %dma_start3A_130 = tpu.memref_slice %arg6[%dma_start3A_128, %dma_start3A_129] : memref<1152x128xf32, #tpu.memory_space<vmem_shared>> -> memref<1152x128xf32, #tpu.memory_space<vmem_shared>>
    tpu.enqueue_indirect_dma source(%dma_start3A_130 : memref<1152x128xf32, #tpu.memory_space<vmem_shared>>) target(%arg7 : memref<64x128xf32, #tpu.memory_space<vmem>>) offsets(%dma_start3A_127 : memref<64xi32, #tpu.memory_space<vmem>>) semaphore(%arg19 : memref<!tpu.dma_semaphore, #tpu.memory_space<semaphore_mem>>)
    %div3A_131 = arith.constant 252 : i32
    %div3A_132 = arith.constant 2 : i32
    %div3A_133 = arith.divsi %div3A_131, %div3A_132 : i32
    %rem3A_134 = arith.constant 252 : i32
    %rem3A_135 = arith.constant 2 : i32
    %rem3A_136 = arith.remsi %rem3A_134, %rem3A_135 : i32
    %mul3A_137 = arith.constant 64 : i32
    %mul3A_138 = arith.muli %rem3A_136, %mul3A_137 : i32
    %dma_wait3A_139 = tpu.memref_slice %arg5[%div3A_133, %mul3A_138] : memref<128x128xi32, #tpu.memory_space<vmem>> -> memref<1x64xi32, #tpu.memory_space<vmem>>
    %dma_wait3A_140 = tpu.memref_squeeze %dma_wait3A_139 : memref<1x64xi32, #tpu.memory_space<vmem>> -> memref<64xi32, #tpu.memory_space<vmem>>
    %dma_wait3A_141 = arith.constant 0 : i32
    %dma_wait3A_142 = arith.constant 0 : i32
    %dma_wait3A_143 = tpu.memref_slice %arg6[%dma_wait3A_141, %dma_wait3A_142] : memref<1152x128xf32, #tpu.memory_space<vmem_shared>> -> memref<1152x128xf32, #tpu.memory_space<vmem_shared>>
    tpu.wait_indirect_dma semaphore(%arg19 : memref<!tpu.dma_semaphore, #tpu.memory_space<semaphore_mem>>) src(%dma_wait3A_143 : memref<1152x128xf32, #tpu.memory_space<vmem_shared>>) dst(%arg7 : memref<64x128xf32, #tpu.memory_space<vmem>>)
    %add3A_144 = arith.constant 16128 : i32
    %add3A_145 = arith.addi %mul3A_22, %add3A_144 : i32
    %dma_start3A_146 = arith.constant 0 : i32
    %dma_start3A_147 = tpu.memref_slice %arg4[%add3A_145, %dma_start3A_146] : memref<524288x128xf32, #tpu.memory_space<hbm>> -> memref<64x128xf32, #tpu.memory_space<hbm>>
    %dma_start3A_148 = arith.constant 0 : i32
    %dma_start3A_149 = tpu.memref_slice %arg4[%add3A_145, %dma_start3A_148] : memref<524288x128xf32, #tpu.memory_space<hbm>> -> memref<64x128xf32, #tpu.memory_space<hbm>>
    tpu.enqueue_dma source(%arg7 : memref<64x128xf32, #tpu.memory_space<vmem>>) target(%dma_start3A_149 : memref<64x128xf32, #tpu.memory_space<hbm>>) target_semaphore(%arg31 : memref<!tpu.dma_semaphore, #tpu.memory_space<semaphore_mem>>)
    %div3A_150 = arith.constant 253 : i32
    %div3A_151 = arith.constant 2 : i32
    %div3A_152 = arith.divsi %div3A_150, %div3A_151 : i32
    %rem3A_153 = arith.constant 253 : i32
    %rem3A_154 = arith.constant 2 : i32
    %rem3A_155 = arith.remsi %rem3A_153, %rem3A_154 : i32
    %mul3A_156 = arith.constant 64 : i32
    %mul3A_157 = arith.muli %rem3A_155, %mul3A_156 : i32
    %add3A_158 = arith.constant 0 : i32
    %add3A_159 = arith.addi %mul3A_157, %add3A_158 : i32
    %get3A_160 = arith.index_cast %div3A_152 : i32 to index
    %get3A_161 = arith.index_cast %add3A_159 : i32 to index
    %get3A_162 = tpu.vector_load %arg5[%get3A_160, %get3A_161] {strides = array<i32>} : memref<128x128xi32, #tpu.memory_space<vmem>>, vector<1x16xi32>,
    %get3A_163 = vector.shape_cast %get3A_162 : vector<1x16xi32> to vector<16xi32>
    %mul3A_164 = arith.constant 128 : i32
    %mul3A_165 = vector.broadcast %mul3A_164 : i32 to vector<16xi32>
    %mul3A_166 = arith.muli %get3A_163, %mul3A_165 : vector<16xi32>
    %add3A_167 = vector.broadcast %mul3A_157 : i32 to vector<16xi32>
    %add3A_168 = arith.addi %iota3A, %add3A_167 : vector<16xi32>
    %add3A_169 = arith.constant 0 : i32
    %add3A_170 = vector.broadcast %add3A_169 : i32 to vector<16xi32>
    %add3A_171 = arith.addi %add3A_168, %add3A_170 : vector<16xi32>
    %add3A_172 = arith.addi %mul3A_166, %add3A_171 : vector<16xi32>
    %swap3A_173 = arith.index_cast %div3A_152 : i32 to index
    %swap3A_174 = arith.index_cast %add3A_159 : i32 to index
    %swap3A_175 = tpu.vector_load %arg5[%swap3A_173, %swap3A_174] {strides = array<i32>} : memref<128x128xi32, #tpu.memory_space<vmem>>, vector<1x16xi32>,
    %swap3A_176 = vector.shape_cast %swap3A_175 : vector<1x16xi32> to vector<16xi32>
    %swap3A_177 = vector.shape_cast %add3A_172 : vector<16xi32> to vector<1x16xi32>
    tpu.vector_store %arg5[%swap3A_173, %swap3A_174], %swap3A_177 {strides = array<i32>} : memref<128x128xi32, #tpu.memory_space<vmem>>, vector<1x16xi32>,
    %add3A_178 = arith.constant 16 : i32
    %add3A_179 = arith.addi %mul3A_157, %add3A_178 : i32
    %get3A_180 = arith.index_cast %div3A_152 : i32 to index
    %get3A_181 = arith.index_cast %add3A_179 : i32 to index
    %get3A_182 = tpu.vector_load %arg5[%get3A_180, %get3A_181] {strides = array<i32>} : memref<128x128xi32, #tpu.memory_space<vmem>>, vector<1x16xi32>,
    %get3A_183 = vector.shape_cast %get3A_182 : vector<1x16xi32> to vector<16xi32>
    %mul3A_184 = arith.constant 128 : i32
    %mul3A_185 = vector.broadcast %mul3A_184 : i32 to vector<16xi32>
    %mul3A_186 = arith.muli %get3A_183, %mul3A_185 : vector<16xi32>
    %add3A_187 = vector.broadcast %mul3A_157 : i32 to vector<16xi32>
    %add3A_188 = arith.addi %iota3A, %add3A_187 : vector<16xi32>
    %add3A_189 = arith.constant 16 : i32
    %add3A_190 = vector.broadcast %add3A_189 : i32 to vector<16xi32>
    %add3A_191 = arith.addi %add3A_188, %add3A_190 : vector<16xi32>
    %add3A_192 = arith.addi %mul3A_186, %add3A_191 : vector<16xi32>
    %swap3A_193 = arith.index_cast %div3A_152 : i32 to index
    %swap3A_194 = arith.index_cast %add3A_179 : i32 to index
    %swap3A_195 = tpu.vector_load %arg5[%swap3A_193, %swap3A_194] {strides = array<i32>} : memref<128x128xi32, #tpu.memory_space<vmem>>, vector<1x16xi32>,
    %swap3A_196 = vector.shape_cast %swap3A_195 : vector<1x16xi32> to vector<16xi32>
    %swap3A_197 = vector.shape_cast %add3A_192 : vector<16xi32> to vector<1x16xi32>
    tpu.vector_store %arg5[%swap3A_193, %swap3A_194], %swap3A_197 {strides = array<i32>} : memref<128x128xi32, #tpu.memory_space<vmem>>, vector<1x16xi32>,
    %add3A_198 = arith.constant 32 : i32
    %add3A_199 = arith.addi %mul3A_157, %add3A_198 : i32
    %get3A_200 = arith.index_cast %div3A_152 : i32 to index
    %get3A_201 = arith.index_cast %add3A_199 : i32 to index
    %get3A_202 = tpu.vector_load %arg5[%get3A_200, %get3A_201] {strides = array<i32>} : memref<128x128xi32, #tpu.memory_space<vmem>>, vector<1x16xi32>,
    %get3A_203 = vector.shape_cast %get3A_202 : vector<1x16xi32> to vector<16xi32>
    %mul3A_204 = arith.constant 128 : i32
    %mul3A_205 = vector.broadcast %mul3A_204 : i32 to vector<16xi32>
    %mul3A_206 = arith.muli %get3A_203, %mul3A_205 : vector<16xi32>
    %add3A_207 = vector.broadcast %mul3A_157 : i32 to vector<16xi32>
    %add3A_208 = arith.addi %iota3A, %add3A_207 : vector<16xi32>
    %add3A_209 = arith.constant 32 : i32
    %add3A_210 = vector.broadcast %add3A_209 : i32 to vector<16xi32>
    %add3A_211 = arith.addi %add3A_208, %add3A_210 : vector<16xi32>
    %add3A_212 = arith.addi %mul3A_206, %add3A_211 : vector<16xi32>
    %swap3A_213 = arith.index_cast %div3A_152 : i32 to index
    %swap3A_214 = arith.index_cast %add3A_199 : i32 to index
    %swap3A_215 = tpu.vector_load %arg5[%swap3A_213, %swap3A_214] {strides = array<i32>} : memref<128x128xi32, #tpu.memory_space<vmem>>, vector<1x16xi32>,
    %swap3A_216 = vector.shape_cast %swap3A_215 : vector<1x16xi32> to vector<16xi32>
    %swap3A_217 = vector.shape_cast %add3A_212 : vector<16xi32> to vector<1x16xi32>
    tpu.vector_store %arg5[%swap3A_213, %swap3A_214], %swap3A_217 {strides = array<i32>} : memref<128x128xi32, #tpu.memory_space<vmem>>, vector<1x16xi32>,
    %add3A_218 = arith.constant 48 : i32
    %add3A_219 = arith.addi %mul3A_157, %add3A_218 : i32
    %get3A_220 = arith.index_cast %div3A_152 : i32 to index
    %get3A_221 = arith.index_cast %add3A_219 : i32 to index
    %get3A_222 = tpu.vector_load %arg5[%get3A_220, %get3A_221] {strides = array<i32>} : memref<128x128xi32, #tpu.memory_space<vmem>>, vector<1x16xi32>,
    %get3A_223 = vector.shape_cast %get3A_222 : vector<1x16xi32> to vector<16xi32>
    %mul3A_224 = arith.constant 128 : i32
    %mul3A_225 = vector.broadcast %mul3A_224 : i32 to vector<16xi32>
    %mul3A_226 = arith.muli %get3A_223, %mul3A_225 : vector<16xi32>
    %add3A_227 = vector.broadcast %mul3A_157 : i32 to vector<16xi32>
    %add3A_228 = arith.addi %iota3A, %add3A_227 : vector<16xi32>
    %add3A_229 = arith.constant 48 : i32
    %add3A_230 = vector.broadcast %add3A_229 : i32 to vector<16xi32>
    %add3A_231 = arith.addi %add3A_228, %add3A_230 : vector<16xi32>
    %add3A_232 = arith.addi %mul3A_226, %add3A_231 : vector<16xi32>
    %swap3A_233 = arith.index_cast %div3A_152 : i32 to index
    %swap3A_234 = arith.index_cast %add3A_219 : i32 to index
    %swap3A_235 = tpu.vector_load %arg5[%swap3A_233, %swap3A_234] {strides = array<i32>} : memref<128x128xi32, #tpu.memory_space<vmem>>, vector<1x16xi32>,
    %swap3A_236 = vector.shape_cast %swap3A_235 : vector<1x16xi32> to vector<16xi32>
    %swap3A_237 = vector.shape_cast %add3A_232 : vector<16xi32> to vector<1x16xi32>
    tpu.vector_store %arg5[%swap3A_233, %swap3A_234], %swap3A_237 {strides = array<i32>} : memref<128x128xi32, #tpu.memory_space<vmem>>, vector<1x16xi32>,
    %add3A_238 = arith.constant 16192 : i32
    %add3A_239 = arith.addi %mul3A_22, %add3A_238 : i32
    %dma_wait3A_240 = arith.constant 0 : i32
    %dma_wait3A_241 = tpu.memref_slice %arg4[%add3A_239, %dma_wait3A_240] : memref<524288x128xf32, #tpu.memory_space<hbm>> -> memref<64x128xf32, #tpu.memory_space<hbm>>
    %dma_wait3A_242 = arith.constant 0 : i32
    %dma_wait3A_243 = tpu.memref_slice %arg4[%add3A_239, %dma_wait3A_242] : memref<524288x128xf32, #tpu.memory_space<hbm>> -> memref<64x128xf32, #tpu.memory_space<hbm>>
    tpu.wait_dma2 semaphore(%arg32 : memref<!tpu.dma_semaphore, #tpu.memory_space<semaphore_mem>>) src(%arg8 : memref<64x128xf32, #tpu.memory_space<vmem>>) dst(%dma_wait3A_243 : memref<64x128xf32, #tpu.memory_space<hbm>>)
    %div3A_244 = arith.constant 253 : i32
    %div3A_245 = arith.constant 2 : i32
    %div3A_246 = arith.divsi %div3A_244, %div3A_245 : i32
    %rem3A_247 = arith.constant 253 : i32
    %rem3A_248 = arith.constant 2 : i32
    %rem3A_249 = arith.remsi %rem3A_247, %rem3A_248 : i32
    %mul3A_250 = arith.constant 64 : i32
    %mul3A_251 = arith.muli %rem3A_249, %mul3A_250 : i32
    %dma_start3A_252 = tpu.memref_slice %arg5[%div3A_246, %mul3A_251] : memref<128x128xi32, #tpu.memory_space<vmem>> -> memref<1x64xi32, #tpu.memory_space<vmem>>
    %dma_start3A_253 = tpu.memref_squeeze %dma_start3A_252 : memref<1x64xi32, #tpu.memory_space<vmem>> -> memref<64xi32, #tpu.memory_space<vmem>>
    %dma_start3A_254 = arith.constant 0 : i32
    %dma_start3A_255 = arith.constant 0 : i32
    %dma_start3A_256 = tpu.memref_slice %arg6[%dma_start3A_254, %dma_start3A_255] : memref<1152x128xf32, #tpu.memory_space<vmem_shared>> -> memref<1152x128xf32, #tpu.memory_space<vmem_shared>>
    tpu.enqueue_indirect_dma source(%dma_start3A_256 : memref<1152x128xf32, #tpu.memory_space<vmem_shared>>) target(%arg8 : memref<64x128xf32, #tpu.memory_space<vmem>>) offsets(%dma_start3A_253 : memref<64xi32, #tpu.memory_space<vmem>>) semaphore(%arg20 : memref<!tpu.dma_semaphore, #tpu.memory_space<semaphore_mem>>)
    %div3A_257 = arith.constant 253 : i32
    %div3A_258 = arith.constant 2 : i32
    %div3A_259 = arith.divsi %div3A_257, %div3A_258 : i32
    %rem3A_260 = arith.constant 253 : i32
    %rem3A_261 = arith.constant 2 : i32
    %rem3A_262 = arith.remsi %rem3A_260, %rem3A_261 : i32
    %mul3A_263 = arith.constant 64 : i32
    %mul3A_264 = arith.muli %rem3A_262, %mul3A_263 : i32
    %dma_wait3A_265 = tpu.memref_slice %arg5[%div3A_259, %mul3A_264] : memref<128x128xi32, #tpu.memory_space<vmem>> -> memref<1x64xi32, #tpu.memory_space<vmem>>
    %dma_wait3A_266 = tpu.memref_squeeze %dma_wait3A_265 : memref<1x64xi32, #tpu.memory_space<vmem>> -> memref<64xi32, #tpu.memory_space<vmem>>
    %dma_wait3A_267 = arith.constant 0 : i32
    %dma_wait3A_268 = arith.constant 0 : i32
    %dma_wait3A_269 = tpu.memref_slice %arg6[%dma_wait3A_267, %dma_wait3A_268] : memref<1152x128xf32, #tpu.memory_space<vmem_shared>> -> memref<1152x128xf32, #tpu.memory_space<vmem_shared>>
    tpu.wait_indirect_dma semaphore(%arg20 : memref<!tpu.dma_semaphore, #tpu.memory_space<semaphore_mem>>) src(%dma_wait3A_269 : memref<1152x128xf32, #tpu.memory_space<vmem_shared>>) dst(%arg8 : memref<64x128xf32, #tpu.memory_space<vmem>>)
    %add3A_270 = arith.constant 16192 : i32
    %add3A_271 = arith.addi %mul3A_22, %add3A_270 : i32
    %dma_start3A_272 = arith.constant 0 : i32
    %dma_start3A_273 = tpu.memref_slice %arg4[%add3A_271, %dma_start3A_272] : memref<524288x128xf32, #tpu.memory_space<hbm>> -> memref<64x128xf32, #tpu.memory_space<hbm>>
    %dma_start3A_274 = arith.constant 0 : i32
    %dma_start3A_275 = tpu.memref_slice %arg4[%add3A_271, %dma_start3A_274] : memref<524288x128xf32, #tpu.memory_space<hbm>> -> memref<64x128xf32, #tpu.memory_space<hbm>>
    tpu.enqueue_dma source(%arg8 : memref<64x128xf32, #tpu.memory_space<vmem>>) target(%dma_start3A_275 : memref<64x128xf32, #tpu.memory_space<hbm>>) target_semaphore(%arg32 : memref<!tpu.dma_semaphore, #tpu.memory_space<semaphore_mem>>)
    %div3A_276 = arith.constant 254 : i32
    %div3A_277 = arith.constant 2 : i32
    %div3A_278 = arith.divsi %div3A_276, %div3A_277 : i32
    %rem3A_279 = arith.constant 254 : i32
    %rem3A_280 = arith.constant 2 : i32
    %rem3A_281 = arith.remsi %rem3A_279, %rem3A_280 : i32
    %mul3A_282 = arith.constant 64 : i32
    %mul3A_283 = arith.muli %rem3A_281, %mul3A_282 : i32
    %add3A_284 = arith.constant 0 : i32
    %add3A_285 = arith.addi %mul3A_283, %add3A_284 : i32
    %get3A_286 = arith.index_cast %div3A_278 : i32 to index
    %get3A_287 = arith.index_cast %add3A_285 : i32 to index
    %get3A_288 = tpu.vector_load %arg5[%get3A_286, %get3A_287] {strides = array<i32>} : memref<128x128xi32, #tpu.memory_space<vmem>>, vector<1x16xi32>,
    %get3A_289 = vector.shape_cast %get3A_288 : vector<1x16xi32> to vector<16xi32>
    %mul3A_290 = arith.constant 128 : i32
    %mul3A_291 = vector.broadcast %mul3A_290 : i32 to vector<16xi32>
    %mul3A_292 = arith.muli %get3A_289, %mul3A_291 : vector<16xi32>
    %add3A_293 = vector.broadcast %mul3A_283 : i32 to vector<16xi32>
    %add3A_294 = arith.addi %iota3A, %add3A_293 : vector<16xi32>
    %add3A_295 = arith.constant 0 : i32
    %add3A_296 = vector.broadcast %add3A_295 : i32 to vector<16xi32>
    %add3A_297 = arith.addi %add3A_294, %add3A_296 : vector<16xi32>
    %add3A_298 = arith.addi %mul3A_292, %add3A_297 : vector<16xi32>
    %swap3A_299 = arith.index_cast %div3A_278 : i32 to index
    %swap3A_300 = arith.index_cast %add3A_285 : i32 to index
    %swap3A_301 = tpu.vector_load %arg5[%swap3A_299, %swap3A_300] {strides = array<i32>} : memref<128x128xi32, #tpu.memory_space<vmem>>, vector<1x16xi32>,
    %swap3A_302 = vector.shape_cast %swap3A_301 : vector<1x16xi32> to vector<16xi32>
    %swap3A_303 = vector.shape_cast %add3A_298 : vector<16xi32> to vector<1x16xi32>
    tpu.vector_store %arg5[%swap3A_299, %swap3A_300], %swap3A_303 {strides = array<i32>} : memref<128x128xi32, #tpu.memory_space<vmem>>, vector<1x16xi32>,
    %add3A_304 = arith.constant 16 : i32
    %add3A_305 = arith.addi %mul3A_283, %add3A_304 : i32
    %get3A_306 = arith.index_cast %div3A_278 : i32 to index
    %get3A_307 = arith.index_cast %add3A_305 : i32 to index
    %get3A_308 = tpu.vector_load %arg5[%get3A_306, %get3A_307] {strides = array<i32>} : memref<128x128xi32, #tpu.memory_space<vmem>>, vector<1x16xi32>,
    %get3A_309 = vector.shape_cast %get3A_308 : vector<1x16xi32> to vector<16xi32>
    %mul3A_310 = arith.constant 128 : i32
    %mul3A_311 = vector.broadcast %mul3A_310 : i32 to vector<16xi32>
    %mul3A_312 = arith.muli %get3A_309, %mul3A_311 : vector<16xi32>
    %add3A_313 = vector.broadcast %mul3A_283 : i32 to vector<16xi32>
    %add3A_314 = arith.addi %iota3A, %add3A_313 : vector<16xi32>
    %add3A_315 = arith.constant 16 : i32
    %add3A_316 = vector.broadcast %add3A_315 : i32 to vector<16xi32>
    %add3A_317 = arith.addi %add3A_314, %add3A_316 : vector<16xi32>
    %add3A_318 = arith.addi %mul3A_312, %add3A_317 : vector<16xi32>
    %swap3A_319 = arith.index_cast %div3A_278 : i32 to index
    %swap3A_320 = arith.index_cast %add3A_305 : i32 to index
    %swap3A_321 = tpu.vector_load %arg5[%swap3A_319, %swap3A_320] {strides = array<i32>} : memref<128x128xi32, #tpu.memory_space<vmem>>, vector<1x16xi32>,
    %swap3A_322 = vector.shape_cast %swap3A_321 : vector<1x16xi32> to vector<16xi32>
    %swap3A_323 = vector.shape_cast %add3A_318 : vector<16xi32> to vector<1x16xi32>
    tpu.vector_store %arg5[%swap3A_319, %swap3A_320], %swap3A_323 {strides = array<i32>} : memref<128x128xi32, #tpu.memory_space<vmem>>, vector<1x16xi32>,
    %add3A_324 = arith.constant 32 : i32
    %add3A_325 = arith.addi %mul3A_283, %add3A_324 : i32
    %get3A_326 = arith.index_cast %div3A_278 : i32 to index
    %get3A_327 = arith.index_cast %add3A_325 : i32 to index
    %get3A_328 = tpu.vector_load %arg5[%get3A_326, %get3A_327] {strides = array<i32>} : memref<128x128xi32, #tpu.memory_space<vmem>>, vector<1x16xi32>,
    %get3A_329 = vector.shape_cast %get3A_328 : vector<1x16xi32> to vector<16xi32>
    %mul3A_330 = arith.constant 128 : i32
    %mul3A_331 = vector.broadcast %mul3A_330 : i32 to vector<16xi32>
    %mul3A_332 = arith.muli %get3A_329, %mul3A_331 : vector<16xi32>
    %add3A_333 = vector.broadcast %mul3A_283 : i32 to vector<16xi32>
    %add3A_334 = arith.addi %iota3A, %add3A_333 : vector<16xi32>
    %add3A_335 = arith.constant 32 : i32
    %add3A_336 = vector.broadcast %add3A_335 : i32 to vector<16xi32>
    %add3A_337 = arith.addi %add3A_334, %add3A_336 : vector<16xi32>
    %add3A_338 = arith.addi %mul3A_332, %add3A_337 : vector<16xi32>
    %swap3A_339 = arith.index_cast %div3A_278 : i32 to index
    %swap3A_340 = arith.index_cast %add3A_325 : i32 to index
    %swap3A_341 = tpu.vector_load %arg5[%swap3A_339, %swap3A_340] {strides = array<i32>} : memref<128x128xi32, #tpu.memory_space<vmem>>, vector<1x16xi32>,
    %swap3A_342 = vector.shape_cast %swap3A_341 : vector<1x16xi32> to vector<16xi32>
    %swap3A_343 = vector.shape_cast %add3A_338 : vector<16xi32> to vector<1x16xi32>
    tpu.vector_store %arg5[%swap3A_339, %swap3A_340], %swap3A_343 {strides = array<i32>} : memref<128x128xi32, #tpu.memory_space<vmem>>, vector<1x16xi32>,
    %add3A_344 = arith.constant 48 : i32
    %add3A_345 = arith.addi %mul3A_283, %add3A_344 : i32
    %get3A_346 = arith.index_cast %div3A_278 : i32 to index
    %get3A_347 = arith.index_cast %add3A_345 : i32 to index
    %get3A_348 = tpu.vector_load %arg5[%get3A_346, %get3A_347] {strides = array<i32>} : memref<128x128xi32, #tpu.memory_space<vmem>>, vector<1x16xi32>,
    %get3A_349 = vector.shape_cast %get3A_348 : vector<1x16xi32> to vector<16xi32>
    %mul3A_350 = arith.constant 128 : i32
    %mul3A_351 = vector.broadcast %mul3A_350 : i32 to vector<16xi32>
    %mul3A_352 = arith.muli %get3A_349, %mul3A_351 : vector<16xi32>
    %add3A_353 = vector.broadcast %mul3A_283 : i32 to vector<16xi32>
    %add3A_354 = arith.addi %iota3A, %add3A_353 : vector<16xi32>
    %add3A_355 = arith.constant 48 : i32
    %add3A_356 = vector.broadcast %add3A_355 : i32 to vector<16xi32>
    %add3A_357 = arith.addi %add3A_354, %add3A_356 : vector<16xi32>
    %add3A_358 = arith.addi %mul3A_352, %add3A_357 : vector<16xi32>
    %swap3A_359 = arith.index_cast %div3A_278 : i32 to index
    %swap3A_360 = arith.index_cast %add3A_345 : i32 to index
    %swap3A_361 = tpu.vector_load %arg5[%swap3A_359, %swap3A_360] {strides = array<i32>} : memref<128x128xi32, #tpu.memory_space<vmem>>, vector<1x16xi32>,
    %swap3A_362 = vector.shape_cast %swap3A_361 : vector<1x16xi32> to vector<16xi32>
    %swap3A_363 = vector.shape_cast %add3A_358 : vector<16xi32> to vector<1x16xi32>
    tpu.vector_store %arg5[%swap3A_359, %swap3A_360], %swap3A_363 {strides = array<i32>} : memref<128x128xi32, #tpu.memory_space<vmem>>, vector<1x16xi32>,
    %add3A_364 = arith.constant 16256 : i32
    %add3A_365 = arith.addi %mul3A_22, %add3A_364 : i32
    %dma_wait3A_366 = arith.constant 0 : i32
    %dma_wait3A_367 = tpu.memref_slice %arg4[%add3A_365, %dma_wait3A_366] : memref<524288x128xf32, #tpu.memory_space<hbm>> -> memref<64x128xf32, #tpu.memory_space<hbm>>
    %dma_wait3A_368 = arith.constant 0 : i32
    %dma_wait3A_369 = tpu.memref_slice %arg4[%add3A_365, %dma_wait3A_368] : memref<524288x128xf32, #tpu.memory_space<hbm>> -> memref<64x128xf32, #tpu.memory_space<hbm>>
    tpu.wait_dma2 semaphore(%arg33 : memref<!tpu.dma_semaphore, #tpu.memory_space<semaphore_mem>>) src(%arg9 : memref<64x128xf32, #tpu.memory_space<vmem>>) dst(%dma_wait3A_369 : memref<64x128xf32, #tpu.memory_space<hbm>>)
    %div3A_370 = arith.constant 254 : i32
    %div3A_371 = arith.constant 2 : i32
    %div3A_372 = arith.divsi %div3A_370, %div3A_371 : i32
    %rem3A_373 = arith.constant 254 : i32
    %rem3A_374 = arith.constant 2 : i32
    %rem3A_375 = arith.remsi %rem3A_373, %rem3A_374 : i32
    %mul3A_376 = arith.constant 64 : i32
    %mul3A_377 = arith.muli %rem3A_375, %mul3A_376 : i32
    %dma_start3A_378 = tpu.memref_slice %arg5[%div3A_372, %mul3A_377] : memref<128x128xi32, #tpu.memory_space<vmem>> -> memref<1x64xi32, #tpu.memory_space<vmem>>
    %dma_start3A_379 = tpu.memref_squeeze %dma_start3A_378 : memref<1x64xi32, #tpu.memory_space<vmem>> -> memref<64xi32, #tpu.memory_space<vmem>>
    %dma_start3A_380 = arith.constant 0 : i32
    %dma_start3A_381 = arith.constant 0 : i32
    %dma_start3A_382 = tpu.memref_slice %arg6[%dma_start3A_380, %dma_start3A_381] : memref<1152x128xf32, #tpu.memory_space<vmem_shared>> -> memref<1152x128xf32, #tpu.memory_space<vmem_shared>>
    tpu.enqueue_indirect_dma source(%dma_start3A_382 : memref<1152x128xf32, #tpu.memory_space<vmem_shared>>) target(%arg9 : memref<64x128xf32, #tpu.memory_space<vmem>>) offsets(%dma_start3A_379 : memref<64xi32, #tpu.memory_space<vmem>>) semaphore(%arg21 : memref<!tpu.dma_semaphore, #tpu.memory_space<semaphore_mem>>)
    %div3A_383 = arith.constant 254 : i32
    %div3A_384 = arith.constant 2 : i32
    %div3A_385 = arith.divsi %div3A_383, %div3A_384 : i32
    %rem3A_386 = arith.constant 254 : i32
    %rem3A_387 = arith.constant 2 : i32
    %rem3A_388 = arith.remsi %rem3A_386, %rem3A_387 : i32
    %mul3A_389 = arith.constant 64 : i32
    %mul3A_390 = arith.muli %rem3A_388, %mul3A_389 : i32
    %dma_wait3A_391 = tpu.memref_slice %arg5[%div3A_385, %mul3A_390] : memref<128x128xi32, #tpu.memory_space<vmem>> -> memref<1x64xi32, #tpu.memory_space<vmem>>
    %dma_wait3A_392 = tpu.memref_squeeze %dma_wait3A_391 : memref<1x64xi32, #tpu.memory_space<vmem>> -> memref<64xi32, #tpu.memory_space<vmem>>
    %dma_wait3A_393 = arith.constant 0 : i32
    %dma_wait3A_394 = arith.constant 0 : i32
    %dma_wait3A_395 = tpu.memref_slice %arg6[%dma_wait3A_393, %dma_wait3A_394] : memref<1152x128xf32, #tpu.memory_space<vmem_shared>> -> memref<1152x128xf32, #tpu.memory_space<vmem_shared>>
    tpu.wait_indirect_dma semaphore(%arg21 : memref<!tpu.dma_semaphore, #tpu.memory_space<semaphore_mem>>) src(%dma_wait3A_395 : memref<1152x128xf32, #tpu.memory_space<vmem_shared>>) dst(%arg9 : memref<64x128xf32, #tpu.memory_space<vmem>>)
    %add3A_396 = arith.constant 16256 : i32
    %add3A_397 = arith.addi %mul3A_22, %add3A_396 : i32
    %dma_start3A_398 = arith.constant 0 : i32
    %dma_start3A_399 = tpu.memref_slice %arg4[%add3A_397, %dma_start3A_398] : memref<524288x128xf32, #tpu.memory_space<hbm>> -> memref<64x128xf32, #tpu.memory_space<hbm>>
    %dma_start3A_400 = arith.constant 0 : i32
    %dma_start3A_401 = tpu.memref_slice %arg4[%add3A_397, %dma_start3A_400] : memref<524288x128xf32, #tpu.memory_space<hbm>> -> memref<64x128xf32, #tpu.memory_space<hbm>>
    tpu.enqueue_dma source(%arg9 : memref<64x128xf32, #tpu.memory_space<vmem>>) target(%dma_start3A_401 : memref<64x128xf32, #tpu.memory_space<hbm>>) target_semaphore(%arg33 : memref<!tpu.dma_semaphore, #tpu.memory_space<semaphore_mem>>)
    %div3A_402 = arith.constant 255 : i32
    %div3A_403 = arith.constant 2 : i32
    %div3A_404 = arith.divsi %div3A_402, %div3A_403 : i32
    %rem3A_405 = arith.constant 255 : i32
    %rem3A_406 = arith.constant 2 : i32
    %rem3A_407 = arith.remsi %rem3A_405, %rem3A_406 : i32
    %mul3A_408 = arith.constant 64 : i32
    %mul3A_409 = arith.muli %rem3A_407, %mul3A_408 : i32
    %add3A_410 = arith.constant 0 : i32
    %add3A_411 = arith.addi %mul3A_409, %add3A_410 : i32
    %get3A_412 = arith.index_cast %div3A_404 : i32 to index
    %get3A_413 = arith.index_cast %add3A_411 : i32 to index
    %get3A_414 = tpu.vector_load %arg5[%get3A_412, %get3A_413] {strides = array<i32>} : memref<128x128xi32, #tpu.memory_space<vmem>>, vector<1x16xi32>,
    %get3A_415 = vector.shape_cast %get3A_414 : vector<1x16xi32> to vector<16xi32>
    %mul3A_416 = arith.constant 128 : i32
    %mul3A_417 = vector.broadcast %mul3A_416 : i32 to vector<16xi32>
    %mul3A_418 = arith.muli %get3A_415, %mul3A_417 : vector<16xi32>
    %add3A_419 = vector.broadcast %mul3A_409 : i32 to vector<16xi32>
    %add3A_420 = arith.addi %iota3A, %add3A_419 : vector<16xi32>
    %add3A_421 = arith.constant 0 : i32
    %add3A_422 = vector.broadcast %add3A_421 : i32 to vector<16xi32>
    %add3A_423 = arith.addi %add3A_420, %add3A_422 : vector<16xi32>
    %add3A_424 = arith.addi %mul3A_418, %add3A_423 : vector<16xi32>
    %swap3A_425 = arith.index_cast %div3A_404 : i32 to index
    %swap3A_426 = arith.index_cast %add3A_411 : i32 to index
    %swap3A_427 = tpu.vector_load %arg5[%swap3A_425, %swap3A_426] {strides = array<i32>} : memref<128x128xi32, #tpu.memory_space<vmem>>, vector<1x16xi32>,
    %swap3A_428 = vector.shape_cast %swap3A_427 : vector<1x16xi32> to vector<16xi32>
    %swap3A_429 = vector.shape_cast %add3A_424 : vector<16xi32> to vector<1x16xi32>
    tpu.vector_store %arg5[%swap3A_425, %swap3A_426], %swap3A_429 {strides = array<i32>} : memref<128x128xi32, #tpu.memory_space<vmem>>, vector<1x16xi32>,
    %add3A_430 = arith.constant 16 : i32
    %add3A_431 = arith.addi %mul3A_409, %add3A_430 : i32
    %get3A_432 = arith.index_cast %div3A_404 : i32 to index
    %get3A_433 = arith.index_cast %add3A_431 : i32 to index
    %get3A_434 = tpu.vector_load %arg5[%get3A_432, %get3A_433] {strides = array<i32>} : memref<128x128xi32, #tpu.memory_space<vmem>>, vector<1x16xi32>,
    %get3A_435 = vector.shape_cast %get3A_434 : vector<1x16xi32> to vector<16xi32>
    %mul3A_436 = arith.constant 128 : i32
    %mul3A_437 = vector.broadcast %mul3A_436 : i32 to vector<16xi32>
    %mul3A_438 = arith.muli %get3A_435, %mul3A_437 : vector<16xi32>
    %add3A_439 = vector.broadcast %mul3A_409 : i32 to vector<16xi32>
    %add3A_440 = arith.addi %iota3A, %add3A_439 : vector<16xi32>
    %add3A_441 = arith.constant 16 : i32
    %add3A_442 = vector.broadcast %add3A_441 : i32 to vector<16xi32>
    %add3A_443 = arith.addi %add3A_440, %add3A_442 : vector<16xi32>
    %add3A_444 = arith.addi %mul3A_438, %add3A_443 : vector<16xi32>
    %swap3A_445 = arith.index_cast %div3A_404 : i32 to index
    %swap3A_446 = arith.index_cast %add3A_431 : i32 to index
    %swap3A_447 = tpu.vector_load %arg5[%swap3A_445, %swap3A_446] {strides = array<i32>} : memref<128x128xi32, #tpu.memory_space<vmem>>, vector<1x16xi32>,
    %swap3A_448 = vector.shape_cast %swap3A_447 : vector<1x16xi32> to vector<16xi32>
    %swap3A_449 = vector.shape_cast %add3A_444 : vector<16xi32> to vector<1x16xi32>
    tpu.vector_store %arg5[%swap3A_445, %swap3A_446], %swap3A_449 {strides = array<i32>} : memref<128x128xi32, #tpu.memory_space<vmem>>, vector<1x16xi32>,
    %add3A_450 = arith.constant 32 : i32
    %add3A_451 = arith.addi %mul3A_409, %add3A_450 : i32
    %get3A_452 = arith.index_cast %div3A_404 : i32 to index
    %get3A_453 = arith.index_cast %add3A_451 : i32 to index
    %get3A_454 = tpu.vector_load %arg5[%get3A_452, %get3A_453] {strides = array<i32>} : memref<128x128xi32, #tpu.memory_space<vmem>>, vector<1x16xi32>,
    %get3A_455 = vector.shape_cast %get3A_454 : vector<1x16xi32> to vector<16xi32>
    %mul3A_456 = arith.constant 128 : i32
    %mul3A_457 = vector.broadcast %mul3A_456 : i32 to vector<16xi32>
    %mul3A_458 = arith.muli %get3A_455, %mul3A_457 : vector<16xi32>
    %add3A_459 = vector.broadcast %mul3A_409 : i32 to vector<16xi32>
    %add3A_460 = arith.addi %iota3A, %add3A_459 : vector<16xi32>
    %add3A_461 = arith.constant 32 : i32
    %add3A_462 = vector.broadcast %add3A_461 : i32 to vector<16xi32>
    %add3A_463 = arith.addi %add3A_460, %add3A_462 : vector<16xi32>
    %add3A_464 = arith.addi %mul3A_458, %add3A_463 : vector<16xi32>
    %swap3A_465 = arith.index_cast %div3A_404 : i32 to index
    %swap3A_466 = arith.index_cast %add3A_451 : i32 to index
    %swap3A_467 = tpu.vector_load %arg5[%swap3A_465, %swap3A_466] {strides = array<i32>} : memref<128x128xi32, #tpu.memory_space<vmem>>, vector<1x16xi32>,
    %swap3A_468 = vector.shape_cast %swap3A_467 : vector<1x16xi32> to vector<16xi32>
    %swap3A_469 = vector.shape_cast %add3A_464 : vector<16xi32> to vector<1x16xi32>
    tpu.vector_store %arg5[%swap3A_465, %swap3A_466], %swap3A_469 {strides = array<i32>} : memref<128x128xi32, #tpu.memory_space<vmem>>, vector<1x16xi32>,
    %add3A_470 = arith.constant 48 : i32
    %add3A_471 = arith.addi %mul3A_409, %add3A_470 : i32
    %get3A_472 = arith.index_cast %div3A_404 : i32 to index
    %get3A_473 = arith.index_cast %add3A_471 : i32 to index
    %get3A_474 = tpu.vector_load %arg5[%get3A_472, %get3A_473] {strides = array<i32>} : memref<128x128xi32, #tpu.memory_space<vmem>>, vector<1x16xi32>,
    %get3A_475 = vector.shape_cast %get3A_474 : vector<1x16xi32> to vector<16xi32>
    %mul3A_476 = arith.constant 128 : i32
    %mul3A_477 = vector.broadcast %mul3A_476 : i32 to vector<16xi32>
    %mul3A_478 = arith.muli %get3A_475, %mul3A_477 : vector<16xi32>
    %add3A_479 = vector.broadcast %mul3A_409 : i32 to vector<16xi32>
    %add3A_480 = arith.addi %iota3A, %add3A_479 : vector<16xi32>
    %add3A_481 = arith.constant 48 : i32
    %add3A_482 = vector.broadcast %add3A_481 : i32 to vector<16xi32>
    %add3A_483 = arith.addi %add3A_480, %add3A_482 : vector<16xi32>
    %add3A_484 = arith.addi %mul3A_478, %add3A_483 : vector<16xi32>
    %swap3A_485 = arith.index_cast %div3A_404 : i32 to index
    %swap3A_486 = arith.index_cast %add3A_471 : i32 to index
    %swap3A_487 = tpu.vector_load %arg5[%swap3A_485, %swap3A_486] {strides = array<i32>} : memref<128x128xi32, #tpu.memory_space<vmem>>, vector<1x16xi32>,
    %swap3A_488 = vector.shape_cast %swap3A_487 : vector<1x16xi32> to vector<16xi32>
    %swap3A_489 = vector.shape_cast %add3A_484 : vector<16xi32> to vector<1x16xi32>
    tpu.vector_store %arg5[%swap3A_485, %swap3A_486], %swap3A_489 {strides = array<i32>} : memref<128x128xi32, #tpu.memory_space<vmem>>, vector<1x16xi32>,
    %add3A_490 = arith.constant 16320 : i32
    %add3A_491 = arith.addi %mul3A_22, %add3A_490 : i32
    %dma_wait3A_492 = arith.constant 0 : i32
    %dma_wait3A_493 = tpu.memref_slice %arg4[%add3A_491, %dma_wait3A_492] : memref<524288x128xf32, #tpu.memory_space<hbm>> -> memref<64x128xf32, #tpu.memory_space<hbm>>
    %dma_wait3A_494 = arith.constant 0 : i32
    %dma_wait3A_495 = tpu.memref_slice %arg4[%add3A_491, %dma_wait3A_494] : memref<524288x128xf32, #tpu.memory_space<hbm>> -> memref<64x128xf32, #tpu.memory_space<hbm>>
    tpu.wait_dma2 semaphore(%arg34 : memref<!tpu.dma_semaphore, #tpu.memory_space<semaphore_mem>>) src(%arg10 : memref<64x128xf32, #tpu.memory_space<vmem>>) dst(%dma_wait3A_495 : memref<64x128xf32, #tpu.memory_space<hbm>>)
    %div3A_496 = arith.constant 255 : i32
    %div3A_497 = arith.constant 2 : i32
    %div3A_498 = arith.divsi %div3A_496, %div3A_497 : i32
    %rem3A_499 = arith.constant 255 : i32
    %rem3A_500 = arith.constant 2 : i32
    %rem3A_501 = arith.remsi %rem3A_499, %rem3A_500 : i32
    %mul3A_502 = arith.constant 64 : i32
    %mul3A_503 = arith.muli %rem3A_501, %mul3A_502 : i32
    %dma_start3A_504 = tpu.memref_slice %arg5[%div3A_498, %mul3A_503] : memref<128x128xi32, #tpu.memory_space<vmem>> -> memref<1x64xi32, #tpu.memory_space<vmem>>
    %dma_start3A_505 = tpu.memref_squeeze %dma_start3A_504 : memref<1x64xi32, #tpu.memory_space<vmem>> -> memref<64xi32, #tpu.memory_space<vmem>>
    %dma_start3A_506 = arith.constant 0 : i32
    %dma_start3A_507 = arith.constant 0 : i32
    %dma_start3A_508 = tpu.memref_slice %arg6[%dma_start3A_506, %dma_start3A_507] : memref<1152x128xf32, #tpu.memory_space<vmem_shared>> -> memref<1152x128xf32, #tpu.memory_space<vmem_shared>>
    tpu.enqueue_indirect_dma source(%dma_start3A_508 : memref<1152x128xf32, #tpu.memory_space<vmem_shared>>) target(%arg10 : memref<64x128xf32, #tpu.memory_space<vmem>>) offsets(%dma_start3A_505 : memref<64xi32, #tpu.memory_space<vmem>>) semaphore(%arg22 : memref<!tpu.dma_semaphore, #tpu.memory_space<semaphore_mem>>)
    %div3A_509 = arith.constant 255 : i32
    %div3A_510 = arith.constant 2 : i32
    %div3A_511 = arith.divsi %div3A_509, %div3A_510 : i32
    %rem3A_512 = arith.constant 255 : i32
    %rem3A_513 = arith.constant 2 : i32
    %rem3A_514 = arith.remsi %rem3A_512, %rem3A_513 : i32
    %mul3A_515 = arith.constant 64 : i32
    %mul3A_516 = arith.muli %rem3A_514, %mul3A_515 : i32
    %dma_wait3A_517 = tpu.memref_slice %arg5[%div3A_511, %mul3A_516] : memref<128x128xi32, #tpu.memory_space<vmem>> -> memref<1x64xi32, #tpu.memory_space<vmem>>
    %dma_wait3A_518 = tpu.memref_squeeze %dma_wait3A_517 : memref<1x64xi32, #tpu.memory_space<vmem>> -> memref<64xi32, #tpu.memory_space<vmem>>
    %dma_wait3A_519 = arith.constant 0 : i32
    %dma_wait3A_520 = arith.constant 0 : i32
    %dma_wait3A_521 = tpu.memref_slice %arg6[%dma_wait3A_519, %dma_wait3A_520] : memref<1152x128xf32, #tpu.memory_space<vmem_shared>> -> memref<1152x128xf32, #tpu.memory_space<vmem_shared>>
    tpu.wait_indirect_dma semaphore(%arg22 : memref<!tpu.dma_semaphore, #tpu.memory_space<semaphore_mem>>) src(%dma_wait3A_521 : memref<1152x128xf32, #tpu.memory_space<vmem_shared>>) dst(%arg10 : memref<64x128xf32, #tpu.memory_space<vmem>>)
    %add3A_522 = arith.constant 16320 : i32
    %add3A_523 = arith.addi %mul3A_22, %add3A_522 : i32
    %dma_start3A_524 = arith.constant 0 : i32
    %dma_start3A_525 = tpu.memref_slice %arg4[%add3A_523, %dma_start3A_524] : memref<524288x128xf32, #tpu.memory_space<hbm>> -> memref<64x128xf32, #tpu.memory_space<hbm>>
    %dma_start3A_526 = arith.constant 0 : i32
    %dma_start3A_527 = tpu.memref_slice %arg4[%add3A_523, %dma_start3A_526] : memref<524288x128xf32, #tpu.memory_space<hbm>> -> memref<64x128xf32, #tpu.memory_space<hbm>>
    tpu.enqueue_dma source(%arg10 : memref<64x128xf32, #tpu.memory_space<vmem>>) target(%dma_start3A_527 : memref<64x128xf32, #tpu.memory_space<hbm>>) target_semaphore(%arg34 : memref<!tpu.dma_semaphore, #tpu.memory_space<semaphore_mem>>)
    %add3A_528 = arith.constant 0 : i32
    %add3A_529 = arith.addi %mul3A_22, %add3A_528 : i32
    %dma_wait3A_530 = arith.constant 0 : i32
    %dma_wait3A_531 = tpu.memref_slice %arg4[%add3A_529, %dma_wait3A_530] : memref<524288x128xf32, #tpu.memory_space<hbm>> -> memref<64x128xf32, #tpu.memory_space<hbm>>
    %dma_wait3A_532 = arith.constant 0 : i32
    %dma_wait3A_533 = tpu.memref_slice %arg4[%add3A_529, %dma_wait3A_532] : memref<524288x128xf32, #tpu.memory_space<hbm>> -> memref<64x128xf32, #tpu.memory_space<hbm>>
    tpu.wait_dma2 semaphore(%arg31 : memref<!tpu.dma_semaphore, #tpu.memory_space<semaphore_mem>>) src(%arg7 : memref<64x128xf32, #tpu.memory_space<vmem>>) dst(%dma_wait3A_533 : memref<64x128xf32, #tpu.memory_space<hbm>>)
    %add3A_534 = arith.constant 0 : i32
    %add3A_535 = arith.addi %mul3A_22, %add3A_534 : i32
    %dma_wait3A_536 = arith.constant 0 : i32
    %dma_wait3A_537 = tpu.memref_slice %arg4[%add3A_535, %dma_wait3A_536] : memref<524288x128xf32, #tpu.memory_space<hbm>> -> memref<64x128xf32, #tpu.memory_space<hbm>>
    %dma_wait3A_538 = arith.constant 0 : i32
    %dma_wait3A_539 = tpu.memref_slice %arg4[%add3A_535, %dma_wait3A_538] : memref<524288x128xf32, #tpu.memory_space<hbm>> -> memref<64x128xf32, #tpu.memory_space<hbm>>
    tpu.wait_dma2 semaphore(%arg32 : memref<!tpu.dma_semaphore, #tpu.memory_space<semaphore_mem>>) src(%arg8 : memref<64x128xf32, #tpu.memory_space<vmem>>) dst(%dma_wait3A_539 : memref<64x128xf32, #tpu.memory_space<hbm>>)
    %add3A_540 = arith.constant 0 : i32
    %add3A_541 = arith.addi %mul3A_22, %add3A_540 : i32
    %dma_wait3A_542 = arith.constant 0 : i32
    %dma_wait3A_543 = tpu.memref_slice %arg4[%add3A_541, %dma_wait3A_542] : memref<524288x128xf32, #tpu.memory_space<hbm>> -> memref<64x128xf32, #tpu.memory_space<hbm>>
    %dma_wait3A_544 = arith.constant 0 : i32
    %dma_wait3A_545 = tpu.memref_slice %arg4[%add3A_541, %dma_wait3A_544] : memref<524288x128xf32, #tpu.memory_space<hbm>> -> memref<64x128xf32, #tpu.memory_space<hbm>>
    tpu.wait_dma2 semaphore(%arg33 : memref<!tpu.dma_semaphore, #tpu.memory_space<semaphore_mem>>) src(%arg9 : memref<64x128xf32, #tpu.memory_space<vmem>>) dst(%dma_wait3A_545 : memref<64x128xf32, #tpu.memory_space<hbm>>)
    %add3A_546 = arith.constant 0 : i32
    %add3A_547 = arith.addi %mul3A_22, %add3A_546 : i32
    %dma_wait3A_548 = arith.constant 0 : i32
    %dma_wait3A_549 = tpu.memref_slice %arg4[%add3A_547, %dma_wait3A_548] : memref<524288x128xf32, #tpu.memory_space<hbm>> -> memref<64x128xf32, #tpu.memory_space<hbm>>
    %dma_wait3A_550 = arith.constant 0 : i32
    %dma_wait3A_551 = tpu.memref_slice %arg4[%add3A_547, %dma_wait3A_550] : memref<524288x128xf32, #tpu.memory_space<hbm>> -> memref<64x128xf32, #tpu.memory_space<hbm>>
    tpu.wait_dma2 semaphore(%arg34 : memref<!tpu.dma_semaphore, #tpu.memory_space<semaphore_mem>>) src(%arg10 : memref<64x128xf32, #tpu.memory_space<vmem>>) dst(%dma_wait3A_551 : memref<64x128xf32, #tpu.memory_space<hbm>>)
    %add3A_552 = arith.constant 0 : i32
    %add3A_553 = arith.addi %mul3A_22, %add3A_552 : i32
    %dma_wait3A_554 = arith.constant 0 : i32
    %dma_wait3A_555 = tpu.memref_slice %arg4[%add3A_553, %dma_wait3A_554] : memref<524288x128xf32, #tpu.memory_space<hbm>> -> memref<64x128xf32, #tpu.memory_space<hbm>>
    %dma_wait3A_556 = arith.constant 0 : i32
    %dma_wait3A_557 = tpu.memref_slice %arg4[%add3A_553, %dma_wait3A_556] : memref<524288x128xf32, #tpu.memory_space<hbm>> -> memref<64x128xf32, #tpu.memory_space<hbm>>
    tpu.wait_dma2 semaphore(%arg35 : memref<!tpu.dma_semaphore, #tpu.memory_space<semaphore_mem>>) src(%arg11 : memref<64x128xf32, #tpu.memory_space<vmem>>) dst(%dma_wait3A_557 : memref<64x128xf32, #tpu.memory_space<hbm>>)
    %add3A_558 = arith.constant 0 : i32
    %add3A_559 = arith.addi %mul3A_22, %add3A_558 : i32
    %dma_wait3A_560 = arith.constant 0 : i32
    %dma_wait3A_561 = tpu.memref_slice %arg4[%add3A_559, %dma_wait3A_560] : memref<524288x128xf32, #tpu.memory_space<hbm>> -> memref<64x128xf32, #tpu.memory_space<hbm>>
    %dma_wait3A_562 = arith.constant 0 : i32
    %dma_wait3A_563 = tpu.memref_slice %arg4[%add3A_559, %dma_wait3A_562] : memref<524288x128xf32, #tpu.memory_space<hbm>> -> memref<64x128xf32, #tpu.memory_space<hbm>>
    tpu.wait_dma2 semaphore(%arg36 : memref<!tpu.dma_semaphore, #tpu.memory_space<semaphore_mem>>) src(%arg12 : memref<64x128xf32, #tpu.memory_space<vmem>>) dst(%dma_wait3A_563 : memref<64x128xf32, #tpu.memory_space<hbm>>)
    %add3A_564 = arith.constant 0 : i32
    %add3A_565 = arith.addi %mul3A_22, %add3A_564 : i32
    %dma_wait3A_566 = arith.constant 0 : i32
    %dma_wait3A_567 = tpu.memref_slice %arg4[%add3A_565, %dma_wait3A_566] : memref<524288x128xf32, #tpu.memory_space<hbm>> -> memref<64x128xf32, #tpu.memory_space<hbm>>
    %dma_wait3A_568 = arith.constant 0 : i32
    %dma_wait3A_569 = tpu.memref_slice %arg4[%add3A_565, %dma_wait3A_568] : memref<524288x128xf32, #tpu.memory_space<hbm>> -> memref<64x128xf32, #tpu.memory_space<hbm>>
    tpu.wait_dma2 semaphore(%arg37 : memref<!tpu.dma_semaphore, #tpu.memory_space<semaphore_mem>>) src(%arg13 : memref<64x128xf32, #tpu.memory_space<vmem>>) dst(%dma_wait3A_569 : memref<64x128xf32, #tpu.memory_space<hbm>>)
    %add3A_570 = arith.constant 0 : i32
    %add3A_571 = arith.addi %mul3A_22, %add3A_570 : i32
    %dma_wait3A_572 = arith.constant 0 : i32
    %dma_wait3A_573 = tpu.memref_slice %arg4[%add3A_571, %dma_wait3A_572] : memref<524288x128xf32, #tpu.memory_space<hbm>> -> memref<64x128xf32, #tpu.memory_space<hbm>>
    %dma_wait3A_574 = arith.constant 0 : i32
    %dma_wait3A_575 = tpu.memref_slice %arg4[%add3A_571, %dma_wait3A_574] : memref<524288x128xf32, #tpu.memory_space<hbm>> -> memref<64x128xf32, #tpu.memory_space<hbm>>
    tpu.wait_dma2 semaphore(%arg38 : memref<!tpu.dma_semaphore, #tpu.memory_space<semaphore_mem>>) src(%arg14 : memref<64x128xf32, #tpu.memory_space<vmem>>) dst(%dma_wait3A_575 : memref<64x128xf32, #tpu.memory_space<hbm>>)
    %add3A_576 = arith.constant 0 : i32
    %add3A_577 = arith.addi %mul3A_22, %add3A_576 : i32
    %dma_wait3A_578 = arith.constant 0 : i32
    %dma_wait3A_579 = tpu.memref_slice %arg4[%add3A_577, %dma_wait3A_578] : memref<524288x128xf32, #tpu.memory_space<hbm>> -> memref<64x128xf32, #tpu.memory_space<hbm>>
    %dma_wait3A_580 = arith.constant 0 : i32
    %dma_wait3A_581 = tpu.memref_slice %arg4[%add3A_577, %dma_wait3A_580] : memref<524288x128xf32, #tpu.memory_space<hbm>> -> memref<64x128xf32, #tpu.memory_space<hbm>>
    tpu.wait_dma2 semaphore(%arg39 : memref<!tpu.dma_semaphore, #tpu.memory_space<semaphore_mem>>) src(%arg15 : memref<64x128xf32, #tpu.memory_space<vmem>>) dst(%dma_wait3A_581 : memref<64x128xf32, #tpu.memory_space<hbm>>)
    %add3A_582 = arith.constant 0 : i32
    %add3A_583 = arith.addi %mul3A_22, %add3A_582 : i32
    %dma_wait3A_584 = arith.constant 0 : i32
    %dma_wait3A_585 = tpu.memref_slice %arg4[%add3A_583, %dma_wait3A_584] : memref<524288x128xf32, #tpu.memory_space<hbm>> -> memref<64x128xf32, #tpu.memory_space<hbm>>
    %dma_wait3A_586 = arith.constant 0 : i32
    %dma_wait3A_587 = tpu.memref_slice %arg4[%add3A_583, %dma_wait3A_586] : memref<524288x128xf32, #tpu.memory_space<hbm>> -> memref<64x128xf32, #tpu.memory_space<hbm>>
    tpu.wait_dma2 semaphore(%arg40 : memref<!tpu.dma_semaphore, #tpu.memory_space<semaphore_mem>>) src(%arg16 : memref<64x128xf32, #tpu.memory_space<vmem>>) dst(%dma_wait3A_587 : memref<64x128xf32, #tpu.memory_space<hbm>>)
    %add3A_588 = arith.constant 0 : i32
    %add3A_589 = arith.addi %mul3A_22, %add3A_588 : i32
    %dma_wait3A_590 = arith.constant 0 : i32
    %dma_wait3A_591 = tpu.memref_slice %arg4[%add3A_589, %dma_wait3A_590] : memref<524288x128xf32, #tpu.memory_space<hbm>> -> memref<64x128xf32, #tpu.memory_space<hbm>>
    %dma_wait3A_592 = arith.constant 0 : i32
    %dma_wait3A_593 = tpu.memref_slice %arg4[%add3A_589, %dma_wait3A_592] : memref<524288x128xf32, #tpu.memory_space<hbm>> -> memref<64x128xf32, #tpu.memory_space<hbm>>
    tpu.wait_dma2 semaphore(%arg41 : memref<!tpu.dma_semaphore, #tpu.memory_space<semaphore_mem>>) src(%arg17 : memref<64x128xf32, #tpu.memory_space<vmem>>) dst(%dma_wait3A_593 : memref<64x128xf32, #tpu.memory_space<hbm>>)
    %add3A_594 = arith.constant 0 : i32
    %add3A_595 = arith.addi %mul3A_22, %add3A_594 : i32
    %dma_wait3A_596 = arith.constant 0 : i32
    %dma_wait3A_597 = tpu.memref_slice %arg4[%add3A_595, %dma_wait3A_596] : memref<524288x128xf32, #tpu.memory_space<hbm>> -> memref<64x128xf32, #tpu.memory_space<hbm>>
    %dma_wait3A_598 = arith.constant 0 : i32
    %dma_wait3A_599 = tpu.memref_slice %arg4[%add3A_595, %dma_wait3A_598] : memref<524288x128xf32, #tpu.memory_space<hbm>> -> memref<64x128xf32, #tpu.memory_space<hbm>>
    tpu.wait_dma2 semaphore(%arg42 : memref<!tpu.dma_semaphore, #tpu.memory_space<semaphore_mem>>) src(%arg18 : memref<64x128xf32, #tpu.memory_space<vmem>>) dst(%dma_wait3A_599 : memref<64x128xf32, #tpu.memory_space<hbm>>)
    return
  }
}

module attributes {stable_mosaic.version = 14 : i64} {
  func.func @_c_body(%arg0: memref<9x128xf32, #tpu.memory_space<vmem>>, %arg1: memref<128x128xf32, #tpu.memory_space<vmem>>, %arg2: memref<1152x128xf32, #tpu.memory_space<vmem>>) attributes {dimension_semantics = [], scalar_prefetch = 0 : i64, scratch_operands = 0 : i64, tpu.core_type = #tpu.core_type<tc>} {
    %get3A = arith.constant 0 : index
    %get3A_0 = arith.constant 0 : index
    %get3A_1 = vector.load %arg1[%get3A, %get3A_0] : memref<128x128xf32, #tpu.memory_space<vmem>>, vector<128x128xf32>
    %get3A_2 = arith.constant 0 : index
    %get3A_3 = arith.constant 0 : index
    %get3A_4 = vector.load %arg0[%get3A_2, %get3A_3] : memref<9x128xf32, #tpu.memory_space<vmem>>, vector<1x128xf32>
    %get3A_5 = vector.shape_cast %get3A_4 : vector<1x128xf32> to vector<128xf32>
    %broadcast_in_dim3A = vector.shape_cast %get3A_5 : vector<128xf32> to vector<1x128xf32>
    %add3A = vector.broadcast %broadcast_in_dim3A : vector<1x128xf32> to vector<128x128xf32>
    %add3A_6 = arith.addf %get3A_1, %add3A : vector<128x128xf32>
    %swap3A = arith.constant 0 : index
    %swap3A_7 = arith.constant 0 : index
    %swap3A_8 = vector.load %arg2[%swap3A, %swap3A_7] : memref<1152x128xf32, #tpu.memory_space<vmem>>, vector<128x128xf32>
    tpu.vector_store %arg2[%swap3A, %swap3A_7], %add3A_6 {strides = array<i32>} : memref<1152x128xf32, #tpu.memory_space<vmem>>, vector<128x128xf32>,
    %get3A_9 = arith.constant 1 : index
    %get3A_10 = arith.constant 0 : index
    %get3A_11 = vector.load %arg0[%get3A_9, %get3A_10] : memref<9x128xf32, #tpu.memory_space<vmem>>, vector<1x128xf32>
    %get3A_12 = vector.shape_cast %get3A_11 : vector<1x128xf32> to vector<128xf32>
    %broadcast_in_dim3A_13 = vector.shape_cast %get3A_12 : vector<128xf32> to vector<1x128xf32>
    %add3A_14 = vector.broadcast %broadcast_in_dim3A_13 : vector<1x128xf32> to vector<128x128xf32>
    %add3A_15 = arith.addf %get3A_1, %add3A_14 : vector<128x128xf32>
    %swap3A_16 = arith.constant 128 : index
    %swap3A_17 = arith.constant 0 : index
    %swap3A_18 = vector.load %arg2[%swap3A_16, %swap3A_17] : memref<1152x128xf32, #tpu.memory_space<vmem>>, vector<128x128xf32>
    tpu.vector_store %arg2[%swap3A_16, %swap3A_17], %add3A_15 {strides = array<i32>} : memref<1152x128xf32, #tpu.memory_space<vmem>>, vector<128x128xf32>,
    %get3A_19 = arith.constant 2 : index
    %get3A_20 = arith.constant 0 : index
    %get3A_21 = vector.load %arg0[%get3A_19, %get3A_20] : memref<9x128xf32, #tpu.memory_space<vmem>>, vector<1x128xf32>
    %get3A_22 = vector.shape_cast %get3A_21 : vector<1x128xf32> to vector<128xf32>
    %broadcast_in_dim3A_23 = vector.shape_cast %get3A_22 : vector<128xf32> to vector<1x128xf32>
    %add3A_24 = vector.broadcast %broadcast_in_dim3A_23 : vector<1x128xf32> to vector<128x128xf32>
    %add3A_25 = arith.addf %get3A_1, %add3A_24 : vector<128x128xf32>
    %swap3A_26 = arith.constant 256 : index
    %swap3A_27 = arith.constant 0 : index
    %swap3A_28 = vector.load %arg2[%swap3A_26, %swap3A_27] : memref<1152x128xf32, #tpu.memory_space<vmem>>, vector<128x128xf32>
    tpu.vector_store %arg2[%swap3A_26, %swap3A_27], %add3A_25 {strides = array<i32>} : memref<1152x128xf32, #tpu.memory_space<vmem>>, vector<128x128xf32>,
    %get3A_29 = arith.constant 3 : index
    %get3A_30 = arith.constant 0 : index
    %get3A_31 = vector.load %arg0[%get3A_29, %get3A_30] : memref<9x128xf32, #tpu.memory_space<vmem>>, vector<1x128xf32>
    %get3A_32 = vector.shape_cast %get3A_31 : vector<1x128xf32> to vector<128xf32>
    %broadcast_in_dim3A_33 = vector.shape_cast %get3A_32 : vector<128xf32> to vector<1x128xf32>
    %add3A_34 = vector.broadcast %broadcast_in_dim3A_33 : vector<1x128xf32> to vector<128x128xf32>
    %add3A_35 = arith.addf %get3A_1, %add3A_34 : vector<128x128xf32>
    %swap3A_36 = arith.constant 384 : index
    %swap3A_37 = arith.constant 0 : index
    %swap3A_38 = vector.load %arg2[%swap3A_36, %swap3A_37] : memref<1152x128xf32, #tpu.memory_space<vmem>>, vector<128x128xf32>
    tpu.vector_store %arg2[%swap3A_36, %swap3A_37], %add3A_35 {strides = array<i32>} : memref<1152x128xf32, #tpu.memory_space<vmem>>, vector<128x128xf32>,
    %get3A_39 = arith.constant 4 : index
    %get3A_40 = arith.constant 0 : index
    %get3A_41 = vector.load %arg0[%get3A_39, %get3A_40] : memref<9x128xf32, #tpu.memory_space<vmem>>, vector<1x128xf32>
    %get3A_42 = vector.shape_cast %get3A_41 : vector<1x128xf32> to vector<128xf32>
    %broadcast_in_dim3A_43 = vector.shape_cast %get3A_42 : vector<128xf32> to vector<1x128xf32>
    %add3A_44 = vector.broadcast %broadcast_in_dim3A_43 : vector<1x128xf32> to vector<128x128xf32>
    %add3A_45 = arith.addf %get3A_1, %add3A_44 : vector<128x128xf32>
    %swap3A_46 = arith.constant 512 : index
    %swap3A_47 = arith.constant 0 : index
    %swap3A_48 = vector.load %arg2[%swap3A_46, %swap3A_47] : memref<1152x128xf32, #tpu.memory_space<vmem>>, vector<128x128xf32>
    tpu.vector_store %arg2[%swap3A_46, %swap3A_47], %add3A_45 {strides = array<i32>} : memref<1152x128xf32, #tpu.memory_space<vmem>>, vector<128x128xf32>,
    %get3A_49 = arith.constant 5 : index
    %get3A_50 = arith.constant 0 : index
    %get3A_51 = vector.load %arg0[%get3A_49, %get3A_50] : memref<9x128xf32, #tpu.memory_space<vmem>>, vector<1x128xf32>
    %get3A_52 = vector.shape_cast %get3A_51 : vector<1x128xf32> to vector<128xf32>
    %broadcast_in_dim3A_53 = vector.shape_cast %get3A_52 : vector<128xf32> to vector<1x128xf32>
    %add3A_54 = vector.broadcast %broadcast_in_dim3A_53 : vector<1x128xf32> to vector<128x128xf32>
    %add3A_55 = arith.addf %get3A_1, %add3A_54 : vector<128x128xf32>
    %swap3A_56 = arith.constant 640 : index
    %swap3A_57 = arith.constant 0 : index
    %swap3A_58 = vector.load %arg2[%swap3A_56, %swap3A_57] : memref<1152x128xf32, #tpu.memory_space<vmem>>, vector<128x128xf32>
    tpu.vector_store %arg2[%swap3A_56, %swap3A_57], %add3A_55 {strides = array<i32>} : memref<1152x128xf32, #tpu.memory_space<vmem>>, vector<128x128xf32>,
    %get3A_59 = arith.constant 6 : index
    %get3A_60 = arith.constant 0 : index
    %get3A_61 = vector.load %arg0[%get3A_59, %get3A_60] : memref<9x128xf32, #tpu.memory_space<vmem>>, vector<1x128xf32>
    %get3A_62 = vector.shape_cast %get3A_61 : vector<1x128xf32> to vector<128xf32>
    %broadcast_in_dim3A_63 = vector.shape_cast %get3A_62 : vector<128xf32> to vector<1x128xf32>
    %add3A_64 = vector.broadcast %broadcast_in_dim3A_63 : vector<1x128xf32> to vector<128x128xf32>
    %add3A_65 = arith.addf %get3A_1, %add3A_64 : vector<128x128xf32>
    %swap3A_66 = arith.constant 768 : index
    %swap3A_67 = arith.constant 0 : index
    %swap3A_68 = vector.load %arg2[%swap3A_66, %swap3A_67] : memref<1152x128xf32, #tpu.memory_space<vmem>>, vector<128x128xf32>
    tpu.vector_store %arg2[%swap3A_66, %swap3A_67], %add3A_65 {strides = array<i32>} : memref<1152x128xf32, #tpu.memory_space<vmem>>, vector<128x128xf32>,
    %get3A_69 = arith.constant 7 : index
    %get3A_70 = arith.constant 0 : index
    %get3A_71 = vector.load %arg0[%get3A_69, %get3A_70] : memref<9x128xf32, #tpu.memory_space<vmem>>, vector<1x128xf32>
    %get3A_72 = vector.shape_cast %get3A_71 : vector<1x128xf32> to vector<128xf32>
    %broadcast_in_dim3A_73 = vector.shape_cast %get3A_72 : vector<128xf32> to vector<1x128xf32>
    %add3A_74 = vector.broadcast %broadcast_in_dim3A_73 : vector<1x128xf32> to vector<128x128xf32>
    %add3A_75 = arith.addf %get3A_1, %add3A_74 : vector<128x128xf32>
    %swap3A_76 = arith.constant 896 : index
    %swap3A_77 = arith.constant 0 : index
    %swap3A_78 = vector.load %arg2[%swap3A_76, %swap3A_77] : memref<1152x128xf32, #tpu.memory_space<vmem>>, vector<128x128xf32>
    tpu.vector_store %arg2[%swap3A_76, %swap3A_77], %add3A_75 {strides = array<i32>} : memref<1152x128xf32, #tpu.memory_space<vmem>>, vector<128x128xf32>,
    %get3A_79 = arith.constant 8 : index
    %get3A_80 = arith.constant 0 : index
    %get3A_81 = vector.load %arg0[%get3A_79, %get3A_80] : memref<9x128xf32, #tpu.memory_space<vmem>>, vector<1x128xf32>
    %get3A_82 = vector.shape_cast %get3A_81 : vector<1x128xf32> to vector<128xf32>
    %broadcast_in_dim3A_83 = vector.shape_cast %get3A_82 : vector<128xf32> to vector<1x128xf32>
    %add3A_84 = vector.broadcast %broadcast_in_dim3A_83 : vector<1x128xf32> to vector<128x128xf32>
    %add3A_85 = arith.addf %get3A_1, %add3A_84 : vector<128x128xf32>
    %swap3A_86 = arith.constant 1024 : index
    %swap3A_87 = arith.constant 0 : index
    %swap3A_88 = vector.load %arg2[%swap3A_86, %swap3A_87] : memref<1152x128xf32, #tpu.memory_space<vmem>>, vector<128x128xf32>
    tpu.vector_store %arg2[%swap3A_86, %swap3A_87], %add3A_85 {strides = array<i32>} : memref<1152x128xf32, #tpu.memory_space<vmem>>, vector<128x128xf32>,
    return
  }
}

</mosaic_0001>

<sc_bundles>
// kernel: kernel.4.cloned.1.call-start
scs
__scs_entry_jumppad:
0x0: {  	(pc) =	sbr.rel $0x88, $3  }
0x1: {  	(tag) =	ssettag $0x0;
	lr =	simm.s32 $0x1  }
0x2: {  	[smem:$0x3F9E] =	sst lr;
	_ =	strace $0xD0000000  }
0x3: {  	_ = 	snop  }
0x4: {  	_ = 	snop  }
0x5: {  	_ = 	snop  }
0x6: {  	_ = 	snop  }
0x7: {  	_ = 	snop  }
__scs_overlays_trampoline_lowered:
0x8: {  	[smem:$0x3FAD] =	sst s0  }
0x9: {  	[smem:$0x3FAE] =	sst s1  }
0xa: {  	[smem:$0x3FAF] =	sst s2  }
0xb: {  	[smem:$0x3FB0] =	sst s3  }
0xc: {  	[smem:$0x3FB1] =	sst s4  }
0xd: {  	[smem:$0x3FB2] =	sst s5  }
0xe: {  	[smem:$0x3FB3] =	sst s6  }
0xf: {  	[smem:$0x3FB4] =	sst s7  }
0x10: {  	[smem:$0x3FB5] =	sst s8  }
0x11: {  	[smem:$0x3FB6] =	sst s9;
	s0 =	simm.s32 @!p0 $0x0  }
0x12: {  	s1 =	sld [smem:$0x3F9C];
	s0 =	simm.s32 @p0 $0x1  }
0x13: {  	[smem:$0x3FB7] =	sst s0;
	s0 =	simm.s32 @!p1 $0x0  }
0x14: {  	s2 =	sld [smem:$0x3F9B];
	s0 =	simm.s32 @p1 $0x1  }
0x15: {  	[smem:$0x3FB8] =	sst s0;
	s0 =	simm.s32 @!p2 $0x0  }
0x16: {  	s3 =	sld [smem:$0x3FDB];
	s0 =	simm.s32 @p2 $0x1  }
0x17: {  	s4 =	simm.s32 $0x1BF5;
	[smem:$0x3FBA] =	sst s0  }
0x18: {  	s0 =	sld [smem:$0x3F9D];
	_ =	swait.ge [sflag:s4], $0x0  }
0x19: {  	s7 =	sld [smem:$0x3F9E]  }
0x1a: {  	s8 =	sadd.s32 $0xFFFFE003, lr  }
0x1b: {  	s9 =	sadd.s32 $0xFFFFFEF7, lr;
	s5 =	simm.s32 $0xFFFFFFFF;
	p2 =	slt.u32 s8, $0xFFFFF086  }
0x1c: {  	p1 =	slt.u32 s9, $0xF7A;
	s5 =	simm.s32 @!p2 $0x0  }
0x1d: {  	s5 =	simm.s32 @p1 $0x1;
	p0 =	seq.s32 s7, s2  }
0x1e: {  	s7 =	smul.u32 @!p0 $0xF7A, s2;
	p2 =	seq.s32 @!p0 s5, $0x0  }
0x1f: {  	s9 =	smul.u32 $0xF7A, s1;
	s8 =	simm.s32 @!p0 $0x1BF5;
	p2 =	por !p2, p0  }
0x20: {  	[sflag:s8] =	ssyncset.s32 @!p0 $0xFFFFF086;
	s6 =	sadd.s32 @!p0 s3, s7;
	s7 =	simm.s32 @!p0 $0x108  }
0x21: {  	s3 =	sadd.s32 s3, s9;
	s6 =	sadd.s32 @!p0 $0x88, s6;
	s7 =	simm.s32 @p2 $0x1082  }
0x22: {  	[simem:s7], [sflag:s8] =	dma.local @!p0 [hbm:s6], $0xF7A  }
0x23: {  	s9 =	sor.u32 $0xD0000000, s2;
	s6 =	simm.s32 $0x108;
	_ =	swait.ge @!p0 [sflag:s8], $0x0  }
0x24: {  	s3 =	sadd.s32 $0x88, s3;
	s6 =	simm.s32 @!p1 $0x1082;
	[sflag:s4] =	ssyncset.s32 $0xFFFFF086  }
0x25: {  	[simem:s6], [sflag:s4] =	dma.local [hbm:s3], $0xF7A  }
0x26: {  	[smem:$0x3F9E] =	sst s1;
	(tag) =	ssettag s2;
	_ =	strace s9  }
0x27: {  	s1 =	sld [smem:$0x3FAE]  }
0x28: {  	s2 =	sld [smem:$0x3FAF]  }
0x29: {  	s4 =	sld [smem:$0x3FB1]  }
0x2a: {  	p0 =	seq.s32 s5, $0x0;
	s5 =	sld [smem:$0x3FB2]  }
0x2b: {  	s6 =	sld [smem:$0x3FB3]  }
0x2c: {  	s7 =	sld [smem:$0x3FB4]  }
0x2d: {  	s3 =	simm.s32 $0x108;
	s8 =	sld [smem:$0x3FB5]  }
0x2e: {  	s3 =	simm.s32 @!p0 $0x1082;
	s9 =	sld [smem:$0x3FB6]  }
0x2f: {  	lr =	sadd.s32 s0, s3;
	s0 =	sld [smem:$0x3FAD]  }
0x30: {  	s3 =	sld [smem:$0x3FB0]  }
0x31: {  	[smem:$0x3FB9] =	sst s10  }
0x32: {  	s10 =	sld [smem:$0x3FB7];
	_ =	sdelay $0x3  }
0x33: {  	p0 =	seq.s32 s10, $0x1;
	s10 =	sld [smem:$0x3FB9];
	_ =	sdelay $0x3  }
0x34: {  	[smem:$0x3FB9] =	sst s10  }
0x35: {  	s10 =	sld [smem:$0x3FB8];
	_ =	sdelay $0x3  }
0x36: {  	p1 =	seq.s32 s10, $0x1;
	s10 =	sld [smem:$0x3FB9];
	_ =	sdelay $0x3  }
0x37: {  	[smem:$0x3FB9] =	sst s10  }
0x38: {  	s10 =	sld [smem:$0x3FBA]  }
0x39: {  	_ = 	snop;
	(pc) =	sbr.ind lr, $3  }
0x3a: {  	_ = 	snop  }
0x3b: {  	_ = 	snop  }
0x3c: {  	p2 =	seq.s32 s10, $0x1;
	s10 =	sld [smem:$0x3FB9]  }
0x3d: {  	_ =	shalt  }
0x3e: {  	_ =	shalt  }
0x3f: {  	_ =	shalt  }
0x40: {  	_ =	shalt  }
0x41: {  	_ =	shalt  }
0x42: {  	_ =	shalt  }
0x43: {  	_ =	shalt  }
0x44: {  	_ =	shalt  }
0x45: {  	_ =	shalt  }
0x46: {  	_ =	shalt  }
0x47: {  	_ =	shalt  }
0x48: {  	_ =	shalt  }
0x49: {  	_ =	shalt  }
0x4a: {  	_ =	shalt  }
0x4b: {  	_ =	shalt  }
0x4c: {  	_ =	shalt  }
0x4d: {  	_ =	shalt  }
0x4e: {  	_ =	shalt  }
0x4f: {  	_ =	shalt  }
0x50: {  	_ =	shalt  }
0x51: {  	_ =	shalt  }
0x52: {  	_ =	shalt  }
0x53: {  	_ =	shalt  }
0x54: {  	_ =	shalt  }
0x55: {  	_ =	shalt  }
0x56: {  	_ =	shalt  }
0x57: {  	_ =	shalt  }
0x58: {  	_ =	shalt  }
0x59: {  	_ =	shalt  }
0x5a: {  	_ =	shalt  }
0x5b: {  	_ =	shalt  }
0x5c: {  	_ =	shalt  }
0x5d: {  	_ =	shalt  }
0x5e: {  	_ =	shalt  }
0x5f: {  	_ =	shalt  }
0x60: {  	_ =	shalt  }
0x61: {  	_ =	shalt  }
0x62: {  	_ =	shalt  }
0x63: {  	_ =	shalt  }
0x64: {  	_ =	shalt  }
0x65: {  	_ =	shalt  }
0x66: {  	_ =	shalt  }
0x67: {  	_ =	shalt  }
0x68: {  	_ =	shalt  }
0x69: {  	_ =	shalt  }
0x6a: {  	_ =	shalt  }
0x6b: {  	_ =	shalt  }
0x6c: {  	_ =	shalt  }
0x6d: {  	_ =	shalt  }
0x6e: {  	_ =	shalt  }
0x6f: {  	_ =	shalt  }
0x70: {  	_ =	shalt  }
0x71: {  	_ =	shalt  }
0x72: {  	_ =	shalt  }
0x73: {  	_ =	shalt  }
0x74: {  	_ =	shalt  }
0x75: {  	_ =	shalt  }
0x76: {  	_ =	shalt  }
0x77: {  	_ =	shalt  }
0x78: {  	_ =	shalt  }
0x79: {  	_ =	shalt  }
0x7a: {  	_ =	shalt  }
0x7b: {  	_ =	shalt  }
0x7c: {  	_ =	shalt  }
0x7d: {  	_ =	shalt  }
0x7e: {  	_ =	shalt  }
0x7f: {  	_ =	shalt  }
0x80: {  	_ =	shalt  }
0x81: {  	_ =	shalt  }
0x82: {  	_ =	shalt  }
0x83: {  	_ =	shalt  }
0x84: {  	_ =	shalt  }
0x85: {  	_ =	shalt  }
0x86: {  	_ =	shalt  }
0x87: {  	_ =	shalt  }
.Lfunc_end0:
.L_simem_size_0:
called_computation_lowered:
.L_overlay_start_0:
0x88: {  	s2 =	sld [smem:$0x3FD9]  }
0x89: {  	s3 =	sld [smem:$0x3FFE];
	_ =	sdelay $0x1  }
0x8a: {  	s1 =	srdreg.scid  }
0x8b: {  	s0 =	sand.u32 $0x1, s1  }
0x8c: {  	s17 =	sshll.u32 s0, $0xA;
	s2 =	sadd.s32 s3, s2  }
0x8d: {  	s2 =	sadd.s32 s2, s17  }
0x8e: {  	[smem:$0x3FC5] =	sst s2  }
0x8f: {  	_ = 	snop  }
0x90: {  	s2 =	sld [smem:$0x3FC9]  }
0x91: {  	s18 =	sld [smem:$0x3FD0];
	(tm) =	ssettm $0x1  }
0x92: {  	s4 =	sld [smem:$0x3FFB];
	_ =	sdelay $0x3  }
0x93: {  	_ =	strace s4  }
0x94: {  	s4 =	sld [smem:$0x3FFC];
	_ =	sdelay $0x3  }
0x95: {  	_ =	strace s4  }
0x96: {  	s4 =	sld [smem:$0x3FFD];
	_ =	sdelay $0x3  }
0x97: {  	_ =	strace s4  }
0x98: {  	_ =	strace $0x8FFFFFFF  }
0x99: {  	s19 =	sld [smem:$0x3FDB];
	_ =	sdelay $0x1  }
0x9a: {  	s5 =	simm.s32 $_scs_section_size  }
0x9b: {  	s6 =	simm.s32 $_size__tile_overlayer_lowered;
	s7 =	simm.s32 $_tile_overlayer_lowered  }
0x9c: {  	s22 =	simm.s32 $0x1BFF;
	s21 =	sshll.u32 s7, $0x1;
	s4 =	sadd.s32 s5, s19  }
0x9d: {  	s8 =	simm.s32 $0x0;
	s20 =	sshll.u32 s6, $0x1;
	s6 =	sadd.s32 s21, s4  }
0x9e: {  	[timem:s8], [sflag:s22] =	dma.local [hbm:s6], s20  }
0x9f: {  	_ =	swait.ge [sflag:s22], s20  }
0xa0: {  	s5 =	ssub.s32 $0x0, s20;
	[sflag:s22] =	ssyncset.done $0x0  }
0xa1: {  	[sflag:s22] =	ssyncadd.s32 s5;
	_ =	sdelay $0x1  }
0xa2: {  	s23 =	simm.s32 $0x1B8B  }
0xa3: {  	_ =	swait.ge [sflag:s23], $0x1  }
0xa4: {  	[sflag:s23] =	ssyncset.done $0x0  }
0xa5: {  	s25 =	simm.s32 $0x1B8E;
	s24 =	sld [smem:$0x3FFE];
	[sflag:s23] =	ssyncadd.s32 $0xFFFFFFFF  }
0xa6: {  	s26 =	simm.s32 $execute0_lowered;
	[smem:$0x3FD2] =	sst s25  }
0xa7: {  	s6 =	sshll.u32 s26, $0x1;
	_ =	strace $0x80000046;
	[dreg:$0x1] =	wrdreg $0xFFFFFFFF  }
0xa8: {  	s28 =	simm.s32 $_size_execute0_lowered;
	s4 =	sadd.s32 s4, s6;
	[dreg:$0x0] =	wrdreg $0x0  }
0xa9: {  	s6 =	sshll.u32 s28, $0x1;
	[dreg:$0x2] =	wrdreg s4  }
0xaa: {  	[dreg:$0x3] =	wrdreg s6  }
0xab: {  	[dreg:$0x4] =	wrdreg $0xC0  }
0xac: {  	_ =	task [dreg:s8], $0x5FFFF  }
0xad: {  	[dreg:$0x1] =	wrdreg $0xFFFFFFFF  }
0xae: {  	[dreg:$0x0] =	wrdreg $0x60  }
0xaf: {  	[dreg:$0x2] =	wrdreg s2  }
0xb0: {  	[dreg:$0x3] =	wrdreg s24  }
0xb1: {  	[dreg:$0x4] =	wrdreg s18  }
0xb2: {  	[dreg:$0x5] =	wrdreg $0x40000  }
0xb3: {  	[dreg:$0x6] =	wrdreg $0x9  }
0xb4: {  	_ =	task.clear_ibuf [dreg:s8], $0x7FFFF;
	_ =	strace $0x90000046  }
0xb5: {  	s29 =	simm.s32 $0x9;
	_ =	strace $0x80000048  }
0xb6: {  	_ =	swait.ge [sflag:s29], $0x1  }
0xb7: {  	[sflag:s29] =	ssyncadd.s32 $0xFFFFFFFF  }
0xb8: {  	_ =	strace $0x90000048  }
0xb9: {  	_ =	sfence  }
0xba: {  	s30 =	sld [smem:$0x0];
	_ =	sdelay $0x2  }
0xbb: {  	s31 =	sshll.u32 s1, $0xD;
	s1 =	sshrl.u32 s1, $0x2  }
0xbc: {  	s3 =	sand.u32 $0x4000, s31;
	s1 =	sadd.s32 s1, s30  }
0xbd: {  	s0 =	sor.u32 s3, s0;
	s1 =	sshll.u32 s1, $0x11  }
0xbe: {  	s0 =	sor.u32 s1, s0  }
0xbf: {  	s0 =	sadd.s32 $0x8F2B, s0  }
0xc0: {  	[sflag:s0] =	ssyncadd.remote.s32 $0x1  }
0xc1: {  	_ =	sfence.sel $0xFFFF  }
0xc2: {  	[dreg:$0x0] =	wrdreg $0xFFFFFFFF;
	(pc) =	sbr.abs _section_cstart, $3  }
0xc3: {  	[dreg:$0x1] =	wrdreg $0xFFFFFFFF  }
0xc4: {  	_ =	task.clear_ibuf [dreg:s8], $0x2FFFF;
	_ =	strace $0x9FFFFFFF  }
0xc5: {  	(tm) =	ssettm $0x7FFFFFFF  }
tec
execute0_lowered:
.L_overlay_start_1:
0x0: {  	(tag) =	ssettag $0x1  }
0x1: {  	s0 =	rddreg [dreg:$0x0]  }
0x2: {  	s1 =	rddreg [dreg:$0x1]  }
0x3: {  	s10 =	rddreg [dreg:$0x2]  }
0x4: {  	s3 =	rddreg [dreg:$0x3];
	s4 =	simm.s32 $0x0  }
0x5: {  	s9 =	stileid.u32;
	s2 =	srdreg.scid;
	s13 =	simm.s32 $0x8400  }
0x6: {  	s28 =	simm.s32 $0x1A400;
	s29 =	simm.s32 $0x1C400;
	s31 =	simm.s32 $0x5  }
0x7: {  	s30 =	simm.s32 $0x2;
	[smem:$0x7FF] =	sst s4;
	s5 =	smul.u32 $0x480, s9  }
0x8: {  	s2 =	sand.u32 $0x1, s2;
	s7 =	smul.u32 $0x9000, s9;
	s8 =	sshll.u32 s9, $0x1  }
0x9: {  	s18 =	sshll.u32 s9, $0x6;
	s21 =	sshll.u32 s9, $0x16;
	s23 =	sshll.u32 s9, $0x13  }
0xa: {  	s9 =	simm.s32 $0xA;
	_ =	strace $0x80000047;
	s6 =	ssub.s32 $0x2, s2  }
0xb: {  	s16 =	sor.u32 s2, s8;
	s8 =	sor.u32 $0x1C01, s18;
	s22 =	sshll.u32 s2, $0x15  }
0xc: {  	s2 =	sshll.u32 s2, $0x12;
	s1 =	sadd.s32 s5, s1;
	s15 =	sshrl.u32 s6, $0x1  }
0xd: {  	s7 =	sshrl.u32 s7, $0x2;
	s17 =	sshll.u32 s16, $0x12;
	[dreg:$0x8] =	wrdreg s8  }
0xe: {  	s2 =	sor.u32 s2, s23;
	s23 =	simm.s32 $0x12400;
	s8 =	simm.s32 $0x9  }
0xf: {  	s5 =	ssub.s32 s6, s15;
	s7 =	sadd.s32 s7, s3;
	s1 =	sadd.s32 $0xA00, s1  }
0x10: {  	s6 =	sshll.u32 s16, $0xB;
	[dreg:$0x5] =	wrdreg s2;
	s16 =	simm.s32 $0x40  }
0x11: {  	[dreg:$0x7] =	wrdreg s1;
	s1 =	sadd.s32 s17, s10;
	s0 =	sadd.s32 s0, s6  }
0x12: {  	s25 =	smax.u32 s5, $0x1;
	s26 =	sshrl.u32 s7, $0x3;
	s17 =	simm.s32 $0xA400  }
0x13: {  	s7 =	simm.s32 $0x8;
	s10 =	simm.s32 $0xB;
	[dreg:$0x9] =	wrdreg s0  }
0x14: {  	s19 =	sadd.s32 $0x3F000, s1;
	s20 =	sadd.s32 $0x3F400, s1;
	[dreg:$0xe] =	wrdreg s25  }
0x15: {  	s0 =	sor.u32 s22, s21;
	s24 =	sadd.s32 $0x3F800, s1;
	[dreg:$0xf] =	wrdreg s26  }
0x16: {  	s1 =	sadd.s32 $0x3FC00, s1;
	s21 =	simm.s32 $0xE400;
	[dreg:$0xa] =	wrdreg s19  }
0x17: {  	v0 =	vlaneseq.u32;
	s22 =	simm.s32 $0x10400;
	s25 =	simm.s32 $0x16400;
	[dreg:$0xb] =	wrdreg s20  }
0x18: {  	v1 =	vor.u32 $0x10, v0;
	s26 =	simm.s32 $0x18400;
	[dreg:$0xc] =	wrdreg s24;
	s0 =	sor.u32 $0x2000, s0  }
0x19: {  	v2 =	vor.u32 $0x20, v0;
	v3 =	vor.u32 $0x30, v0;
	v4 =	vor.u32 $0x40, v0;
	[dreg:$0xd] =	wrdreg s1;
	s19 =	simm.s32 $0xC400;
	s0 =	sshrl.u32 s0, $0x3  }
0x1a: {  	v5 =	vor.u32 $0x50, v0;
	v6 =	vor.u32 $0x60, v0;
	v7 =	vor.u32 $0x70, v0;
	s24 =	simm.s32 $0x14400;
	s1 =	simm.s32 $0x0;
	[dreg:$0x6] =	wrdreg s0  }
.LBB2_1:
0x1b: {  	[dreg:$0x10] =	wrdreg s1  }
0x1c: {  	s2 =	rddreg [dreg:$0x7]  }
0x1d: {  	s11 =	rddreg [dreg:$0x8]  }
0x1e: {  	s12 =	rddreg [dreg:$0xf]  }
0x1f: {  	[spmem:s12], [sflag:s11] =	dma.local [hbm:s2], $0x480  }
0x20: {  	s14 =	simm.s32 $0x1;
	s2 =	rddreg [dreg:$0x9]  }
0x21: {  	[tilespmem:s4], [sflag:$0x2] =	stream.linear.gather [hbm4b:s2+s4], $0x4000, $0x38;
	[tilespmem:$0x1E400] =	vst v63  }
0x22: {  	_ =	swait.ge [sflag:s14], $0x480  }
0x23: {  	[sflag:s14] =	ssyncset.done $0x0  }
0x24: {  	s15 =	simm.s32 $0x2;
	[sflag:s14] =	ssyncadd.s32 $0xFFFFFB80  }
0x25: {  	_ =	swait.ge [sflag:s15], $0x4000  }
0x26: {  	[sflag:s15] =	ssyncset.done $0x0  }
0x27: {  	[sflag:s15] =	ssyncadd.s32 $0xFFFFC000  }
0x28: {  	s2 =	simm.s32 $0x0;
	[bflag:$0x0] =	sbarrier.arrive $0xFFFF  }
0x29: {  	v8 =	vld [tilespmem:s2+$0x30]  }
0x2a: {  	v9 =	vld [tilespmem:s2+$0x20]  }
0x2b: {  	v10 =	vld [tilespmem:s2+$0x10]  }
0x2c: {  	v11 =	vld [tilespmem:s2+$0x0];
	_ =	sdelay $0x1  }
0x2d: {  	v8 =	vshll.u32 v8, $0x7  }
0x2e: {  	v9 =	vshll.u32 v9, $0x7;
	v8 =	vor.u32 v3, v8  }
0x2f: {  	v10 =	vshll.u32 v10, $0x7;
	v9 =	vor.u32 v2, v9;
	[tilespmem:s2+$0x30] =	vst v8  }
0x30: {  	v10 =	vor.u32 v1, v10;
	v8 =	vshll.u32 v11, $0x7;
	[tilespmem:s2+$0x20] =	vst v9  }
0x31: {  	p0 =	por $0x1, $0x1;
	[tilespmem:s2+$0x10] =	vst v10;
	v8 =	vor.u32 v0, v8  }
0x32: {  	s11 =	simm.s32 @!p0 $0xD;
	[tilespmem:s2+$0x0] =	vst v8  }
0x33: {  	_ =	swait.ge @!p0 [sflag:s11], $0x2000  }
0x34: {  	[sflag:s11] =	ssyncset.done @!p0 $0x0  }
0x35: {  	s18 =	simm.s32 $0x6400;
	[sflag:s11] =	ssyncadd.s32 @!p0 $0xFFFFE000  }
0x36: {  	[tilespmem:s18], [sflag:$0x1] =	stream.indirect.gather [spmem:s3], $0x80, s2, s16, $0xb8;
	[tilespmem:$0x1E400] =	vst v63  }
0x37: {  	v8 =	vld [tilespmem:s2+$0x70]  }
0x38: {  	v17 =	vld [tilespmem:s2+$0x60]  }
0x39: {  	v16 =	vld [tilespmem:s2+$0x50]  }
0x3a: {  	v18 =	vld [tilespmem:s2+$0x40];
	_ =	sdelay $0x1  }
0x3b: {  	v8 =	vshll.u32 v8, $0x7  }
0x3c: {  	v10 =	vshll.u32 v17, $0x7;
	v8 =	vor.u32 v7, v8  }
0x3d: {  	v9 =	vshll.u32 v16, $0x7;
	v10 =	vor.u32 v6, v10;
	[tilespmem:s2+$0x70] =	vst v8  }
0x3e: {  	v19 =	vshll.u32 v18, $0x7;
	v8 =	vor.u32 v5, v9;
	[tilespmem:s2+$0x60] =	vst v10  }
0x3f: {  	[tilespmem:s2+$0x50] =	vst v8;
	v8 =	vor.u32 v4, v19  }
0x40: {  	s11 =	simm.s32 @!p0 $0xE;
	[tilespmem:s2+$0x40] =	vst v8  }
0x41: {  	_ =	swait.ge @!p0 [sflag:s11], $0x2000  }
0x42: {  	[sflag:s11] =	ssyncset.done @!p0 $0x0  }
0x43: {  	s20 =	simm.s32 $0x40;
	[sflag:s11] =	ssyncadd.s32 @!p0 $0xFFFFE000  }
0x44: {  	[tilespmem:s13], [sflag:$0x2] =	stream.indirect.gather [spmem:s3], $0x80, s20, s16, $0xb8;
	[tilespmem:$0x1E400] =	vst v63  }
0x45: {  	v8 =	vld [tilespmem:s2+$0x90]  }
0x46: {  	v21 =	vld [tilespmem:s2+$0x80]  }
0x47: {  	v20 =	vld [tilespmem:s2+$0xA0]  }
0x48: {  	v22 =	vld [tilespmem:s2+$0xB0];
	_ =	sdelay $0x1  }
0x49: {  	v8 =	vshll.u32 v8, $0x7  }
0x4a: {  	v10 =	vshll.u32 v21, $0x7;
	v8 =	vor.u32 v1, v8  }
0x4b: {  	v9 =	vshll.u32 v20, $0x7;
	v10 =	vor.u32 v0, v10;
	[tilespmem:s2+$0x90] =	vst v8  }
0x4c: {  	v23 =	vshll.u32 v22, $0x7;
	v8 =	vor.u32 v2, v9;
	[tilespmem:s2+$0x80] =	vst v10  }
0x4d: {  	[tilespmem:s2+$0xA0] =	vst v8;
	v8 =	vor.u32 v3, v23  }
0x4e: {  	s11 =	simm.s32 @!p0 $0xF;
	[tilespmem:s2+$0xB0] =	vst v8  }
0x4f: {  	_ =	swait.ge @!p0 [sflag:s11], $0x2000  }
0x50: {  	[sflag:s11] =	ssyncset.done @!p0 $0x0  }
0x51: {  	s13 =	simm.s32 $0x80;
	[sflag:s11] =	ssyncadd.s32 @!p0 $0xFFFFE000  }
0x52: {  	[tilespmem:s17], [sflag:$0x3] =	stream.indirect.gather [spmem:s3], $0x80, s13, s16, $0xb8;
	[tilespmem:$0x1E400] =	vst v63  }
0x53: {  	v8 =	vld [tilespmem:s2+$0xD0]  }
0x54: {  	v25 =	vld [tilespmem:s2+$0xC0]  }
0x55: {  	v24 =	vld [tilespmem:s2+$0xE0]  }
0x56: {  	v26 =	vld [tilespmem:s2+$0xF0];
	_ =	sdelay $0x1  }
0x57: {  	v8 =	vshll.u32 v8, $0x7  }
0x58: {  	v10 =	vshll.u32 v25, $0x7;
	v8 =	vor.u32 v5, v8  }
0x59: {  	v9 =	vshll.u32 v24, $0x7;
	v10 =	vor.u32 v4, v10;
	[tilespmem:s2+$0xD0] =	vst v8  }
0x5a: {  	v27 =	vshll.u32 v26, $0x7;
	v8 =	vor.u32 v6, v9;
	[tilespmem:s2+$0xC0] =	vst v10  }
0x5b: {  	[tilespmem:s2+$0xE0] =	vst v8;
	v8 =	vor.u32 v7, v27  }
0x5c: {  	s11 =	simm.s32 @!p0 $0x10;
	[tilespmem:s2+$0xF0] =	vst v8  }
0x5d: {  	_ =	swait.ge @!p0 [sflag:s11], $0x2000  }
0x5e: {  	[sflag:s11] =	ssyncset.done @!p0 $0x0  }
0x5f: {  	s17 =	simm.s32 $0xC0;
	[sflag:s11] =	ssyncadd.s32 @!p0 $0xFFFFE000  }
0x60: {  	[tilespmem:s19], [sflag:$0x4] =	stream.indirect.gather [spmem:s3], $0x80, s17, s16, $0xb8;
	[tilespmem:$0x1E400] =	vst v63  }
0x61: {  	v8 =	vld [tilespmem:s2+$0x110]  }
0x62: {  	v29 =	vld [tilespmem:s2+$0x100]  }
0x63: {  	v28 =	vld [tilespmem:s2+$0x120]  }
0x64: {  	v30 =	vld [tilespmem:s2+$0x130];
	_ =	sdelay $0x1  }
0x65: {  	v8 =	vshll.u32 v8, $0x7  }
0x66: {  	v10 =	vshll.u32 v29, $0x7;
	v8 =	vor.u32 v1, v8  }
0x67: {  	v9 =	vshll.u32 v28, $0x7;
	v10 =	vor.u32 v0, v10;
	[tilespmem:s2+$0x110] =	vst v8  }
0x68: {  	v31 =	vshll.u32 v30, $0x7;
	v8 =	vor.u32 v2, v9;
	[tilespmem:s2+$0x100] =	vst v10  }
0x69: {  	[tilespmem:s2+$0x120] =	vst v8;
	v8 =	vor.u32 v3, v31  }
0x6a: {  	s11 =	simm.s32 @!p0 $0x11;
	[tilespmem:s2+$0x130] =	vst v8  }
0x6b: {  	_ =	swait.ge @!p0 [sflag:s11], $0x2000  }
0x6c: {  	[sflag:s11] =	ssyncset.done @!p0 $0x0  }
0x6d: {  	s20 =	simm.s32 $0x100;
	[sflag:s11] =	ssyncadd.s32 @!p0 $0xFFFFE000  }
0x6e: {  	[tilespmem:s21], [sflag:$0x5] =	stream.indirect.gather [spmem:s3], $0x80, s20, s16, $0xb8;
	[tilespmem:$0x1E400] =	vst v63  }
0x6f: {  	v8 =	vld [tilespmem:s2+$0x140]  }
0x70: {  	v32 =	vld [tilespmem:s2+$0x150]  }
0x71: {  	v33 =	vld [tilespmem:s2+$0x160]  }
0x72: {  	v34 =	vld [tilespmem:s2+$0x170];
	_ =	sdelay $0x1  }
0x73: {  	v8 =	vshll.u32 v8, $0x7  }
0x74: {  	v9 =	vshll.u32 v32, $0x7;
	v8 =	vor.u32 v4, v8  }
0x75: {  	v35 =	vshll.u32 v33, $0x7;
	[tilespmem:s2+$0x140] =	vst v8;
	v8 =	vor.u32 v5, v9  }
0x76: {  	v36 =	vshll.u32 v34, $0x7;
	[tilespmem:s2+$0x150] =	vst v8;
	v8 =	vor.u32 v6, v35  }
0x77: {  	[tilespmem:s2+$0x160] =	vst v8;
	v8 =	vor.u32 v7, v36  }
0x78: {  	s11 =	simm.s32 @!p0 $0x12;
	[tilespmem:s2+$0x170] =	vst v8  }
0x79: {  	_ =	swait.ge @!p0 [sflag:s11], $0x2000  }
0x7a: {  	[sflag:s11] =	ssyncset.done @!p0 $0x0  }
0x7b: {  	s21 =	simm.s32 $0x140;
	[sflag:s11] =	ssyncadd.s32 @!p0 $0xFFFFE000  }
0x7c: {  	[tilespmem:s22], [sflag:$0x6] =	stream.indirect.gather [spmem:s3], $0x80, s21, s16, $0xb8;
	[tilespmem:$0x1E400] =	vst v63  }
0x7d: {  	v8 =	vld [tilespmem:s2+$0x1B0]  }
0x7e: {  	v37 =	vld [tilespmem:s2+$0x190]  }
0x7f: {  	v38 =	vld [tilespmem:s2+$0x1A0]  }
0x80: {  	v39 =	vld [tilespmem:s2+$0x180];
	_ =	sdelay $0x1  }
0x81: {  	v8 =	vshll.u32 v8, $0x7  }
0x82: {  	v9 =	vshll.u32 v37, $0x7;
	v8 =	vor.u32 v3, v8  }
0x83: {  	v10 =	vshll.u32 v38, $0x7;
	v9 =	vor.u32 v1, v9;
	[tilespmem:s2+$0x1B0] =	vst v8  }
0x84: {  	v40 =	vor.u32 v2, v10;
	v8 =	vshll.u32 v39, $0x7;
	[tilespmem:s2+$0x190] =	vst v9  }
0x85: {  	[tilespmem:s2+$0x1A0] =	vst v40;
	v8 =	vor.u32 v0, v8  }
0x86: {  	s11 =	simm.s32 @!p0 $0x13;
	[tilespmem:s2+$0x180] =	vst v8  }
0x87: {  	_ =	swait.ge @!p0 [sflag:s11], $0x2000  }
0x88: {  	[sflag:s11] =	ssyncset.done @!p0 $0x0  }
0x89: {  	s22 =	simm.s32 $0x180;
	[sflag:s11] =	ssyncadd.s32 @!p0 $0xFFFFE000  }
0x8a: {  	[tilespmem:s23], [sflag:$0x7] =	stream.indirect.gather [spmem:s3], $0x80, s22, s16, $0xb8;
	[tilespmem:$0x1E400] =	vst v63  }
0x8b: {  	v8 =	vld [tilespmem:s2+$0x1D0]  }
0x8c: {  	v42 =	vld [tilespmem:s2+$0x1F0]  }
0x8d: {  	v41 =	vld [tilespmem:s2+$0x1E0]  }
0x8e: {  	v43 =	vld [tilespmem:s2+$0x1C0];
	_ =	sdelay $0x1  }
0x8f: {  	v8 =	vshll.u32 v8, $0x7  }
0x90: {  	v10 =	vshll.u32 v42, $0x7;
	v8 =	vor.u32 v5, v8  }
0x91: {  	v9 =	vshll.u32 v41, $0x7;
	v10 =	vor.u32 v7, v10;
	[tilespmem:s2+$0x1D0] =	vst v8  }
0x92: {  	v44 =	vshll.u32 v43, $0x7;
	v8 =	vor.u32 v6, v9;
	[tilespmem:s2+$0x1F0] =	vst v10  }
0x93: {  	[tilespmem:s2+$0x1E0] =	vst v8;
	v8 =	vor.u32 v4, v44  }
0x94: {  	s11 =	simm.s32 @!p0 $0x14;
	[tilespmem:s2+$0x1C0] =	vst v8  }
0x95: {  	_ =	swait.ge @!p0 [sflag:s11], $0x2000  }
0x96: {  	[sflag:s11] =	ssyncset.done @!p0 $0x0  }
0x97: {  	s23 =	simm.s32 $0x1C0;
	[sflag:s11] =	ssyncadd.s32 @!p0 $0xFFFFE000  }
0x98: {  	[tilespmem:s24], [sflag:$0x8] =	stream.indirect.gather [spmem:s3], $0x80, s23, s16, $0xb8;
	[tilespmem:$0x1E400] =	vst v63  }
0x99: {  	v8 =	vld [tilespmem:s2+$0x210]  }
0x9a: {  	v46 =	vld [tilespmem:s2+$0x200]  }
0x9b: {  	v45 =	vld [tilespmem:s2+$0x220]  }
0x9c: {  	v47 =	vld [tilespmem:s2+$0x230];
	_ =	sdelay $0x1  }
0x9d: {  	v8 =	vshll.u32 v8, $0x7  }
0x9e: {  	v10 =	vshll.u32 v46, $0x7;
	v8 =	vor.u32 v1, v8  }
0x9f: {  	v9 =	vshll.u32 v45, $0x7;
	v10 =	vor.u32 v0, v10;
	[tilespmem:s2+$0x210] =	vst v8  }
0xa0: {  	v48 =	vshll.u32 v47, $0x7;
	v8 =	vor.u32 v2, v9;
	[tilespmem:s2+$0x200] =	vst v10  }
0xa1: {  	[tilespmem:s2+$0x220] =	vst v8;
	v8 =	vor.u32 v3, v48  }
0xa2: {  	s11 =	simm.s32 @!p0 $0x15;
	[tilespmem:s2+$0x230] =	vst v8  }
0xa3: {  	_ =	swait.ge @!p0 [sflag:s11], $0x2000  }
0xa4: {  	[sflag:s11] =	ssyncset.done @!p0 $0x0  }
0xa5: {  	s24 =	simm.s32 $0x200;
	[sflag:s11] =	ssyncadd.s32 @!p0 $0xFFFFE000  }
0xa6: {  	[tilespmem:s25], [sflag:$0x9] =	stream.indirect.gather [spmem:s3], $0x80, s24, s16, $0xb8;
	[tilespmem:$0x1E400] =	vst v63  }
0xa7: {  	v8 =	vld [tilespmem:s2+$0x250]  }
0xa8: {  	v51 =	vld [tilespmem:s2+$0x240]  }
0xa9: {  	v49 =	vld [tilespmem:s2+$0x260]  }
0xaa: {  	v50 =	vld [tilespmem:s2+$0x270];
	_ =	sdelay $0x1  }
0xab: {  	v8 =	vshll.u32 v8, $0x7  }
0xac: {  	v53 =	vshll.u32 v51, $0x7;
	v8 =	vor.u32 v5, v8  }
0xad: {  	v9 =	vshll.u32 v49, $0x7;
	v54 =	vor.u32 v4, v53;
	[tilespmem:s2+$0x250] =	vst v8  }
0xae: {  	v52 =	vshll.u32 v50, $0x7;
	v8 =	vor.u32 v6, v9;
	[tilespmem:s2+$0x240] =	vst v54  }
0xaf: {  	[tilespmem:s2+$0x260] =	vst v8;
	v8 =	vor.u32 v7, v52  }
0xb0: {  	s11 =	simm.s32 @!p0 $0x16;
	[tilespmem:s2+$0x270] =	vst v8  }
0xb1: {  	_ =	swait.ge @!p0 [sflag:s11], $0x2000  }
0xb2: {  	[sflag:s11] =	ssyncset.done @!p0 $0x0  }
0xb3: {  	s25 =	simm.s32 $0x240;
	[sflag:s11] =	ssyncadd.s32 @!p0 $0xFFFFE000  }
0xb4: {  	[tilespmem:s26], [sflag:$0xA] =	stream.indirect.gather [spmem:s3], $0x80, s25, s16, $0xb8;
	[tilespmem:$0x1E400] =	vst v63  }
0xb5: {  	v8 =	vld [tilespmem:s2+$0x280]  }
0xb6: {  	v55 =	vld [tilespmem:s2+$0x290]  }
0xb7: {  	v56 =	vld [tilespmem:s2+$0x2A0]  }
0xb8: {  	v57 =	vld [tilespmem:s2+$0x2B0];
	_ =	sdelay $0x1  }
0xb9: {  	v8 =	vshll.u32 v8, $0x7  }
0xba: {  	v9 =	vshll.u32 v55, $0x7;
	v8 =	vor.u32 v0, v8  }
0xbb: {  	v58 =	vshll.u32 v56, $0x7;
	[tilespmem:s2+$0x280] =	vst v8;
	v8 =	vor.u32 v1, v9  }
0xbc: {  	v59 =	vshll.u32 v57, $0x7;
	[tilespmem:s2+$0x290] =	vst v8;
	v8 =	vor.u32 v2, v58  }
0xbd: {  	[tilespmem:s2+$0x2A0] =	vst v8;
	v8 =	vor.u32 v3, v59  }
0xbe: {  	s11 =	simm.s32 @!p0 $0x17;
	[tilespmem:s2+$0x2B0] =	vst v8  }
0xbf: {  	_ =	swait.ge @!p0 [sflag:s11], $0x2000  }
0xc0: {  	[sflag:s11] =	ssyncset.done @!p0 $0x0  }
0xc1: {  	s26 =	simm.s32 $0x280;
	[sflag:s11] =	ssyncadd.s32 @!p0 $0xFFFFE000  }
0xc2: {  	[tilespmem:s28], [sflag:$0xB] =	stream.indirect.gather [spmem:s3], $0x80, s26, s16, $0xb8;
	[tilespmem:$0x1E400] =	vst v63  }
0xc3: {  	v8 =	vld [tilespmem:s2+$0x2F0]  }
0xc4: {  	v60 =	vld [tilespmem:s2+$0x2C0]  }
0xc5: {  	v61 =	vld [tilespmem:s2+$0x2E0]  }
0xc6: {  	v62 =	vld [tilespmem:s2+$0x2D0];
	_ =	sdelay $0x1  }
0xc7: {  	v8 =	vshll.u32 v8, $0x7  }
0xc8: {  	v9 =	vshll.u32 v60, $0x7;
	v8 =	vor.u32 v7, v8  }
0xc9: {  	v10 =	vshll.u32 v61, $0x7;
	v9 =	vor.u32 v4, v9;
	[tilespmem:s2+$0x2F0] =	vst v8  }
0xca: {  	v63 =	vor.u32 v6, v10;
	[tilespmem:s2+$0x2C0] =	vst v9;
	v8 =	vshll.u32 v62, $0x7  }
0xcb: {  	[tilespmem:s2+$0x2E0] =	vst v63;
	v8 =	vor.u32 v5, v8  }
0xcc: {  	[tilespmem:s2+$0x2D0] =	vst v8;
	s2 =	simm.s32 @!p0 $0x18  }
0xcd: {  	_ =	swait.ge @!p0 [sflag:s2], $0x2000  }
0xce: {  	[sflag:s2] =	ssyncset.done @!p0 $0x0  }
0xcf: {  	s28 =	simm.s32 $0x2C0;
	[sflag:s2] =	ssyncadd.s32 @!p0 $0xFFFFE000  }
0xd0: {  	[tilespmem:s29], [sflag:$0xC] =	stream.indirect.gather [spmem:s3], $0x80, s28, s16, $0xb8;
	[tilespmem:$0x1E400] =	vst v63  }
0xd1: {  	_ =	swait.ge [sflag:s14], $0x2000  }
0xd2: {  	[sflag:s14] =	ssyncset.done $0x0  }
0xd3: {  	s29 =	rddreg [dreg:$0x5];
	[sflag:s14] =	ssyncadd.s32 $0xFFFFE000  }
0xd4: {  	s13 =	rddreg [dreg:$0x2]  }
0xd5: {  	s0 =	simm.s32 $0x3;
	s6 =	simm.s32 $0x7;
	s17 =	sadd.s32 s13, s29  }
0xd6: {  	[hbm4b:s17+s4] =	stream.linear.scatter [tilespmem:s18], [sflag:$0xD], $0x2000, $0x38;
	[tilespmem:$0x1E400] =	vst v63  }
0xd7: {  	s1 =	simm.s32 $0xC;
	s5 =	simm.s32 $0x6;
	_ =	swait.ge [sflag:s15], $0x2000  }
0xd8: {  	s12 =	simm.s32 $0xC00;
	s2 =	smov.u32 s13;
	s11 =	rddreg [dreg:$0x6]  }
.LBB2_2:
0xd9: {  	[sflag:s30] =	ssyncset.done $0x0  }
0xda: {  	s11 =	sadd.s32 s13, s11;
	s21 =	simm.s32 $0x8400;
	[sflag:s30] =	ssyncadd.s32 $0xFFFFE000  }
0xdb: {  	[hbm4b:s11+s4] =	stream.linear.scatter [tilespmem:s21], [sflag:$0xE], $0x2000, $0x38;
	[tilespmem:$0x1E400] =	vst v63  }
0xdc: {  	_ =	swait.ge [sflag:s0], $0x2000  }
0xdd: {  	s22 =	sadd.s32 $0x800, s17;
	[sflag:s0] =	ssyncset.done $0x0  }
0xde: {  	s20 =	simm.s32 $0xA400;
	s23 =	simm.s32 $0x4;
	[sflag:s0] =	ssyncadd.s32 $0xFFFFE000  }
0xdf: {  	[hbm4b:s22+s4] =	stream.linear.scatter [tilespmem:s20], [sflag:$0xF], $0x2000, $0x38;
	[tilespmem:$0x1E400] =	vst v63  }
0xe0: {  	_ =	swait.ge [sflag:s23], $0x2000  }
0xe1: {  	[sflag:s23] =	ssyncset.done $0x0  }
0xe2: {  	s24 =	sadd.s32 $0xC00, s17;
	s22 =	simm.s32 $0xC400;
	[sflag:s23] =	ssyncadd.s32 $0xFFFFE000  }
0xe3: {  	[hbm4b:s24+s4] =	stream.linear.scatter [tilespmem:s22], [sflag:$0x10], $0x2000, $0x38;
	[tilespmem:$0x1E400] =	vst v63  }
0xe4: {  	_ =	swait.ge [sflag:s31], $0x2000  }
0xe5: {  	[sflag:s31] =	ssyncset.done $0x0  }
0xe6: {  	s25 =	sadd.s32 $0x1000, s17;
	s23 =	simm.s32 $0xE400;
	[sflag:s31] =	ssyncadd.s32 $0xFFFFE000  }
0xe7: {  	[hbm4b:s25+s4] =	stream.linear.scatter [tilespmem:s23], [sflag:$0x11], $0x2000, $0x38;
	[tilespmem:$0x1E400] =	vst v63  }
0xe8: {  	_ =	swait.ge [sflag:s5], $0x2000  }
0xe9: {  	[sflag:s5] =	ssyncset.done $0x0  }
0xea: {  	s26 =	sadd.s32 $0x1400, s17;
	s24 =	simm.s32 $0x10400;
	[sflag:s5] =	ssyncadd.s32 $0xFFFFE000  }
0xeb: {  	[hbm4b:s26+s4] =	stream.linear.scatter [tilespmem:s24], [sflag:$0x12], $0x2000, $0x38;
	[tilespmem:$0x1E400] =	vst v63  }
0xec: {  	_ =	swait.ge [sflag:s6], $0x2000  }
0xed: {  	[sflag:s6] =	ssyncset.done $0x0  }
0xee: {  	s14 =	sadd.s32 $0x1800, s17;
	s25 =	simm.s32 $0x12400;
	[sflag:s6] =	ssyncadd.s32 $0xFFFFE000  }
0xef: {  	[hbm4b:s14+s4] =	stream.linear.scatter [tilespmem:s25], [sflag:$0x13], $0x2000, $0x38;
	[tilespmem:$0x1E400] =	vst v63  }
0xf0: {  	_ =	swait.ge [sflag:s7], $0x2000  }
0xf1: {  	[sflag:s7] =	ssyncset.done $0x0  }
0xf2: {  	s15 =	sadd.s32 $0x1C00, s17;
	s26 =	simm.s32 $0x14400;
	[sflag:s7] =	ssyncadd.s32 $0xFFFFE000  }
0xf3: {  	[hbm4b:s15+s4] =	stream.linear.scatter [tilespmem:s26], [sflag:$0x14], $0x2000, $0x38;
	[tilespmem:$0x1E400] =	vst v63  }
0xf4: {  	_ =	swait.ge [sflag:s8], $0x2000  }
0xf5: {  	[sflag:s8] =	ssyncset.done $0x0  }
0xf6: {  	s19 =	sadd.s32 $0x2000, s17;
	s28 =	simm.s32 $0x16400;
	[sflag:s8] =	ssyncadd.s32 $0xFFFFE000  }
0xf7: {  	[hbm4b:s19+s4] =	stream.linear.scatter [tilespmem:s28], [sflag:$0x15], $0x2000, $0x38;
	[tilespmem:$0x1E400] =	vst v63  }
0xf8: {  	_ =	swait.ge [sflag:s9], $0x2000  }
0xf9: {  	[sflag:s9] =	ssyncset.done $0x0  }
0xfa: {  	s29 =	simm.s32 $0x18400;
	s14 =	sadd.s32 $0x2400, s17;
	[sflag:s9] =	ssyncadd.s32 $0xFFFFE000  }
0xfb: {  	[hbm4b:s14+s4] =	stream.linear.scatter [tilespmem:s29], [sflag:$0x16], $0x2000, $0x38;
	[tilespmem:$0x1E400] =	vst v63  }
0xfc: {  	_ =	swait.ge [sflag:s10], $0x2000  }
0xfd: {  	[sflag:s10] =	ssyncset.done $0x0  }
0xfe: {  	s15 =	sadd.s32 $0x2800, s17;
	s14 =	simm.s32 $0x1A400;
	[sflag:s10] =	ssyncadd.s32 $0xFFFFE000  }
0xff: {  	[hbm4b:s15+s4] =	stream.linear.scatter [tilespmem:s14], [sflag:$0x17], $0x2000, $0x38;
	[tilespmem:$0x1E400] =	vst v63  }
0x100: {  	s18 =	smov.u32 s12;
	_ =	swait.ge [sflag:s1], $0x2000  }
0x101: {  	s11 =	sshra.s32 s18, $0x2;
	[sflag:s1] =	ssyncset.done $0x0  }
0x102: {  	s19 =	sadd.s32 $0x2C00, s17;
	s15 =	simm.s32 $0x1C400;
	[sflag:s1] =	ssyncadd.s32 $0xFFFFE000  }
0x103: {  	[hbm4b:s19+s4] =	stream.linear.scatter [tilespmem:s15], [sflag:$0x18], $0x2000, $0x38;
	[tilespmem:$0x1E400] =	vst v63  }
0x104: {  	v8 =	vld [tilespmem:s11+$0x30]  }
0x105: {  	v9 =	vld [tilespmem:s11+$0x20]  }
0x106: {  	v10 =	vld [tilespmem:s11+$0x10]  }
0x107: {  	v11 =	vld [tilespmem:s11+$0x0];
	_ =	sdelay $0x1  }
0x108: {  	v8 =	vshll.u32 v8, $0x7  }
0x109: {  	v9 =	vshll.u32 v9, $0x7;
	v8 =	vor.u32 v3, v8  }
0x10a: {  	v10 =	vshll.u32 v10, $0x7;
	v9 =	vor.u32 v2, v9;
	[tilespmem:s11+$0x30] =	vst v8  }
0x10b: {  	v10 =	vor.u32 v1, v10;
	v8 =	vshll.u32 v11, $0x7;
	[tilespmem:s11+$0x20] =	vst v9  }
0x10c: {  	p1 =	seq.s32 s18, $0x0;
	[tilespmem:s11+$0x10] =	vst v10;
	v8 =	vor.u32 v0, v8  }
0x10d: {  	s17 =	simm.s32 @!p1 $0xD;
	[tilespmem:s11+$0x0] =	vst v8  }
0x10e: {  	_ =	swait.ge @!p1 [sflag:s17], $0x2000  }
0x10f: {  	[sflag:s17] =	ssyncset.done @!p1 $0x0  }
0x110: {  	s19 =	simm.s32 $0x6400;
	[sflag:s17] =	ssyncadd.s32 @!p1 $0xFFFFE000  }
0x111: {  	[tilespmem:s19], [sflag:$0x1] =	stream.indirect.gather [spmem:s3], $0x80, s11, s16, $0xb8;
	[tilespmem:$0x1E400] =	vst v63  }
0x112: {  	v8 =	vld [tilespmem:s11+$0x70]  }
0x113: {  	v19 =	vld [tilespmem:s11+$0x50]  }
0x114: {  	v18 =	vld [tilespmem:s11+$0x60]  }
0x115: {  	v20 =	vld [tilespmem:s11+$0x40];
	_ =	sdelay $0x1  }
0x116: {  	v8 =	vshll.u32 v8, $0x7  }
0x117: {  	v10 =	vshll.u32 v19, $0x7;
	v8 =	vor.u32 v7, v8  }
0x118: {  	v9 =	vshll.u32 v18, $0x7;
	v10 =	vor.u32 v5, v10;
	[tilespmem:s11+$0x70] =	vst v8  }
0x119: {  	v9 =	vor.u32 v6, v9;
	v8 =	vshll.u32 v20, $0x7;
	[tilespmem:s11+$0x50] =	vst v10  }
0x11a: {  	[tilespmem:s11+$0x60] =	vst v9;
	v8 =	vor.u32 v4, v8  }
0x11b: {  	s17 =	simm.s32 @!p1 $0xE;
	[tilespmem:s11+$0x40] =	vst v8  }
0x11c: {  	_ =	swait.ge @!p1 [sflag:s17], $0x2000  }
0x11d: {  	[sflag:s17] =	ssyncset.done @!p1 $0x0  }
0x11e: {  	s18 =	sadd.s32 $0x40, s11;
	[sflag:s17] =	ssyncadd.s32 @!p1 $0xFFFFE000  }
0x11f: {  	[tilespmem:s21], [sflag:$0x2] =	stream.indirect.gather [spmem:s3], $0x80, s18, s16, $0xb8;
	[tilespmem:$0x1E400] =	vst v63  }
0x120: {  	v8 =	vld [tilespmem:s11+$0x90]  }
0x121: {  	v23 =	vld [tilespmem:s11+$0x80]  }
0x122: {  	v21 =	vld [tilespmem:s11+$0xB0]  }
0x123: {  	v22 =	vld [tilespmem:s11+$0xA0];
	_ =	sdelay $0x1  }
0x124: {  	v8 =	vshll.u32 v8, $0x7  }
0x125: {  	v11 =	vshll.u32 v23, $0x7;
	v8 =	vor.u32 v1, v8  }
0x126: {  	v9 =	vshll.u32 v21, $0x7;
	v24 =	vor.u32 v0, v11;
	[tilespmem:s11+$0x90] =	vst v8  }
0x127: {  	v10 =	vshll.u32 v22, $0x7;
	v9 =	vor.u32 v3, v9;
	[tilespmem:s11+$0x80] =	vst v24  }
0x128: {  	v8 =	vor.u32 v2, v10;
	[tilespmem:s11+$0xB0] =	vst v9  }
0x129: {  	s17 =	simm.s32 @!p1 $0xF;
	[tilespmem:s11+$0xA0] =	vst v8  }
0x12a: {  	_ =	swait.ge @!p1 [sflag:s17], $0x2000  }
0x12b: {  	[sflag:s17] =	ssyncset.done @!p1 $0x0  }
0x12c: {  	s21 =	sadd.s32 $0x80, s11;
	[sflag:s17] =	ssyncadd.s32 @!p1 $0xFFFFE000  }
0x12d: {  	[tilespmem:s20], [sflag:$0x3] =	stream.indirect.gather [spmem:s3], $0x80, s21, s16, $0xb8;
	[tilespmem:$0x1E400] =	vst v63  }
0x12e: {  	v8 =	vld [tilespmem:s11+$0xD0]  }
0x12f: {  	v27 =	vld [tilespmem:s11+$0xC0]  }
0x130: {  	v25 =	vld [tilespmem:s11+$0xF0]  }
0x131: {  	v26 =	vld [tilespmem:s11+$0xE0];
	_ =	sdelay $0x1  }
0x132: {  	v8 =	vshll.u32 v8, $0x7  }
0x133: {  	v11 =	vshll.u32 v27, $0x7;
	v8 =	vor.u32 v5, v8  }
0x134: {  	v9 =	vshll.u32 v25, $0x7;
	v28 =	vor.u32 v4, v11;
	[tilespmem:s11+$0xD0] =	vst v8  }
0x135: {  	v10 =	vshll.u32 v26, $0x7;
	v9 =	vor.u32 v7, v9;
	[tilespmem:s11+$0xC0] =	vst v28  }
0x136: {  	v8 =	vor.u32 v6, v10;
	[tilespmem:s11+$0xF0] =	vst v9  }
0x137: {  	s17 =	simm.s32 @!p1 $0x10;
	[tilespmem:s11+$0xE0] =	vst v8  }
0x138: {  	_ =	swait.ge @!p1 [sflag:s17], $0x2000  }
0x139: {  	[sflag:s17] =	ssyncset.done @!p1 $0x0  }
0x13a: {  	s21 =	sadd.s32 $0xC0, s11;
	[sflag:s17] =	ssyncadd.s32 @!p1 $0xFFFFE000  }
0x13b: {  	[tilespmem:s22], [sflag:$0x4] =	stream.indirect.gather [spmem:s3], $0x80, s21, s16, $0xb8;
	[tilespmem:$0x1E400] =	vst v63  }
0x13c: {  	v8 =	vld [tilespmem:s11+$0x110]  }
0x13d: {  	v31 =	vld [tilespmem:s11+$0x100]  }
0x13e: {  	v29 =	vld [tilespmem:s11+$0x130]  }
0x13f: {  	v30 =	vld [tilespmem:s11+$0x120];
	_ =	sdelay $0x1  }
0x140: {  	v8 =	vshll.u32 v8, $0x7  }
0x141: {  	v11 =	vshll.u32 v31, $0x7;
	v8 =	vor.u32 v1, v8  }
0x142: {  	v9 =	vshll.u32 v29, $0x7;
	v32 =	vor.u32 v0, v11;
	[tilespmem:s11+$0x110] =	vst v8  }
0x143: {  	v10 =	vshll.u32 v30, $0x7;
	v9 =	vor.u32 v3, v9;
	[tilespmem:s11+$0x100] =	vst v32  }
0x144: {  	v8 =	vor.u32 v2, v10;
	[tilespmem:s11+$0x130] =	vst v9  }
0x145: {  	s17 =	simm.s32 @!p1 $0x11;
	[tilespmem:s11+$0x120] =	vst v8  }
0x146: {  	_ =	swait.ge @!p1 [sflag:s17], $0x2000  }
0x147: {  	[sflag:s17] =	ssyncset.done @!p1 $0x0  }
0x148: {  	s22 =	sadd.s32 $0x100, s11;
	[sflag:s17] =	ssyncadd.s32 @!p1 $0xFFFFE000  }
0x149: {  	[tilespmem:s23], [sflag:$0x5] =	stream.indirect.gather [spmem:s3], $0x80, s22, s16, $0xb8;
	[tilespmem:$0x1E400] =	vst v63  }
0x14a: {  	v8 =	vld [tilespmem:s11+$0x140]  }
0x14b: {  	v33 =	vld [tilespmem:s11+$0x150]  }
0x14c: {  	v34 =	vld [tilespmem:s11+$0x160]  }
0x14d: {  	v35 =	vld [tilespmem:s11+$0x170];
	_ =	sdelay $0x1  }
0x14e: {  	v8 =	vshll.u32 v8, $0x7  }
0x14f: {  	v9 =	vshll.u32 v33, $0x7;
	v8 =	vor.u32 v4, v8  }
0x150: {  	v36 =	vshll.u32 v34, $0x7;
	[tilespmem:s11+$0x140] =	vst v8;
	v8 =	vor.u32 v5, v9  }
0x151: {  	v37 =	vshll.u32 v35, $0x7;
	[tilespmem:s11+$0x150] =	vst v8;
	v8 =	vor.u32 v6, v36  }
0x152: {  	[tilespmem:s11+$0x160] =	vst v8;
	v8 =	vor.u32 v7, v37  }
0x153: {  	s17 =	simm.s32 @!p1 $0x12;
	[tilespmem:s11+$0x170] =	vst v8  }
0x154: {  	_ =	swait.ge @!p1 [sflag:s17], $0x2000  }
0x155: {  	[sflag:s17] =	ssyncset.done @!p1 $0x0  }
0x156: {  	s23 =	sadd.s32 $0x140, s11;
	[sflag:s17] =	ssyncadd.s32 @!p1 $0xFFFFE000  }
0x157: {  	[tilespmem:s24], [sflag:$0x6] =	stream.indirect.gather [spmem:s3], $0x80, s23, s16, $0xb8;
	[tilespmem:$0x1E400] =	vst v63  }
0x158: {  	v8 =	vld [tilespmem:s11+$0x1B0]  }
0x159: {  	v38 =	vld [tilespmem:s11+$0x190]  }
0x15a: {  	v39 =	vld [tilespmem:s11+$0x1A0]  }
0x15b: {  	v40 =	vld [tilespmem:s11+$0x180];
	_ =	sdelay $0x1  }
0x15c: {  	v8 =	vshll.u32 v8, $0x7  }
0x15d: {  	v9 =	vshll.u32 v38, $0x7;
	v8 =	vor.u32 v3, v8  }
0x15e: {  	v10 =	vshll.u32 v39, $0x7;
	v9 =	vor.u32 v1, v9;
	[tilespmem:s11+$0x1B0] =	vst v8  }
0x15f: {  	v41 =	vor.u32 v2, v10;
	v8 =	vshll.u32 v40, $0x7;
	[tilespmem:s11+$0x190] =	vst v9  }
0x160: {  	[tilespmem:s11+$0x1A0] =	vst v41;
	v8 =	vor.u32 v0, v8  }
0x161: {  	s17 =	simm.s32 @!p1 $0x13;
	[tilespmem:s11+$0x180] =	vst v8  }
0x162: {  	_ =	swait.ge @!p1 [sflag:s17], $0x2000  }
0x163: {  	[sflag:s17] =	ssyncset.done @!p1 $0x0  }
0x164: {  	s24 =	sadd.s32 $0x180, s11;
	[sflag:s17] =	ssyncadd.s32 @!p1 $0xFFFFE000  }
0x165: {  	[tilespmem:s25], [sflag:$0x7] =	stream.indirect.gather [spmem:s3], $0x80, s24, s16, $0xb8;
	[tilespmem:$0x1E400] =	vst v63  }
0x166: {  	v42 =	vld [tilespmem:s11+$0x1D0]  }
0x167: {  	v8 =	vld [tilespmem:s11+$0x1E0]  }
0x168: {  	v43 =	vld [tilespmem:s11+$0x1F0]  }
0x169: {  	v44 =	vld [tilespmem:s11+$0x1C0];
	_ =	sdelay $0x1  }
0x16a: {  	v9 =	vshll.u32 v42, $0x7  }
0x16b: {  	v8 =	vshll.u32 v8, $0x7;
	v9 =	vor.u32 v5, v9  }
0x16c: {  	v10 =	vshll.u32 v43, $0x7;
	v8 =	vor.u32 v6, v8;
	[tilespmem:s11+$0x1D0] =	vst v9  }
0x16d: {  	v11 =	vshll.u32 v44, $0x7;
	v45 =	vor.u32 v7, v10;
	[tilespmem:s11+$0x1E0] =	vst v8  }
0x16e: {  	v46 =	vor.u32 v4, v11;
	[tilespmem:s11+$0x1F0] =	vst v45  }
0x16f: {  	s17 =	simm.s32 @!p1 $0x14;
	[tilespmem:s11+$0x1C0] =	vst v46  }
0x170: {  	_ =	swait.ge @!p1 [sflag:s17], $0x2000  }
0x171: {  	[sflag:s17] =	ssyncset.done @!p1 $0x0  }
0x172: {  	s25 =	sadd.s32 $0x1C0, s11;
	[sflag:s17] =	ssyncadd.s32 @!p1 $0xFFFFE000  }
0x173: {  	[tilespmem:s26], [sflag:$0x8] =	stream.indirect.gather [spmem:s3], $0x80, s25, s16, $0xb8;
	[tilespmem:$0x1E400] =	vst v63  }
0x174: {  	v8 =	vld [tilespmem:s11+$0x210]  }
0x175: {  	v49 =	vld [tilespmem:s11+$0x200]  }
0x176: {  	v47 =	vld [tilespmem:s11+$0x230]  }
0x177: {  	v48 =	vld [tilespmem:s11+$0x220];
	_ =	sdelay $0x1  }
0x178: {  	v8 =	vshll.u32 v8, $0x7  }
0x179: {  	v11 =	vshll.u32 v49, $0x7;
	v8 =	vor.u32 v1, v8  }
0x17a: {  	v9 =	vshll.u32 v47, $0x7;
	v50 =	vor.u32 v0, v11;
	[tilespmem:s11+$0x210] =	vst v8  }
0x17b: {  	v10 =	vshll.u32 v48, $0x7;
	v9 =	vor.u32 v3, v9;
	[tilespmem:s11+$0x200] =	vst v50  }
0x17c: {  	v8 =	vor.u32 v2, v10;
	[tilespmem:s11+$0x230] =	vst v9  }
0x17d: {  	s17 =	simm.s32 @!p1 $0x15;
	[tilespmem:s11+$0x220] =	vst v8  }
0x17e: {  	_ =	swait.ge @!p1 [sflag:s17], $0x2000  }
0x17f: {  	[sflag:s17] =	ssyncset.done @!p1 $0x0  }
0x180: {  	s26 =	sadd.s32 $0x200, s11;
	[sflag:s17] =	ssyncadd.s32 @!p1 $0xFFFFE000  }
0x181: {  	[tilespmem:s28], [sflag:$0x9] =	stream.indirect.gather [spmem:s3], $0x80, s26, s16, $0xb8;
	[tilespmem:$0x1E400] =	vst v63  }
0x182: {  	v8 =	vld [tilespmem:s11+$0x250]  }
0x183: {  	v51 =	vld [tilespmem:s11+$0x240]  }
0x184: {  	v52 =	vld [tilespmem:s11+$0x260]  }
0x185: {  	v53 =	vld [tilespmem:s11+$0x270];
	_ =	sdelay $0x1  }
0x186: {  	v8 =	vshll.u32 v8, $0x7  }
0x187: {  	v9 =	vshll.u32 v51, $0x7;
	v8 =	vor.u32 v5, v8  }
0x188: {  	v10 =	vshll.u32 v52, $0x7;
	v9 =	vor.u32 v4, v9;
	[tilespmem:s11+$0x250] =	vst v8  }
0x189: {  	v54 =	vshll.u32 v53, $0x7;
	v8 =	vor.u32 v6, v10;
	[tilespmem:s11+$0x240] =	vst v9  }
0x18a: {  	[tilespmem:s11+$0x260] =	vst v8;
	v8 =	vor.u32 v7, v54  }
0x18b: {  	s17 =	simm.s32 @!p1 $0x16;
	[tilespmem:s11+$0x270] =	vst v8  }
0x18c: {  	_ =	swait.ge @!p1 [sflag:s17], $0x2000  }
0x18d: {  	[sflag:s17] =	ssyncset.done @!p1 $0x0  }
0x18e: {  	s20 =	sadd.s32 $0x240, s11;
	[sflag:s17] =	ssyncadd.s32 @!p1 $0xFFFFE000  }
0x18f: {  	[tilespmem:s29], [sflag:$0xA] =	stream.indirect.gather [spmem:s3], $0x80, s20, s16, $0xb8;
	[tilespmem:$0x1E400] =	vst v63  }
0x190: {  	v8 =	vld [tilespmem:s11+$0x280]  }
0x191: {  	v55 =	vld [tilespmem:s11+$0x290]  }
0x192: {  	v56 =	vld [tilespmem:s11+$0x2A0]  }
0x193: {  	v57 =	vld [tilespmem:s11+$0x2B0];
	_ =	sdelay $0x1  }
0x194: {  	v8 =	vshll.u32 v8, $0x7  }
0x195: {  	v9 =	vshll.u32 v55, $0x7;
	v8 =	vor.u32 v0, v8  }
0x196: {  	v58 =	vshll.u32 v56, $0x7;
	[tilespmem:s11+$0x280] =	vst v8;
	v8 =	vor.u32 v1, v9  }
0x197: {  	v59 =	vshll.u32 v57, $0x7;
	[tilespmem:s11+$0x290] =	vst v8;
	v8 =	vor.u32 v2, v58  }
0x198: {  	[tilespmem:s11+$0x2A0] =	vst v8;
	v8 =	vor.u32 v3, v59  }
0x199: {  	s17 =	simm.s32 @!p1 $0x17;
	[tilespmem:s11+$0x2B0] =	vst v8  }
0x19a: {  	_ =	swait.ge @!p1 [sflag:s17], $0x2000  }
0x19b: {  	[sflag:s17] =	ssyncset.done @!p1 $0x0  }
0x19c: {  	s20 =	sadd.s32 $0x280, s11;
	[sflag:s17] =	ssyncadd.s32 @!p1 $0xFFFFE000  }
0x19d: {  	[tilespmem:s14], [sflag:$0xB] =	stream.indirect.gather [spmem:s3], $0x80, s20, s16, $0xb8;
	[tilespmem:$0x1E400] =	vst v63  }
0x19e: {  	v8 =	vld [tilespmem:s11+$0x2F0]  }
0x19f: {  	v60 =	vld [tilespmem:s11+$0x2C0]  }
0x1a0: {  	v61 =	vld [tilespmem:s11+$0x2E0]  }
0x1a1: {  	v62 =	vld [tilespmem:s11+$0x2D0];
	_ =	sdelay $0x1  }
0x1a2: {  	v8 =	vshll.u32 v8, $0x7  }
0x1a3: {  	v9 =	vshll.u32 v60, $0x7;
	v8 =	vor.u32 v7, v8  }
0x1a4: {  	v10 =	vshll.u32 v61, $0x7;
	v9 =	vor.u32 v4, v9;
	[tilespmem:s11+$0x2F0] =	vst v8  }
0x1a5: {  	v63 =	vor.u32 v6, v10;
	[tilespmem:s11+$0x2C0] =	vst v9;
	v8 =	vshll.u32 v62, $0x7  }
0x1a6: {  	[tilespmem:s11+$0x2E0] =	vst v63;
	v8 =	vor.u32 v5, v8  }
0x1a7: {  	s12 =	sadd.s32 $0xC00, s12;
	s17 =	simm.s32 @!p1 $0x18;
	[tilespmem:s11+$0x2D0] =	vst v8  }
0x1a8: {  	s2 =	sadd.s32 $0x3000, s2;
	p0 =	sne.s32 s12, $0xFC00;
	_ =	swait.ge @!p1 [sflag:s17], $0x2000  }
0x1a9: {  	s13 =	smov.u32 s2;
	s18 =	simm.s32 $0x1;
	[sflag:s17] =	ssyncset.done @!p1 $0x0  }
0x1aa: {  	s21 =	simm.s32 $0xE400;
	s11 =	sadd.s32 $0x2C0, s11;
	[sflag:s17] =	ssyncadd.s32 @!p1 $0xFFFFE000  }
0x1ab: {  	[tilespmem:s15], [sflag:$0xC] =	stream.indirect.gather [spmem:s3], $0x80, s11, s16, $0xb8;
	[tilespmem:$0x1E400] =	vst v63  }
0x1ac: {  	s22 =	simm.s32 $0x10400;
	s23 =	simm.s32 $0x12400;
	_ =	swait.ge [sflag:s18], $0x2000  }
.Ltmp0:
0x1ad: {  	s20 =	rddreg [dreg:$0x5];
	[sflag:s18] =	ssyncset.done $0x0;
	(pc) =	sbr.rel @p0 .LBB2_2-.Ltmp0, $4  }
0x1ae: {  	s24 =	simm.s32 $0x14400;
	[sflag:s18] =	ssyncadd.s32 $0xFFFFE000;
	s17 =	sadd.s32 s2, s20  }
0x1af: {  	[hbm4b:s17+s4] =	stream.linear.scatter [tilespmem:s19], [sflag:$0xD], $0x2000, $0x38;
	[tilespmem:$0x1E400] =	vst v63  }
0x1b0: {  	s25 =	simm.s32 $0x16400;
	s26 =	simm.s32 $0x18400;
	_ =	swait.ge [sflag:s30], $0x2000  }
0x1b1: {  	s28 =	simm.s32 $0x1A400;
	s29 =	simm.s32 $0x1C400;
	s11 =	rddreg [dreg:$0x6]  }
0x1b2: {  	s14 =	simm.s32 $0x2  }
0x1b3: {  	[sflag:s14] =	ssyncset.done $0x0  }
0x1b4: {  	s2 =	sadd.s32 s13, s11;
	s12 =	simm.s32 $0x8400;
	[sflag:s14] =	ssyncadd.s32 $0xFFFFE000  }
0x1b5: {  	[hbm4b:s2+s4] =	stream.linear.scatter [tilespmem:s12], [sflag:$0xE], $0x2000, $0x38;
	[tilespmem:$0x1E400] =	vst v63  }
0x1b6: {  	_ =	swait.ge [sflag:s0], $0x2000  }
0x1b7: {  	s11 =	sadd.s32 $0x800, s17;
	[sflag:s0] =	ssyncset.done $0x0  }
0x1b8: {  	s18 =	simm.s32 $0xA400;
	s15 =	simm.s32 $0x4;
	[sflag:s0] =	ssyncadd.s32 $0xFFFFE000  }
0x1b9: {  	[hbm4b:s11+s4] =	stream.linear.scatter [tilespmem:s18], [sflag:$0xF], $0x2000, $0x38;
	[tilespmem:$0x1E400] =	vst v63  }
0x1ba: {  	_ =	swait.ge [sflag:s15], $0x2000  }
0x1bb: {  	[sflag:s15] =	ssyncset.done $0x0  }
0x1bc: {  	s13 =	sadd.s32 $0xC00, s17;
	s20 =	simm.s32 $0xC400;
	[sflag:s15] =	ssyncadd.s32 $0xFFFFE000  }
0x1bd: {  	[hbm4b:s13+s4] =	stream.linear.scatter [tilespmem:s20], [sflag:$0x10], $0x2000, $0x38;
	[tilespmem:$0x1E400] =	vst v63  }
0x1be: {  	_ =	swait.ge [sflag:s31], $0x2000  }
0x1bf: {  	[sflag:s31] =	ssyncset.done $0x0  }
0x1c0: {  	s19 =	sadd.s32 $0x1000, s17;
	[sflag:s31] =	ssyncadd.s32 $0xFFFFE000  }
0x1c1: {  	[hbm4b:s19+s4] =	stream.linear.scatter [tilespmem:s21], [sflag:$0x11], $0x2000, $0x38;
	[tilespmem:$0x1E400] =	vst v63  }
0x1c2: {  	_ =	swait.ge [sflag:s5], $0x2000  }
0x1c3: {  	[sflag:s5] =	ssyncset.done $0x0  }
0x1c4: {  	s11 =	sadd.s32 $0x1400, s17;
	[sflag:s5] =	ssyncadd.s32 $0xFFFFE000  }
0x1c5: {  	[hbm4b:s11+s4] =	stream.linear.scatter [tilespmem:s22], [sflag:$0x12], $0x2000, $0x38;
	[tilespmem:$0x1E400] =	vst v63  }
0x1c6: {  	_ =	swait.ge [sflag:s6], $0x2000  }
0x1c7: {  	[sflag:s6] =	ssyncset.done $0x0  }
0x1c8: {  	s13 =	sadd.s32 $0x1800, s17;
	[sflag:s6] =	ssyncadd.s32 $0xFFFFE000  }
0x1c9: {  	[hbm4b:s13+s4] =	stream.linear.scatter [tilespmem:s23], [sflag:$0x13], $0x2000, $0x38;
	[tilespmem:$0x1E400] =	vst v63  }
0x1ca: {  	_ =	swait.ge [sflag:s7], $0x2000  }
0x1cb: {  	[sflag:s7] =	ssyncset.done $0x0  }
0x1cc: {  	s19 =	sadd.s32 $0x1C00, s17;
	[sflag:s7] =	ssyncadd.s32 $0xFFFFE000  }
0x1cd: {  	[hbm4b:s19+s4] =	stream.linear.scatter [tilespmem:s24], [sflag:$0x14], $0x2000, $0x38;
	[tilespmem:$0x1E400] =	vst v63  }
0x1ce: {  	_ =	swait.ge [sflag:s8], $0x2000  }
0x1cf: {  	[sflag:s8] =	ssyncset.done $0x0  }
0x1d0: {  	s5 =	sadd.s32 $0x2000, s17;
	[sflag:s8] =	ssyncadd.s32 $0xFFFFE000  }
0x1d1: {  	[hbm4b:s5+s4] =	stream.linear.scatter [tilespmem:s25], [sflag:$0x15], $0x2000, $0x38;
	[tilespmem:$0x1E400] =	vst v63  }
0x1d2: {  	_ =	swait.ge [sflag:s9], $0x2000  }
0x1d3: {  	[sflag:s9] =	ssyncset.done $0x0  }
0x1d4: {  	s6 =	sadd.s32 $0x2400, s17;
	[sflag:s9] =	ssyncadd.s32 $0xFFFFE000  }
0x1d5: {  	[hbm4b:s6+s4] =	stream.linear.scatter [tilespmem:s26], [sflag:$0x16], $0x2000, $0x38;
	[tilespmem:$0x1E400] =	vst v63  }
0x1d6: {  	_ =	swait.ge [sflag:s10], $0x2000  }
0x1d7: {  	[sflag:s10] =	ssyncset.done $0x0  }
0x1d8: {  	s11 =	sadd.s32 $0x2800, s17;
	[sflag:s10] =	ssyncadd.s32 $0xFFFFE000  }
0x1d9: {  	[hbm4b:s11+s4] =	stream.linear.scatter [tilespmem:s28], [sflag:$0x17], $0x2000, $0x38;
	[tilespmem:$0x1E400] =	vst v63  }
0x1da: {  	_ =	swait.ge [sflag:s1], $0x2000  }
0x1db: {  	[sflag:s1] =	ssyncset.done $0x0  }
0x1dc: {  	s13 =	sadd.s32 $0x2C00, s17;
	[sflag:s1] =	ssyncadd.s32 $0xFFFFE000  }
0x1dd: {  	[hbm4b:s13+s4] =	stream.linear.scatter [tilespmem:s29], [sflag:$0x18], $0x2000, $0x38;
	[tilespmem:$0x1E400] =	vst v63  }
0x1de: {  	v8 =	vld [tilespmem:$0x3F00]  }
0x1df: {  	v9 =	vld [tilespmem:$0x3F10]  }
0x1e0: {  	v10 =	vld [tilespmem:$0x3F20]  }
0x1e1: {  	v11 =	vld [tilespmem:$0x3F30];
	_ =	sdelay $0x1  }
0x1e2: {  	v8 =	vshll.u32 v8, $0x7  }
0x1e3: {  	v9 =	vshll.u32 v9, $0x7;
	v8 =	vor.u32 v0, v8  }
0x1e4: {  	v47 =	vshll.u32 v10, $0x7;
	[tilespmem:$0x3F00] =	vst v8;
	v8 =	vor.u32 v1, v9  }
0x1e5: {  	v48 =	vshll.u32 v11, $0x7;
	[tilespmem:$0x3F10] =	vst v8;
	v8 =	vor.u32 v2, v47  }
0x1e6: {  	[tilespmem:$0x3F20] =	vst v8;
	v8 =	vor.u32 v3, v48  }
0x1e7: {  	s1 =	simm.s32 $0xD;
	[tilespmem:$0x3F30] =	vst v8  }
0x1e8: {  	_ =	swait.ge [sflag:s1], $0x2000  }
0x1e9: {  	s17 =	simm.s32 $0x6400;
	[sflag:s1] =	ssyncset.done $0x0  }
0x1ea: {  	s19 =	simm.s32 $0x3F00;
	s5 =	simm.s32 $0x1;
	[sflag:s1] =	ssyncadd.s32 $0xFFFFE000  }
0x1eb: {  	[tilespmem:s17], [sflag:$0x1] =	stream.indirect.gather [spmem:s3], $0x80, s19, s16, $0xb8;
	[tilespmem:$0x1E400] =	vst v63  }
0x1ec: {  	_ =	swait.ge [sflag:s5], $0x2000  }
0x1ed: {  	[sflag:s5] =	ssyncset.done $0x0  }
0x1ee: {  	s6 =	rddreg [dreg:$0xa];
	[sflag:s5] =	ssyncadd.s32 $0xFFFFE000  }
0x1ef: {  	[hbm4b:s6+s4] =	stream.linear.scatter [tilespmem:s17], [sflag:$0xD], $0x2000, $0x38;
	[tilespmem:$0x1E400] =	vst v63  }
0x1f0: {  	v8 =	vld [tilespmem:$0x3F40]  }
0x1f1: {  	v49 =	vld [tilespmem:$0x3F50]  }
0x1f2: {  	v50 =	vld [tilespmem:$0x3F60]  }
0x1f3: {  	v51 =	vld [tilespmem:$0x3F70];
	_ =	sdelay $0x1  }
0x1f4: {  	v8 =	vshll.u32 v8, $0x7  }
0x1f5: {  	v9 =	vshll.u32 v49, $0x7;
	v8 =	vor.u32 v4, v8  }
0x1f6: {  	v52 =	vshll.u32 v50, $0x7;
	[tilespmem:$0x3F40] =	vst v8;
	v8 =	vor.u32 v5, v9  }
0x1f7: {  	v53 =	vshll.u32 v51, $0x7;
	[tilespmem:$0x3F50] =	vst v8;
	v8 =	vor.u32 v6, v52  }
0x1f8: {  	[tilespmem:$0x3F60] =	vst v8;
	v8 =	vor.u32 v7, v53  }
0x1f9: {  	s5 =	simm.s32 $0xE;
	[tilespmem:$0x3F70] =	vst v8  }
0x1fa: {  	_ =	swait.ge [sflag:s5], $0x2000  }
0x1fb: {  	[sflag:s5] =	ssyncset.done $0x0  }
0x1fc: {  	s13 =	simm.s32 $0x3F40;
	[sflag:s5] =	ssyncadd.s32 $0xFFFFE000  }
0x1fd: {  	[tilespmem:s12], [sflag:$0x2] =	stream.indirect.gather [spmem:s3], $0x80, s13, s16, $0xb8;
	[tilespmem:$0x1E400] =	vst v63  }
0x1fe: {  	_ =	swait.ge [sflag:s14], $0x2000  }
0x1ff: {  	[sflag:s14] =	ssyncset.done $0x0  }
0x200: {  	s17 =	rddreg [dreg:$0xb];
	[sflag:s14] =	ssyncadd.s32 $0xFFFFE000  }
0x201: {  	[hbm4b:s17+s4] =	stream.linear.scatter [tilespmem:s12], [sflag:$0xE], $0x2000, $0x38;
	[tilespmem:$0x1E400] =	vst v63  }
0x202: {  	v8 =	vld [tilespmem:$0x3F80]  }
0x203: {  	v54 =	vld [tilespmem:$0x3F90]  }
0x204: {  	v55 =	vld [tilespmem:$0x3FA0]  }
0x205: {  	v56 =	vld [tilespmem:$0x3FB0];
	_ =	sdelay $0x1  }
0x206: {  	v8 =	vshll.u32 v8, $0x7  }
0x207: {  	v9 =	vshll.u32 v54, $0x7;
	v8 =	vor.u32 v0, v8  }
0x208: {  	v57 =	vshll.u32 v55, $0x7;
	[tilespmem:$0x3F80] =	vst v8;
	v8 =	vor.u32 v1, v9  }
0x209: {  	v58 =	vshll.u32 v56, $0x7;
	[tilespmem:$0x3F90] =	vst v8;
	v8 =	vor.u32 v2, v57  }
0x20a: {  	[tilespmem:$0x3FA0] =	vst v8;
	v8 =	vor.u32 v3, v58  }
0x20b: {  	s6 =	simm.s32 $0xF;
	[tilespmem:$0x3FB0] =	vst v8  }
0x20c: {  	_ =	swait.ge [sflag:s6], $0x2000  }
0x20d: {  	[sflag:s6] =	ssyncset.done $0x0  }
0x20e: {  	s19 =	simm.s32 $0x3F80;
	[sflag:s6] =	ssyncadd.s32 $0xFFFFE000  }
0x20f: {  	[tilespmem:s18], [sflag:$0x3] =	stream.indirect.gather [spmem:s3], $0x80, s19, s16, $0xb8;
	[tilespmem:$0x1E400] =	vst v63  }
0x210: {  	_ =	swait.ge [sflag:s0], $0x2000  }
0x211: {  	[sflag:s0] =	ssyncset.done $0x0  }
0x212: {  	s11 =	rddreg [dreg:$0xc];
	[sflag:s0] =	ssyncadd.s32 $0xFFFFE000  }
0x213: {  	[hbm4b:s11+s4] =	stream.linear.scatter [tilespmem:s18], [sflag:$0xF], $0x2000, $0x38;
	[tilespmem:$0x1E400] =	vst v63  }
0x214: {  	v8 =	vld [tilespmem:$0x3FC0]  }
0x215: {  	v59 =	vld [tilespmem:$0x3FD0]  }
0x216: {  	v60 =	vld [tilespmem:$0x3FE0]  }
0x217: {  	v61 =	vld [tilespmem:$0x3FF0];
	_ =	sdelay $0x1  }
0x218: {  	v8 =	vshll.u32 v8, $0x7  }
0x219: {  	v9 =	vshll.u32 v59, $0x7;
	v8 =	vor.u32 v4, v8  }
0x21a: {  	v62 =	vshll.u32 v60, $0x7;
	[tilespmem:$0x3FC0] =	vst v8;
	v8 =	vor.u32 v5, v9  }
0x21b: {  	v63 =	vshll.u32 v61, $0x7;
	[tilespmem:$0x3FD0] =	vst v8;
	v8 =	vor.u32 v6, v62  }
0x21c: {  	[tilespmem:$0x3FE0] =	vst v8;
	v8 =	vor.u32 v7, v63  }
0x21d: {  	s12 =	simm.s32 $0x10;
	[tilespmem:$0x3FF0] =	vst v8  }
0x21e: {  	_ =	swait.ge [sflag:s12], $0x2000  }
0x21f: {  	[sflag:s12] =	ssyncset.done $0x0  }
0x220: {  	s14 =	simm.s32 $0x3FC0;
	[sflag:s12] =	ssyncadd.s32 $0xFFFFE000  }
0x221: {  	[tilespmem:s20], [sflag:$0x4] =	stream.indirect.gather [spmem:s3], $0x80, s14, s16, $0xb8;
	[tilespmem:$0x1E400] =	vst v63  }
0x222: {  	_ =	swait.ge [sflag:s15], $0x2000  }
0x223: {  	[sflag:s15] =	ssyncset.done $0x0  }
0x224: {  	s18 =	rddreg [dreg:$0xd];
	[sflag:s15] =	ssyncadd.s32 $0xFFFFE000  }
0x225: {  	[hbm4b:s18+s4] =	stream.linear.scatter [tilespmem:s20], [sflag:$0x10], $0x2000, $0x38;
	[tilespmem:$0x1E400] =	vst v63  }
0x226: {  	_ =	swait.ge [sflag:s1], $0x2000  }
0x227: {  	[sflag:s1] =	ssyncset.done $0x0  }
0x228: {  	[sflag:s1] =	ssyncadd.s32 $0xFFFFE000  }
0x229: {  	_ =	swait.ge [sflag:s5], $0x2000  }
0x22a: {  	[sflag:s5] =	ssyncset.done $0x0  }
0x22b: {  	[sflag:s5] =	ssyncadd.s32 $0xFFFFE000  }
0x22c: {  	_ =	swait.ge [sflag:s6], $0x2000  }
0x22d: {  	[sflag:s6] =	ssyncset.done $0x0  }
0x22e: {  	[sflag:s6] =	ssyncadd.s32 $0xFFFFE000  }
0x22f: {  	_ =	swait.ge [sflag:s12], $0x2000  }
0x230: {  	[sflag:s12] =	ssyncset.done $0x0  }
0x231: {  	s1 =	simm.s32 $0x11;
	[sflag:s12] =	ssyncadd.s32 $0xFFFFE000  }
0x232: {  	_ =	swait.ge [sflag:s1], $0x2000  }
0x233: {  	[sflag:s1] =	ssyncset.done $0x0  }
0x234: {  	s2 =	simm.s32 $0x12;
	[sflag:s1] =	ssyncadd.s32 $0xFFFFE000  }
0x235: {  	_ =	swait.ge [sflag:s2], $0x2000  }
0x236: {  	[sflag:s2] =	ssyncset.done $0x0  }
0x237: {  	s5 =	simm.s32 $0x13;
	[sflag:s2] =	ssyncadd.s32 $0xFFFFE000  }
0x238: {  	_ =	swait.ge [sflag:s5], $0x2000  }
0x239: {  	[sflag:s5] =	ssyncset.done $0x0  }
0x23a: {  	s6 =	simm.s32 $0x14;
	[sflag:s5] =	ssyncadd.s32 $0xFFFFE000  }
0x23b: {  	_ =	swait.ge [sflag:s6], $0x2000  }
0x23c: {  	[sflag:s6] =	ssyncset.done $0x0  }
0x23d: {  	s11 =	simm.s32 $0x15;
	[sflag:s6] =	ssyncadd.s32 $0xFFFFE000  }
0x23e: {  	_ =	swait.ge [sflag:s11], $0x2000  }
0x23f: {  	[sflag:s11] =	ssyncset.done $0x0  }
0x240: {  	s12 =	simm.s32 $0x16;
	[sflag:s11] =	ssyncadd.s32 $0xFFFFE000  }
0x241: {  	_ =	swait.ge [sflag:s12], $0x2000  }
0x242: {  	[sflag:s12] =	ssyncset.done $0x0  }
0x243: {  	s14 =	simm.s32 $0x17;
	[sflag:s12] =	ssyncadd.s32 $0xFFFFE000  }
0x244: {  	_ =	swait.ge [sflag:s14], $0x2000  }
0x245: {  	[sflag:s14] =	ssyncset.done $0x0  }
0x246: {  	s15 =	simm.s32 $0x18;
	[sflag:s14] =	ssyncadd.s32 $0xFFFFE000  }
0x247: {  	_ =	swait.ge [sflag:s15], $0x2000  }
0x248: {  	s18 =	rddreg [dreg:$0x10]  }
0x249: {  	s20 =	rddreg [dreg:$0xe];
	s1 =	sadd.s32 $0x1, s18  }
0x24a: {  	p0 =	sne.s32 s1, s20  }
.Ltmp1:
0x24b: {  	_ = 	snop;
	(pc) =	sbr.rel @p0 .LBB2_1-.Ltmp1, $3  }
0x24c: {  	_ =	sdelay $0x1  }
0x24d: {  	s13 =	simm.s32 $0x8400;
	[sflag:s15] =	ssyncset.done $0x0  }
0x24e: {  	s17 =	simm.s32 $0xA400;
	s19 =	simm.s32 $0xC400;
	[sflag:s15] =	ssyncadd.s32 $0xFFFFE000  }
0x24f: {  	_ =	sfence.sel $0x180000  }
0x250: {  	[bflag:$0x0] =	sbarrier.arrive $0xFFFF  }
0x251: {  	_ =	strace $0x90000047  }
0x252: {  	s0 =	stileid.u32;
	[bflag:$0x2] =	sbarrier.arrive $0xFFFF  }
0x253: {  	p0 =	sne.s32 s0, $0x0;
	s0 =	rddreg [dreg:$0x4]  }
0x254: {  	s0 =	sadd.s32 @!p0 $0x100000, s0  }
0x255: {  	[sflag:s0] =	ssyncadd.tile.s32 @!p0 $0x1;
	_ =	shalt  }
.Lfunc_end2:
_tile_overlayer_lowered:
.L_overlay_start_2:
0x256: {  	(tag) =	ssettag $0x2  }
0x257: {  	s0 =	rddreg [dreg:$0x0];
	s2 =	stileid.u32  }
0x258: {  	s1 =	rddreg [dreg:$0x1];
	p0 =	sne.s32 s2, $0x0  }
0x259: {  	s3 =	rddreg [dreg:$0x2];
	[bflag:$0x3] =	sbarrier.arrive $0xFFFF;
	s2 =	simm.s32 @!p0 $0x1C19  }
0x25a: {  	[timem:s3], [sflag:s2] =	dma.local @!p0 [hbm:s0], s1  }
0x25b: {  	s0 =	simm.s32 @!p0 $0x19  }
0x25c: {  	_ =	swait.ge @!p0 [sflag:s0], s1  }
0x25d: {  	s1 =	ssub.s32 @!p0 $0x0, s1;
	[sflag:s0] =	ssyncset.done @!p0 $0x0  }
0x25e: {  	[sflag:s0] =	ssyncadd.s32 @!p0 s1  }
0x25f: {  	[bflag:$0x3] =	sbarrier.arrive $0xFFFF  }
0x260: {  	_ =	shalt  }

</sc_bundles>
